<compile_context>
chip_gen: v7x
topology: tpu7x:2x2x1
jax: 0.10.2.dev20260603
libtpu: 0.0.44.dev20260713+nightly
codegen_flags: <defaults>
</compile_context>

<pallas_src>
import functools

import jax
import jax.numpy as jnp
from jax import lax
from jax.experimental import pallas as pl
from jax.experimental.pallas import tpu as pltpu
from jax.experimental.pallas import tpu_sc as plsc

N = 10000
E = 320000
DIM = 128
EMB = 64
FIXED = 34
NTYPES = 44

NC = 2
NS = 16
L = 16
NW = NC * NS

EB = 128
NB = 80
EPW = NB * EB
EPAD = NW * EPW
NPAD = 10240
RPW = NPAD // NS
CPW = 632
NHP = NS * CPW

RB = 1000
NRB = N // RB



@functools.cache
def _build_sc_degree():
    mesh = plsc.VectorSubcoreMesh(core_axis_name="c", subcore_axis_name="s")
    return functools.partial(
        pl.kernel, mesh=mesh,
        out_type=jax.ShapeDtypeStruct((NC, NHP, L), jnp.float32),
        scratch_types=[
            pltpu.VMEM((NB, 2, EB), jnp.int32),
            pltpu.VMEM((EB, L), jnp.float32),
            pltpu.VMEM_SHARED((NPAD, L), jnp.float32),
            pltpu.SemaphoreType.DMA,
        ],
    )(_sc_degree_body)


def _sc_degree(edges):
    return _build_sc_degree()(edges)


def _sc_degree_body(edges_hbm, out_hbm, idx_v, buf_v, acc_sh, sem):
    c = lax.axis_index("c")
    s = lax.axis_index("s")
    w = c * NS + s

    @pl.loop(0, EB)
    def _(r):
        buf_v[r, :] = jnp.zeros((L,), jnp.float32)

    @pl.loop(0, RPW // EB)
    def _(j):
        pltpu.sync_copy(buf_v, acc_sh.at[pl.ds(s * RPW + j * EB, EB)])

    pltpu.sync_copy(edges_hbm.at[w], idx_v)
    plsc.subcore_barrier()

    @pl.loop(0, EB)
    def _(r):
        buf_v[r, :] = jnp.ones((L,), jnp.float32)

    @pl.loop(0, NB)
    def _(b):
        pltpu.sync_copy(buf_v, acc_sh.at[idx_v.at[b, 1]], add=True)

    plsc.subcore_barrier()
    row = pl.multiple_of(s * CPW, 8)
    pltpu.sync_copy(acc_sh.at[pl.ds(row, CPW)],
                    out_hbm.at[c, pl.ds(row, CPW)])


@functools.cache
def _build_sc_aggregate():
    mesh = plsc.VectorSubcoreMesh(core_axis_name="c", subcore_axis_name="s")
    return functools.partial(
        pl.kernel, mesh=mesh,
        out_type=jax.ShapeDtypeStruct((NC, NHP, DIM), jnp.float32),
        scratch_types=(
            [pltpu.VMEM((2, EB), jnp.int32) for _ in range(4)]
            + [pltpu.VMEM((EB, DIM), jnp.float32) for _ in range(2)]
            + [pltpu.SemaphoreType.DMA for _ in range(6)]
            + [pltpu.VMEM_SHARED((NPAD, DIM), jnp.float32)]
        ),
    )(_sc_aggregate_body)


def _sc_aggregate(hws, edges):
    return _build_sc_aggregate()(hws, edges)


def _sc_aggregate_body(hws_hbm, edges_hbm, out_hbm, *scratch):
    idx = scratch[:4]
    rows = scratch[4:6]
    isem = scratch[6:10]
    gsem = scratch[10:12]
    acc_sh = scratch[12]
    c = lax.axis_index("c")
    s = lax.axis_index("s")
    w = c * NS + s

    def idx_start(b, i):
        pltpu.make_async_copy(edges_hbm.at[w, b], idx[i], isem[i]).start()

    def idx_wait(b, i):
        pltpu.make_async_copy(edges_hbm.at[w, b], idx[i], isem[i]).wait()

    def gather_start(i, j):
        pltpu.make_async_copy(hws_hbm.at[idx[i].at[0]], rows[j], gsem[j]).start()

    def gather_wait(i, j):
        pltpu.make_async_copy(hws_hbm.at[idx[i].at[0]], rows[j], gsem[j]).wait()

    def scatter(i, j):
        pltpu.sync_copy(rows[j], acc_sh.at[idx[i].at[1]], add=True)

    def body(b, i4, j2, has_g=True, has_i=True):
        jn = 1 - j2
        gather_wait(i4, j2)
        if has_g:
            idx_wait(b + 1, (i4 + 1) % 4)
            gather_start((i4 + 1) % 4, jn)
        scatter(i4, j2)
        if has_i:
            idx_start(b + 2, (i4 + 2) % 4)

    idx_start(0, 0)
    idx_start(1, 1)
    idx_wait(0, 0)
    gather_start(0, 0)

    zb = rows[1]

    @pl.loop(0, EB)
    def _(r):
        @pl.loop(0, DIM // L)
        def _(j):
            zb[r, pl.ds(j * L, L)] = jnp.zeros((L,), jnp.float32)

    @pl.loop(0, RPW // EB)
    def _(j):
        pltpu.sync_copy(zb, acc_sh.at[pl.ds(s * RPW + j * EB, EB)])

    plsc.subcore_barrier()

    for b in range(4):
        body(b, b % 4, b % 2)

    @pl.loop(4, NB - 4, step=4)
    def _(g):
        for jj in range(4):
            body(g + jj, jj, jj % 2)

    for b in range(NB - 4, NB):
        body(b, b % 4, b % 2,
             has_g=(b + 1 < NB), has_i=(b + 2 < NB))

    plsc.subcore_barrier()
    row = pl.multiple_of(s * CPW, 8)
    pltpu.sync_copy(acc_sh.at[pl.ds(row, CPW)],
                    out_hbm.at[c, pl.ds(row, CPW)])



def _tc_front_a_body(x_ref, emb_ref, wl_ref, bl_ref, w1_ref, hw_ref):
    xb = x_ref[...]
    xt = xb[:, :NTYPES]
    m = jnp.max(xt, axis=1, keepdims=True)
    iota = lax.broadcasted_iota(jnp.int32, xt.shape, 1)
    idx = jnp.min(jnp.where(xt == m, iota, NTYPES), axis=1, keepdims=True)
    onehot = (iota == idx).astype(jnp.float32)
    table = jnp.dot(emb_ref[...], wl_ref[:EMB, :],
                    preferred_element_type=jnp.float32)
    h = jnp.dot(onehot, table, preferred_element_type=jnp.float32)
    h = h + jnp.dot(xb[:, NTYPES:], wl_ref[EMB:, :],
                    preferred_element_type=jnp.float32)
    h = jnp.maximum(h + bl_ref[...], 0.0)
    hw_ref[...] = jnp.dot(h, w1_ref[...], preferred_element_type=jnp.float32)


def _tc_front_a(x, atom_emb, W_lin, b_lin, W1):
    return pl.pallas_call(
        _tc_front_a_body,
        grid=(NRB,),
        in_specs=[
            pl.BlockSpec((RB, NTYPES + FIXED), lambda i: (i, 0)),
            pl.BlockSpec((NTYPES, EMB), lambda i: (0, 0)),
            pl.BlockSpec((EMB + FIXED, DIM), lambda i: (0, 0)),
            pl.BlockSpec((1, DIM), lambda i: (0, 0)),
            pl.BlockSpec((DIM, DIM), lambda i: (0, 0)),
        ],
        out_specs=pl.BlockSpec((RB, DIM), lambda i: (i, 0)),
        out_shape=jax.ShapeDtypeStruct((N, DIM), jnp.float32),
    )(x, atom_emb, W_lin, b_lin.reshape(1, DIM), W1)


def _tc_front_b_body(hist_ref, hw_ref, hws_ref, dinv_ref):
    deg = hist_ref[0, :, :1] + hist_ref[1, :, :1] + 1.0
    dinv = lax.rsqrt(deg)
    hws_ref[...] = hw_ref[...] * dinv
    dinv_ref[...] = dinv


def _tc_front_b(hist, hw):
    return pl.pallas_call(
        _tc_front_b_body,
        grid=(NRB,),
        in_specs=[
            pl.BlockSpec((NC, RB, L), lambda i: (0, i, 0)),
            pl.BlockSpec((RB, DIM), lambda i: (i, 0)),
        ],
        out_specs=[
            pl.BlockSpec((RB, DIM), lambda i: (i, 0)),
            pl.BlockSpec((RB, 1), lambda i: (i, 0)),
        ],
        out_shape=[
            jax.ShapeDtypeStruct((N, DIM), jnp.float32),
            jax.ShapeDtypeStruct((N, 1), jnp.float32),
        ],
    )(hist, hw)


def _tc_mid_body(a_ref, hws_ref, dinv_ref, b_ref, w_ref, out_ref):
    dinv = dinv_ref[...]
    h = dinv * (a_ref[0] + a_ref[1] + hws_ref[...]) + b_ref[...]
    h = jnp.maximum(h, 0.0)
    out_ref[...] = jnp.dot(h, w_ref[...], preferred_element_type=jnp.float32) * dinv


def _tc_mid(acc, hws, dinv, b, W):
    return pl.pallas_call(
        _tc_mid_body,
        grid=(NRB,),
        in_specs=[
            pl.BlockSpec((NC, RB, DIM), lambda i: (0, i, 0)),
            pl.BlockSpec((RB, DIM), lambda i: (i, 0)),
            pl.BlockSpec((RB, 1), lambda i: (i, 0)),
            pl.BlockSpec((1, DIM), lambda i: (0, 0)),
            pl.BlockSpec((DIM, DIM), lambda i: (0, 0)),
        ],
        out_specs=pl.BlockSpec((RB, DIM), lambda i: (i, 0)),
        out_shape=jax.ShapeDtypeStruct((N, DIM), jnp.float32),
    )(acc, hws, dinv, b.reshape(1, DIM), W)


def _tc_final_body(a_ref, hws_ref, dinv_ref, b_ref, out_ref):
    h = dinv_ref[...] * (a_ref[0] + a_ref[1] + hws_ref[...]) + b_ref[...]
    out_ref[...] = jnp.maximum(h, 0.0)


def _tc_final(acc, hws, dinv, b):
    return pl.pallas_call(
        _tc_final_body,
        grid=(NRB,),
        in_specs=[
            pl.BlockSpec((NC, RB, DIM), lambda i: (0, i, 0)),
            pl.BlockSpec((RB, DIM), lambda i: (i, 0)),
            pl.BlockSpec((RB, 1), lambda i: (i, 0)),
            pl.BlockSpec((1, DIM), lambda i: (0, 0)),
        ],
        out_specs=pl.BlockSpec((RB, DIM), lambda i: (i, 0)),
        out_shape=jax.ShapeDtypeStruct((N, DIM), jnp.float32),
    )(acc, hws, dinv, b.reshape(1, DIM))



def kernel(x, edge_index, batch, atom_emb, W_lin, b_lin, W1, b1, W2, b2):
    del batch
    pad = EPAD - E
    pad_src = (jnp.arange(pad, dtype=jnp.int32) * 127) % N
    pad_dst = N + (jnp.arange(pad, dtype=jnp.int32) % (NPAD - N))
    src_r = jnp.concatenate([edge_index[0], pad_src])
    dst_r = jnp.concatenate([edge_index[1], pad_dst])
    edges = jnp.stack([src_r.reshape(NW, NB, EB), dst_r.reshape(NW, NB, EB)],
                      axis=2)

    hw1 = _tc_front_a(x, atom_emb, W_lin, b_lin, W1)
    hist = _sc_degree(edges)
    hws1, dinv = _tc_front_b(hist, hw1)
    acc1 = _sc_aggregate(hws1, edges)
    hws2 = _tc_mid(acc1, hws1, dinv, b1, W2)
    acc2 = _sc_aggregate(hws2, edges)
    return _tc_final(acc2, hws2, dinv, b2)

# --- scband reference (transcript-rebuilt; emitter-appended) ---
"""Pipeline reference for scband-shared-molecular-feature-extractor-45251775431202 (READ-ONLY COPY).

The authoritative reference and input builder live on the scoring server;
editing this copy changes nothing except your own understanding.
"""

import jax, jax.numpy as jnp
import numpy as np

N = 10000
E = 320000
DIM = 128
EMB = 64
FIXED = 34
NTYPES = 44

def setup_inputs(seed: int = 0):
    key = jax.random.key(seed)
    ks = jax.random.split(key, 10)
    x = jax.random.normal(ks[0], (N, NTYPES + FIXED), dtype=jnp.float32)
    edge_index = jax.random.randint(ks[1], (2, E), 0, N, dtype=jnp.int32)
    batch = jnp.sort(jax.random.randint(ks[2], (N,), 0, 256, dtype=jnp.int32))
    atom_emb = jax.random.normal(ks[3], (NTYPES, EMB), dtype=jnp.float32) * 0.02
    W_lin = jax.random.normal(ks[4], (EMB + FIXED, DIM), dtype=jnp.float32) * (1.0 / np.sqrt(EMB + FIXED))
    b_lin = jnp.zeros((DIM,), dtype=jnp.float32)
    W1 = jax.random.normal(ks[5], (DIM, DIM), dtype=jnp.float32) * (1.0 / np.sqrt(DIM))
    b1 = jnp.zeros((DIM,), dtype=jnp.float32)
    W2 = jax.random.normal(ks[6], (DIM, DIM), dtype=jnp.float32) * (1.0 / np.sqrt(DIM))
    b2 = jnp.zeros((DIM,), dtype=jnp.float32)
    return {"x": x, "edge_index": edge_index, "batch": batch, "atom_emb": atom_emb, "W_lin": W_lin, "b_lin": b_lin, "W1": W1, "b1": b1, "W2": W2, "b2": b2}

def gcn_conv(h, edge_index, W, b, n):
    # PyG GCNConv: add self-loops, symmetric normalization, scatter-add aggregation
    loop = jnp.arange(n, dtype=edge_index.dtype)
    src = jnp.concatenate([edge_index[0], loop])
    dst = jnp.concatenate([edge_index[1], loop])
    deg = jnp.zeros((n,), dtype=jnp.float32).at[dst].add(1.0)
    dinv = jnp.where(deg > 0, 1.0 / jnp.sqrt(deg), 0.0)
    norm = dinv[src] * dinv[dst]
    hw = h @ W
    msg = hw[src] * norm[:, None]
    out = jnp.zeros((n, hw.shape[1]), dtype=jnp.float32).at[dst].add(msg)
    return out + b

def reference(x, edge_index, batch, atom_emb, W_lin, b_lin, W1, b1, W2, b2):
    n = x.shape[0]
    atom_type_idx = jnp.argmax(x[:, :NTYPES], axis=1)
    emb = atom_emb[atom_type_idx]
    h = jnp.concatenate([emb, x[:, NTYPES:]], axis=1)
    h = h @ W_lin + b_lin
    h = jax.nn.relu(h)
    # dropout is identity at inference
    h = gcn_conv(h, edge_index, W1, b1, n)
    h = jax.nn.relu(h)
    h = gcn_conv(h, edge_index, W2, b2, n)
    h = jax.nn.relu(h)
    return h

if __name__ == "__main__":
    import jax
    _d = setup_inputs()
    print(jax.jit(kernel)(*tuple(_d.values())))

</pallas_src>

<mosaic_0001>
#map = affine_map<(d0, d1) -> (0, 0, 0, 0)>
#map1 = affine_map<(d0, d1) -> (0, 0, 0)>
module attributes {stable_mosaic.version = 14 : i64} {
  func.func @_sc_degree_body(%arg0: i32, %arg1: i32, %arg2: memref<32x80x2x128xi32, #tpu.memory_space<hbm>>, %arg3: memref<2x10112x16xf32, #tpu.memory_space<hbm>>, %arg4: memref<80x2x128xi32, #tpu.memory_space<vmem>>, %arg5: memref<128x16xf32, #tpu.memory_space<vmem>>, %arg6: memref<10240x16xf32, #tpu.memory_space<vmem_shared>>, %arg7: memref<!tpu.dma_semaphore, #tpu.memory_space<semaphore_mem>>) attributes {dimension_semantics = [#tpu.dimension_semantics<core_parallel>, #tpu.dimension_semantics<subcore_parallel>], iteration_bounds = array<i64: 2, 16>, scalar_prefetch = 0 : i64, scratch_operands = 4 : i64, tpu.core_type = #tpu.core_type<sc_vector_subcore>, window_params = [{transform_indices = #map}, {transform_indices = #map1}]} {
    %mul3A = arith.constant 16 : i32
    %mul3A_0 = arith.muli %arg0, %mul3A : i32
    %add3A = arith.addi %mul3A_0, %arg1 : i32
    %scan3A = arith.constant 0 : i32
    %scan3A_1 = arith.constant 128 : i32
    %scan3A_2 = arith.addi %scan3A, %scan3A_1 : i32
    %scan3A_3 = arith.constant 1 : i32
    scf.for %scan3A_23 = %scan3A to %scan3A_2 step %scan3A_3  : i32 {
      %mul3A_24 = arith.constant 1 : i32
      %mul3A_25 = arith.muli %scan3A_23, %mul3A_24 : i32
      %add3A_26 = arith.constant 0 : i32
      %add3A_27 = arith.addi %add3A_26, %mul3A_25 : i32
      %broadcast_in_dim3A = arith.constant 0.000000e+00 : f32
      %broadcast_in_dim3A_28 = vector.broadcast %broadcast_in_dim3A : f32 to vector<16xf32>
      %swap3A = arith.index_cast %add3A_27 : i32 to index
      %swap3A_29 = arith.constant 0 : index
      %swap3A_30 = tpu.vector_load %arg5[%swap3A, %swap3A_29] {strides = array<i32>} : memref<128x16xf32, #tpu.memory_space<vmem>>, vector<1x16xf32>,
      %swap3A_31 = vector.shape_cast %swap3A_30 : vector<1x16xf32> to vector<16xf32>
      %swap3A_32 = vector.shape_cast %broadcast_in_dim3A_28 : vector<16xf32> to vector<1x16xf32>
      tpu.vector_store %arg5[%swap3A, %swap3A_29], %swap3A_32 {strides = array<i32>} : memref<128x16xf32, #tpu.memory_space<vmem>>, vector<1x16xf32>,
    }
    %scan3A_4 = arith.constant 128 : i32
    %scan3A_5 = arith.constant 0 : i32
    %scan3A_6 = arith.constant 5 : i32
    %scan3A_7 = arith.addi %scan3A_5, %scan3A_6 : i32
    %scan3A_8 = arith.constant 1 : i32
    scf.for %scan3A_23 = %scan3A_5 to %scan3A_7 step %scan3A_8  : i32 {
      %mul3A_24 = arith.constant 1 : i32
      %mul3A_25 = arith.muli %scan3A_23, %mul3A_24 : i32
      %add3A_26 = arith.constant 0 : i32
      %add3A_27 = arith.addi %add3A_26, %mul3A_25 : i32
      %mul3A_28 = arith.constant 640 : i32
      %mul3A_29 = arith.muli %arg1, %mul3A_28 : i32
      %mul3A_30 = arith.constant 128 : i32
      %mul3A_31 = arith.muli %add3A_27, %mul3A_30 : i32
      %add3A_32 = arith.addi %mul3A_29, %mul3A_31 : i32
      "tpu.region"() ({
        %run_scoped3A = tpu.sem_alloc : memref<!tpu.dma_semaphore, #tpu.memory_space<semaphore_mem>>
        %dma_start3A = arith.constant 0 : i32
        %dma_start3A_33 = tpu.memref_slice %arg6[%add3A_32, %dma_start3A] : memref<10240x16xf32, #tpu.memory_space<vmem_shared>> -> memref<128x16xf32, #tpu.memory_space<vmem_shared>>
        %dma_start3A_34 = arith.constant 0 : i32
        %dma_start3A_35 = tpu.memref_slice %arg6[%add3A_32, %dma_start3A_34] : memref<10240x16xf32, #tpu.memory_space<vmem_shared>> -> memref<128x16xf32, #tpu.memory_space<vmem_shared>>
        tpu.enqueue_dma source(%arg5 : memref<128x16xf32, #tpu.memory_space<vmem>>) target(%dma_start3A_35 : memref<128x16xf32, #tpu.memory_space<vmem_shared>>) target_semaphore(%run_scoped3A : memref<!tpu.dma_semaphore, #tpu.memory_space<semaphore_mem>>)
        %dma_wait3A = arith.constant 0 : i32
        %dma_wait3A_36 = tpu.memref_slice %arg6[%add3A_32, %dma_wait3A] : memref<10240x16xf32, #tpu.memory_space<vmem_shared>> -> memref<128x16xf32, #tpu.memory_space<vmem_shared>>
        %dma_wait3A_37 = arith.constant 0 : i32
        %dma_wait3A_38 = tpu.memref_slice %arg6[%add3A_32, %dma_wait3A_37] : memref<10240x16xf32, #tpu.memory_space<vmem_shared>> -> memref<128x16xf32, #tpu.memory_space<vmem_shared>>
        tpu.wait_dma2 semaphore(%run_scoped3A : memref<!tpu.dma_semaphore, #tpu.memory_space<semaphore_mem>>) src(%arg5 : memref<128x16xf32, #tpu.memory_space<vmem>>) dst(%dma_wait3A_38 : memref<128x16xf32, #tpu.memory_space<vmem_shared>>)
        tpu.yield
      }) : () -> ()
    }
    %scan3A_9 = arith.constant 5 : i32
    "tpu.region"() ({
      %run_scoped3A = tpu.sem_alloc : memref<!tpu.dma_semaphore, #tpu.memory_space<semaphore_mem>>
      %dma_start3A = arith.constant 0 : i32
      %dma_start3A_23 = arith.constant 0 : i32
      %dma_start3A_24 = arith.constant 0 : i32
      %dma_start3A_25 = tpu.memref_slice %arg2[%add3A, %dma_start3A, %dma_start3A_23, %dma_start3A_24] : memref<32x80x2x128xi32, #tpu.memory_space<hbm>> -> memref<1x80x2x128xi32, #tpu.memory_space<hbm>>
      %dma_start3A_26 = tpu.memref_squeeze %dma_start3A_25 : memref<1x80x2x128xi32, #tpu.memory_space<hbm>> -> memref<80x2x128xi32, #tpu.memory_space<hbm>>
      %dma_start3A_27 = arith.constant 0 : i32
      %dma_start3A_28 = arith.constant 0 : i32
      %dma_start3A_29 = arith.constant 0 : i32
      %dma_start3A_30 = tpu.memref_slice %arg2[%add3A, %dma_start3A_27, %dma_start3A_28, %dma_start3A_29] : memref<32x80x2x128xi32, #tpu.memory_space<hbm>> -> memref<1x80x2x128xi32, #tpu.memory_space<hbm>>
      %dma_start3A_31 = tpu.memref_squeeze %dma_start3A_30 : memref<1x80x2x128xi32, #tpu.memory_space<hbm>> -> memref<80x2x128xi32, #tpu.memory_space<hbm>>
      tpu.enqueue_dma source(%dma_start3A_31 : memref<80x2x128xi32, #tpu.memory_space<hbm>>) target(%arg4 : memref<80x2x128xi32, #tpu.memory_space<vmem>>) target_semaphore(%run_scoped3A : memref<!tpu.dma_semaphore, #tpu.memory_space<semaphore_mem>>)
      %dma_wait3A = arith.constant 0 : i32
      %dma_wait3A_32 = arith.constant 0 : i32
      %dma_wait3A_33 = arith.constant 0 : i32
      %dma_wait3A_34 = tpu.memref_slice %arg2[%add3A, %dma_wait3A, %dma_wait3A_32, %dma_wait3A_33] : memref<32x80x2x128xi32, #tpu.memory_space<hbm>> -> memref<1x80x2x128xi32, #tpu.memory_space<hbm>>
      %dma_wait3A_35 = tpu.memref_squeeze %dma_wait3A_34 : memref<1x80x2x128xi32, #tpu.memory_space<hbm>> -> memref<80x2x128xi32, #tpu.memory_space<hbm>>
      %dma_wait3A_36 = arith.constant 0 : i32
      %dma_wait3A_37 = arith.constant 0 : i32
      %dma_wait3A_38 = arith.constant 0 : i32
      %dma_wait3A_39 = tpu.memref_slice %arg2[%add3A, %dma_wait3A_36, %dma_wait3A_37, %dma_wait3A_38] : memref<32x80x2x128xi32, #tpu.memory_space<hbm>> -> memref<1x80x2x128xi32, #tpu.memory_space<hbm>>
      %dma_wait3A_40 = tpu.memref_squeeze %dma_wait3A_39 : memref<1x80x2x128xi32, #tpu.memory_space<hbm>> -> memref<80x2x128xi32, #tpu.memory_space<hbm>>
      tpu.wait_dma2 semaphore(%run_scoped3A : memref<!tpu.dma_semaphore, #tpu.memory_space<semaphore_mem>>) src(%dma_wait3A_40 : memref<80x2x128xi32, #tpu.memory_space<hbm>>) dst(%arg4 : memref<80x2x128xi32, #tpu.memory_space<vmem>>)
      tpu.yield
    }) : () -> ()
    %barrier3A = arith.constant 0 : index
    tpu.barrier barrier_id(%barrier3A)
    %scan3A_10 = arith.constant 0 : i32
    %scan3A_11 = arith.constant 128 : i32
    %scan3A_12 = arith.addi %scan3A_10, %scan3A_11 : i32
    %scan3A_13 = arith.constant 1 : i32
    scf.for %scan3A_23 = %scan3A_10 to %scan3A_12 step %scan3A_13  : i32 {
      %mul3A_24 = arith.constant 1 : i32
      %mul3A_25 = arith.muli %scan3A_23, %mul3A_24 : i32
      %add3A_26 = arith.constant 0 : i32
      %add3A_27 = arith.addi %add3A_26, %mul3A_25 : i32
      %broadcast_in_dim3A = arith.constant 1.000000e+00 : f32
      %broadcast_in_dim3A_28 = vector.broadcast %broadcast_in_dim3A : f32 to vector<16xf32>
      %swap3A = arith.index_cast %add3A_27 : i32 to index
      %swap3A_29 = arith.constant 0 : index
      %swap3A_30 = tpu.vector_load %arg5[%swap3A, %swap3A_29] {strides = array<i32>} : memref<128x16xf32, #tpu.memory_space<vmem>>, vector<1x16xf32>,
      %swap3A_31 = vector.shape_cast %swap3A_30 : vector<1x16xf32> to vector<16xf32>
      %swap3A_32 = vector.shape_cast %broadcast_in_dim3A_28 : vector<16xf32> to vector<1x16xf32>
      tpu.vector_store %arg5[%swap3A, %swap3A_29], %swap3A_32 {strides = array<i32>} : memref<128x16xf32, #tpu.memory_space<vmem>>, vector<1x16xf32>,
    }
    %scan3A_14 = arith.constant 128 : i32
    %scan3A_15 = arith.constant 0 : i32
    %scan3A_16 = arith.constant 80 : i32
    %scan3A_17 = arith.addi %scan3A_15, %scan3A_16 : i32
    %scan3A_18 = arith.constant 1 : i32
    scf.for %scan3A_23 = %scan3A_15 to %scan3A_17 step %scan3A_18  : i32 {
      %mul3A_24 = arith.constant 1 : i32
      %mul3A_25 = arith.muli %scan3A_23, %mul3A_24 : i32
      %add3A_26 = arith.constant 0 : i32
      %add3A_27 = arith.addi %add3A_26, %mul3A_25 : i32
      %run_scoped3A = arith.constant 1 : i32
      "tpu.region"() ({
        %run_scoped3A_28 = tpu.sem_alloc : memref<!tpu.dma_semaphore, #tpu.memory_space<semaphore_mem>>
        %dma_start3A = arith.constant 0 : i32
        %dma_start3A_29 = tpu.memref_slice %arg4[%add3A_27, %run_scoped3A, %dma_start3A] : memref<80x2x128xi32, #tpu.memory_space<vmem>> -> memref<1x1x128xi32, #tpu.memory_space<vmem>>
        %dma_start3A_30 = tpu.memref_squeeze %dma_start3A_29 : memref<1x1x128xi32, #tpu.memory_space<vmem>> -> memref<128xi32, #tpu.memory_space<vmem>>
        %dma_start3A_31 = arith.constant 0 : i32
        %dma_start3A_32 = arith.constant 0 : i32
        %dma_start3A_33 = tpu.memref_slice %arg6[%dma_start3A_31, %dma_start3A_32] : memref<10240x16xf32, #tpu.memory_space<vmem_shared>> -> memref<10240x16xf32, #tpu.memory_space<vmem_shared>>
        tpu.enqueue_indirect_dma source(%arg5 : memref<128x16xf32, #tpu.memory_space<vmem>>) target(%dma_start3A_33 : memref<10240x16xf32, #tpu.memory_space<vmem_shared>>) offsets(%dma_start3A_30 : memref<128xi32, #tpu.memory_space<vmem>>) semaphore(%run_scoped3A_28 : memref<!tpu.dma_semaphore, #tpu.memory_space<semaphore_mem>>) {add = true}
        %dma_wait3A = arith.constant 0 : i32
        %dma_wait3A_34 = tpu.memref_slice %arg4[%add3A_27, %run_scoped3A, %dma_wait3A] : memref<80x2x128xi32, #tpu.memory_space<vmem>> -> memref<1x1x128xi32, #tpu.memory_space<vmem>>
        %dma_wait3A_35 = tpu.memref_squeeze %dma_wait3A_34 : memref<1x1x128xi32, #tpu.memory_space<vmem>> -> memref<128xi32, #tpu.memory_space<vmem>>
        %dma_wait3A_36 = arith.constant 0 : i32
        %dma_wait3A_37 = arith.constant 0 : i32
        %dma_wait3A_38 = tpu.memref_slice %arg6[%dma_wait3A_36, %dma_wait3A_37] : memref<10240x16xf32, #tpu.memory_space<vmem_shared>> -> memref<10240x16xf32, #tpu.memory_space<vmem_shared>>
        tpu.wait_indirect_dma semaphore(%run_scoped3A_28 : memref<!tpu.dma_semaphore, #tpu.memory_space<semaphore_mem>>) src(%arg5 : memref<128x16xf32, #tpu.memory_space<vmem>>) dst(%dma_wait3A_38 : memref<10240x16xf32, #tpu.memory_space<vmem_shared>>)
        tpu.yield
      }) : () -> ()
    }
    %scan3A_19 = arith.constant 80 : i32
    %barrier3A_20 = arith.constant 0 : index
    tpu.barrier barrier_id(%barrier3A_20)
    %mul3A_21 = arith.constant 632 : i32
    %mul3A_22 = arith.muli %arg1, %mul3A_21 : i32
    %multiple_of3A = tpu.assume_multiple %mul3A_22, 8 : i32
    "tpu.region"() ({
      %run_scoped3A = tpu.sem_alloc : memref<!tpu.dma_semaphore, #tpu.memory_space<semaphore_mem>>
      %dma_start3A = arith.constant 0 : i32
      %dma_start3A_23 = tpu.memref_slice %arg3[%arg0, %multiple_of3A, %dma_start3A] : memref<2x10112x16xf32, #tpu.memory_space<hbm>> -> memref<1x632x16xf32, #tpu.memory_space<hbm>>
      %dma_start3A_24 = tpu.memref_squeeze %dma_start3A_23 : memref<1x632x16xf32, #tpu.memory_space<hbm>> -> memref<632x16xf32, #tpu.memory_space<hbm>>
      %dma_start3A_25 = arith.constant 0 : i32
      %dma_start3A_26 = tpu.memref_slice %arg6[%multiple_of3A, %dma_start3A_25] : memref<10240x16xf32, #tpu.memory_space<vmem_shared>> -> memref<632x16xf32, #tpu.memory_space<vmem_shared>>
      tpu.enqueue_dma source(%dma_start3A_26 : memref<632x16xf32, #tpu.memory_space<vmem_shared>>) target(%dma_start3A_24 : memref<632x16xf32, #tpu.memory_space<hbm>>) target_semaphore(%run_scoped3A : memref<!tpu.dma_semaphore, #tpu.memory_space<semaphore_mem>>)
      %dma_wait3A = arith.constant 0 : i32
      %dma_wait3A_27 = tpu.memref_slice %arg3[%arg0, %multiple_of3A, %dma_wait3A] : memref<2x10112x16xf32, #tpu.memory_space<hbm>> -> memref<1x632x16xf32, #tpu.memory_space<hbm>>
      %dma_wait3A_28 = tpu.memref_squeeze %dma_wait3A_27 : memref<1x632x16xf32, #tpu.memory_space<hbm>> -> memref<632x16xf32, #tpu.memory_space<hbm>>
      %dma_wait3A_29 = arith.constant 0 : i32
      %dma_wait3A_30 = tpu.memref_slice %arg6[%multiple_of3A, %dma_wait3A_29] : memref<10240x16xf32, #tpu.memory_space<vmem_shared>> -> memref<632x16xf32, #tpu.memory_space<vmem_shared>>
      tpu.wait_dma2 semaphore(%run_scoped3A : memref<!tpu.dma_semaphore, #tpu.memory_space<semaphore_mem>>) src(%dma_wait3A_30 : memref<632x16xf32, #tpu.memory_space<vmem_shared>>) dst(%dma_wait3A_28 : memref<632x16xf32, #tpu.memory_space<hbm>>)
      tpu.yield
    }) : () -> ()
    return
  }
}

#map = affine_map<(d0, d1) -> (0, 0)>
#map1 = affine_map<(d0, d1) -> (0, 0, 0, 0)>
#map2 = affine_map<(d0, d1) -> (0, 0, 0)>
module attributes {stable_mosaic.version = 14 : i64} {
  func.func @_sc_aggregate_body(%arg0: i32, %arg1: i32, %arg2: memref<10000x128xf32, #tpu.memory_space<hbm>>, %arg3: memref<32x80x2x128xi32, #tpu.memory_space<hbm>>, %arg4: memref<2x10112x128xf32, #tpu.memory_space<hbm>>, %arg5: memref<2x128xi32, #tpu.memory_space<vmem>>, %arg6: memref<2x128xi32, #tpu.memory_space<vmem>>, %arg7: memref<2x128xi32, #tpu.memory_space<vmem>>, %arg8: memref<2x128xi32, #tpu.memory_space<vmem>>, %arg9: memref<128x128xf32, #tpu.memory_space<vmem>>, %arg10: memref<128x128xf32, #tpu.memory_space<vmem>>, %arg11: memref<!tpu.dma_semaphore, #tpu.memory_space<semaphore_mem>>, %arg12: memref<!tpu.dma_semaphore, #tpu.memory_space<semaphore_mem>>, %arg13: memref<!tpu.dma_semaphore, #tpu.memory_space<semaphore_mem>>, %arg14: memref<!tpu.dma_semaphore, #tpu.memory_space<semaphore_mem>>, %arg15: memref<!tpu.dma_semaphore, #tpu.memory_space<semaphore_mem>>, %arg16: memref<!tpu.dma_semaphore, #tpu.memory_space<semaphore_mem>>, %arg17: memref<10240x128xf32, #tpu.memory_space<vmem_shared>>) attributes {dimension_semantics = [#tpu.dimension_semantics<core_parallel>, #tpu.dimension_semantics<subcore_parallel>], iteration_bounds = array<i64: 2, 16>, scalar_prefetch = 0 : i64, scratch_operands = 13 : i64, tpu.core_type = #tpu.core_type<sc_vector_subcore>, window_params = [{transform_indices = #map}, {transform_indices = #map1}, {transform_indices = #map2}]} {
    %mul3A = arith.constant 16 : i32
    %mul3A_0 = arith.muli %arg0, %mul3A : i32
    %add3A = arith.addi %mul3A_0, %arg1 : i32
    %dma_start3A = arith.constant 0 : i32
    %dma_start3A_1 = arith.constant 0 : i32
    %dma_start3A_2 = arith.constant 0 : i32
    %dma_start3A_3 = tpu.memref_slice %arg3[%add3A, %dma_start3A, %dma_start3A_1, %dma_start3A_2] : memref<32x80x2x128xi32, #tpu.memory_space<hbm>> -> memref<1x1x2x128xi32, #tpu.memory_space<hbm>>
    %dma_start3A_4 = tpu.memref_squeeze %dma_start3A_3 : memref<1x1x2x128xi32, #tpu.memory_space<hbm>> -> memref<2x128xi32, #tpu.memory_space<hbm>>
    %dma_start3A_5 = arith.constant 0 : i32
    %dma_start3A_6 = arith.constant 0 : i32
    %dma_start3A_7 = tpu.memref_slice %arg3[%add3A, %dma_start3A, %dma_start3A_5, %dma_start3A_6] : memref<32x80x2x128xi32, #tpu.memory_space<hbm>> -> memref<1x1x2x128xi32, #tpu.memory_space<hbm>>
    %dma_start3A_8 = tpu.memref_squeeze %dma_start3A_7 : memref<1x1x2x128xi32, #tpu.memory_space<hbm>> -> memref<2x128xi32, #tpu.memory_space<hbm>>
    tpu.enqueue_dma source(%dma_start3A_8 : memref<2x128xi32, #tpu.memory_space<hbm>>) target(%arg5 : memref<2x128xi32, #tpu.memory_space<vmem>>) target_semaphore(%arg11 : memref<!tpu.dma_semaphore, #tpu.memory_space<semaphore_mem>>)
    %dma_start3A_9 = arith.constant 1 : i32
    %dma_start3A_10 = arith.constant 0 : i32
    %dma_start3A_11 = arith.constant 0 : i32
    %dma_start3A_12 = tpu.memref_slice %arg3[%add3A, %dma_start3A_9, %dma_start3A_10, %dma_start3A_11] : memref<32x80x2x128xi32, #tpu.memory_space<hbm>> -> memref<1x1x2x128xi32, #tpu.memory_space<hbm>>
    %dma_start3A_13 = tpu.memref_squeeze %dma_start3A_12 : memref<1x1x2x128xi32, #tpu.memory_space<hbm>> -> memref<2x128xi32, #tpu.memory_space<hbm>>
    %dma_start3A_14 = arith.constant 0 : i32
    %dma_start3A_15 = arith.constant 0 : i32
    %dma_start3A_16 = tpu.memref_slice %arg3[%add3A, %dma_start3A_9, %dma_start3A_14, %dma_start3A_15] : memref<32x80x2x128xi32, #tpu.memory_space<hbm>> -> memref<1x1x2x128xi32, #tpu.memory_space<hbm>>
    %dma_start3A_17 = tpu.memref_squeeze %dma_start3A_16 : memref<1x1x2x128xi32, #tpu.memory_space<hbm>> -> memref<2x128xi32, #tpu.memory_space<hbm>>
    tpu.enqueue_dma source(%dma_start3A_17 : memref<2x128xi32, #tpu.memory_space<hbm>>) target(%arg6 : memref<2x128xi32, #tpu.memory_space<vmem>>) target_semaphore(%arg12 : memref<!tpu.dma_semaphore, #tpu.memory_space<semaphore_mem>>)
    %dma_wait3A = arith.constant 0 : i32
    %dma_wait3A_18 = arith.constant 0 : i32
    %dma_wait3A_19 = arith.constant 0 : i32
    %dma_wait3A_20 = tpu.memref_slice %arg3[%add3A, %dma_wait3A, %dma_wait3A_18, %dma_wait3A_19] : memref<32x80x2x128xi32, #tpu.memory_space<hbm>> -> memref<1x1x2x128xi32, #tpu.memory_space<hbm>>
    %dma_wait3A_21 = tpu.memref_squeeze %dma_wait3A_20 : memref<1x1x2x128xi32, #tpu.memory_space<hbm>> -> memref<2x128xi32, #tpu.memory_space<hbm>>
    %dma_wait3A_22 = arith.constant 0 : i32
    %dma_wait3A_23 = arith.constant 0 : i32
    %dma_wait3A_24 = tpu.memref_slice %arg3[%add3A, %dma_wait3A, %dma_wait3A_22, %dma_wait3A_23] : memref<32x80x2x128xi32, #tpu.memory_space<hbm>> -> memref<1x1x2x128xi32, #tpu.memory_space<hbm>>
    %dma_wait3A_25 = tpu.memref_squeeze %dma_wait3A_24 : memref<1x1x2x128xi32, #tpu.memory_space<hbm>> -> memref<2x128xi32, #tpu.memory_space<hbm>>
    tpu.wait_dma2 semaphore(%arg11 : memref<!tpu.dma_semaphore, #tpu.memory_space<semaphore_mem>>) src(%dma_wait3A_25 : memref<2x128xi32, #tpu.memory_space<hbm>>) dst(%arg5 : memref<2x128xi32, #tpu.memory_space<vmem>>)
    %dma_start3A_26 = arith.constant 0 : i32
    %dma_start3A_27 = arith.constant 0 : i32
    %dma_start3A_28 = tpu.memref_slice %arg5[%dma_start3A_26, %dma_start3A_27] : memref<2x128xi32, #tpu.memory_space<vmem>> -> memref<1x128xi32, #tpu.memory_space<vmem>>
    %dma_start3A_29 = tpu.memref_squeeze %dma_start3A_28 : memref<1x128xi32, #tpu.memory_space<vmem>> -> memref<128xi32, #tpu.memory_space<vmem>>
    %dma_start3A_30 = arith.constant 0 : i32
    %dma_start3A_31 = arith.constant 0 : i32
    %dma_start3A_32 = tpu.memref_slice %arg2[%dma_start3A_30, %dma_start3A_31] : memref<10000x128xf32, #tpu.memory_space<hbm>> -> memref<10000x128xf32, #tpu.memory_space<hbm>>
    tpu.enqueue_indirect_dma source(%dma_start3A_32 : memref<10000x128xf32, #tpu.memory_space<hbm>>) target(%arg9 : memref<128x128xf32, #tpu.memory_space<vmem>>) offsets(%dma_start3A_29 : memref<128xi32, #tpu.memory_space<vmem>>) semaphore(%arg15 : memref<!tpu.dma_semaphore, #tpu.memory_space<semaphore_mem>>)
    %scan3A = arith.constant 0 : i32
    %scan3A_33 = arith.constant 128 : i32
    %scan3A_34 = arith.addi %scan3A, %scan3A_33 : i32
    %scan3A_35 = arith.constant 1 : i32
    scf.for %scan3A_279 = %scan3A to %scan3A_34 step %scan3A_35  : i32 {
      %mul3A_280 = arith.constant 1 : i32
      %mul3A_281 = arith.muli %scan3A_279, %mul3A_280 : i32
      %add3A_282 = arith.constant 0 : i32
      %add3A_283 = arith.addi %add3A_282, %mul3A_281 : i32
      %scan3A_284 = arith.constant 0 : i32
      %scan3A_285 = arith.constant 8 : i32
      %scan3A_286 = arith.addi %scan3A_284, %scan3A_285 : i32
      %scan3A_287 = arith.constant 1 : i32
      scf.for %scan3A_289 = %scan3A_284 to %scan3A_286 step %scan3A_287  : i32 {
        %mul3A_290 = arith.constant 1 : i32
        %mul3A_291 = arith.muli %scan3A_289, %mul3A_290 : i32
        %add3A_292 = arith.constant 0 : i32
        %add3A_293 = arith.addi %add3A_292, %mul3A_291 : i32
        %broadcast_in_dim3A = arith.constant 0.000000e+00 : f32
        %broadcast_in_dim3A_294 = vector.broadcast %broadcast_in_dim3A : f32 to vector<16xf32>
        %mul3A_295 = arith.constant 16 : i32
        %mul3A_296 = arith.muli %add3A_293, %mul3A_295 : i32
        %swap3A = arith.index_cast %add3A_283 : i32 to index
        %swap3A_297 = arith.index_cast %mul3A_296 : i32 to index
        %swap3A_298 = tpu.vector_load %arg10[%swap3A, %swap3A_297] {strides = array<i32>} : memref<128x128xf32, #tpu.memory_space<vmem>>, vector<1x16xf32>,
        %swap3A_299 = vector.shape_cast %swap3A_298 : vector<1x16xf32> to vector<16xf32>
        %swap3A_300 = vector.shape_cast %broadcast_in_dim3A_294 : vector<16xf32> to vector<1x16xf32>
        tpu.vector_store %arg10[%swap3A, %swap3A_297], %swap3A_300 {strides = array<i32>} : memref<128x128xf32, #tpu.memory_space<vmem>>, vector<1x16xf32>,
      }
      %scan3A_288 = arith.constant 8 : i32
    }
    %scan3A_36 = arith.constant 128 : i32
    %scan3A_37 = arith.constant 0 : i32
    %scan3A_38 = arith.constant 5 : i32
    %scan3A_39 = arith.addi %scan3A_37, %scan3A_38 : i32
    %scan3A_40 = arith.constant 1 : i32
    scf.for %scan3A_279 = %scan3A_37 to %scan3A_39 step %scan3A_40  : i32 {
      %mul3A_280 = arith.constant 1 : i32
      %mul3A_281 = arith.muli %scan3A_279, %mul3A_280 : i32
      %add3A_282 = arith.constant 0 : i32
      %add3A_283 = arith.addi %add3A_282, %mul3A_281 : i32
      %mul3A_284 = arith.constant 640 : i32
      %mul3A_285 = arith.muli %arg1, %mul3A_284 : i32
      %mul3A_286 = arith.constant 128 : i32
      %mul3A_287 = arith.muli %add3A_283, %mul3A_286 : i32
      %add3A_288 = arith.addi %mul3A_285, %mul3A_287 : i32
      "tpu.region"() ({
        %run_scoped3A_289 = tpu.sem_alloc : memref<!tpu.dma_semaphore, #tpu.memory_space<semaphore_mem>>
        %dma_start3A_290 = arith.constant 0 : i32
        %dma_start3A_291 = tpu.memref_slice %arg17[%add3A_288, %dma_start3A_290] : memref<10240x128xf32, #tpu.memory_space<vmem_shared>> -> memref<128x128xf32, #tpu.memory_space<vmem_shared>>
        %dma_start3A_292 = arith.constant 0 : i32
        %dma_start3A_293 = tpu.memref_slice %arg17[%add3A_288, %dma_start3A_292] : memref<10240x128xf32, #tpu.memory_space<vmem_shared>> -> memref<128x128xf32, #tpu.memory_space<vmem_shared>>
        tpu.enqueue_dma source(%arg10 : memref<128x128xf32, #tpu.memory_space<vmem>>) target(%dma_start3A_293 : memref<128x128xf32, #tpu.memory_space<vmem_shared>>) target_semaphore(%run_scoped3A_289 : memref<!tpu.dma_semaphore, #tpu.memory_space<semaphore_mem>>)
        %dma_wait3A_294 = arith.constant 0 : i32
        %dma_wait3A_295 = tpu.memref_slice %arg17[%add3A_288, %dma_wait3A_294] : memref<10240x128xf32, #tpu.memory_space<vmem_shared>> -> memref<128x128xf32, #tpu.memory_space<vmem_shared>>
        %dma_wait3A_296 = arith.constant 0 : i32
        %dma_wait3A_297 = tpu.memref_slice %arg17[%add3A_288, %dma_wait3A_296] : memref<10240x128xf32, #tpu.memory_space<vmem_shared>> -> memref<128x128xf32, #tpu.memory_space<vmem_shared>>
        tpu.wait_dma2 semaphore(%run_scoped3A_289 : memref<!tpu.dma_semaphore, #tpu.memory_space<semaphore_mem>>) src(%arg10 : memref<128x128xf32, #tpu.memory_space<vmem>>) dst(%dma_wait3A_297 : memref<128x128xf32, #tpu.memory_space<vmem_shared>>)
        tpu.yield
      }) : () -> ()
    }
    %scan3A_41 = arith.constant 5 : i32
    %barrier3A = arith.constant 0 : index
    tpu.barrier barrier_id(%barrier3A)
    %dma_wait3A_42 = arith.constant 0 : i32
    %dma_wait3A_43 = arith.constant 0 : i32
    %dma_wait3A_44 = tpu.memref_slice %arg5[%dma_wait3A_42, %dma_wait3A_43] : memref<2x128xi32, #tpu.memory_space<vmem>> -> memref<1x128xi32, #tpu.memory_space<vmem>>
    %dma_wait3A_45 = tpu.memref_squeeze %dma_wait3A_44 : memref<1x128xi32, #tpu.memory_space<vmem>> -> memref<128xi32, #tpu.memory_space<vmem>>
    %dma_wait3A_46 = arith.constant 0 : i32
    %dma_wait3A_47 = arith.constant 0 : i32
    %dma_wait3A_48 = tpu.memref_slice %arg2[%dma_wait3A_46, %dma_wait3A_47] : memref<10000x128xf32, #tpu.memory_space<hbm>> -> memref<10000x128xf32, #tpu.memory_space<hbm>>
    tpu.wait_indirect_dma semaphore(%arg15 : memref<!tpu.dma_semaphore, #tpu.memory_space<semaphore_mem>>) src(%dma_wait3A_48 : memref<10000x128xf32, #tpu.memory_space<hbm>>) dst(%arg9 : memref<128x128xf32, #tpu.memory_space<vmem>>)
    %dma_wait3A_49 = arith.constant 1 : i32
    %dma_wait3A_50 = arith.constant 0 : i32
    %dma_wait3A_51 = arith.constant 0 : i32
    %dma_wait3A_52 = tpu.memref_slice %arg3[%add3A, %dma_wait3A_49, %dma_wait3A_50, %dma_wait3A_51] : memref<32x80x2x128xi32, #tpu.memory_space<hbm>> -> memref<1x1x2x128xi32, #tpu.memory_space<hbm>>
    %dma_wait3A_53 = tpu.memref_squeeze %dma_wait3A_52 : memref<1x1x2x128xi32, #tpu.memory_space<hbm>> -> memref<2x128xi32, #tpu.memory_space<hbm>>
    %dma_wait3A_54 = arith.constant 0 : i32
    %dma_wait3A_55 = arith.constant 0 : i32
    %dma_wait3A_56 = tpu.memref_slice %arg3[%add3A, %dma_wait3A_49, %dma_wait3A_54, %dma_wait3A_55] : memref<32x80x2x128xi32, #tpu.memory_space<hbm>> -> memref<1x1x2x128xi32, #tpu.memory_space<hbm>>
    %dma_wait3A_57 = tpu.memref_squeeze %dma_wait3A_56 : memref<1x1x2x128xi32, #tpu.memory_space<hbm>> -> memref<2x128xi32, #tpu.memory_space<hbm>>
    tpu.wait_dma2 semaphore(%arg12 : memref<!tpu.dma_semaphore, #tpu.memory_space<semaphore_mem>>) src(%dma_wait3A_57 : memref<2x128xi32, #tpu.memory_space<hbm>>) dst(%arg6 : memref<2x128xi32, #tpu.memory_space<vmem>>)
    %dma_start3A_58 = arith.constant 0 : i32
    %dma_start3A_59 = arith.constant 0 : i32
    %dma_start3A_60 = tpu.memref_slice %arg6[%dma_start3A_58, %dma_start3A_59] : memref<2x128xi32, #tpu.memory_space<vmem>> -> memref<1x128xi32, #tpu.memory_space<vmem>>
    %dma_start3A_61 = tpu.memref_squeeze %dma_start3A_60 : memref<1x128xi32, #tpu.memory_space<vmem>> -> memref<128xi32, #tpu.memory_space<vmem>>
    %dma_start3A_62 = arith.constant 0 : i32
    %dma_start3A_63 = arith.constant 0 : i32
    %dma_start3A_64 = tpu.memref_slice %arg2[%dma_start3A_62, %dma_start3A_63] : memref<10000x128xf32, #tpu.memory_space<hbm>> -> memref<10000x128xf32, #tpu.memory_space<hbm>>
    tpu.enqueue_indirect_dma source(%dma_start3A_64 : memref<10000x128xf32, #tpu.memory_space<hbm>>) target(%arg10 : memref<128x128xf32, #tpu.memory_space<vmem>>) offsets(%dma_start3A_61 : memref<128xi32, #tpu.memory_space<vmem>>) semaphore(%arg16 : memref<!tpu.dma_semaphore, #tpu.memory_space<semaphore_mem>>)
    %run_scoped3A = arith.constant 1 : i32
    "tpu.region"() ({
      %run_scoped3A_279 = tpu.sem_alloc : memref<!tpu.dma_semaphore, #tpu.memory_space<semaphore_mem>>
      %dma_start3A_280 = arith.constant 0 : i32
      %dma_start3A_281 = tpu.memref_slice %arg5[%run_scoped3A, %dma_start3A_280] : memref<2x128xi32, #tpu.memory_space<vmem>> -> memref<1x128xi32, #tpu.memory_space<vmem>>
      %dma_start3A_282 = tpu.memref_squeeze %dma_start3A_281 : memref<1x128xi32, #tpu.memory_space<vmem>> -> memref<128xi32, #tpu.memory_space<vmem>>
      %dma_start3A_283 = arith.constant 0 : i32
      %dma_start3A_284 = arith.constant 0 : i32
      %dma_start3A_285 = tpu.memref_slice %arg17[%dma_start3A_283, %dma_start3A_284] : memref<10240x128xf32, #tpu.memory_space<vmem_shared>> -> memref<10240x128xf32, #tpu.memory_space<vmem_shared>>
      tpu.enqueue_indirect_dma source(%arg9 : memref<128x128xf32, #tpu.memory_space<vmem>>) target(%dma_start3A_285 : memref<10240x128xf32, #tpu.memory_space<vmem_shared>>) offsets(%dma_start3A_282 : memref<128xi32, #tpu.memory_space<vmem>>) semaphore(%run_scoped3A_279 : memref<!tpu.dma_semaphore, #tpu.memory_space<semaphore_mem>>) {add = true}
      %dma_wait3A_286 = arith.constant 0 : i32
      %dma_wait3A_287 = tpu.memref_slice %arg5[%run_scoped3A, %dma_wait3A_286] : memref<2x128xi32, #tpu.memory_space<vmem>> -> memref<1x128xi32, #tpu.memory_space<vmem>>
      %dma_wait3A_288 = tpu.memref_squeeze %dma_wait3A_287 : memref<1x128xi32, #tpu.memory_space<vmem>> -> memref<128xi32, #tpu.memory_space<vmem>>
      %dma_wait3A_289 = arith.constant 0 : i32
      %dma_wait3A_290 = arith.constant 0 : i32
      %dma_wait3A_291 = tpu.memref_slice %arg17[%dma_wait3A_289, %dma_wait3A_290] : memref<10240x128xf32, #tpu.memory_space<vmem_shared>> -> memref<10240x128xf32, #tpu.memory_space<vmem_shared>>
      tpu.wait_indirect_dma semaphore(%run_scoped3A_279 : memref<!tpu.dma_semaphore, #tpu.memory_space<semaphore_mem>>) src(%arg9 : memref<128x128xf32, #tpu.memory_space<vmem>>) dst(%dma_wait3A_291 : memref<10240x128xf32, #tpu.memory_space<vmem_shared>>)
      tpu.yield
    }) : () -> ()
    %dma_start3A_65 = arith.constant 2 : i32
    %dma_start3A_66 = arith.constant 0 : i32
    %dma_start3A_67 = arith.constant 0 : i32
    %dma_start3A_68 = tpu.memref_slice %arg3[%add3A, %dma_start3A_65, %dma_start3A_66, %dma_start3A_67] : memref<32x80x2x128xi32, #tpu.memory_space<hbm>> -> memref<1x1x2x128xi32, #tpu.memory_space<hbm>>
    %dma_start3A_69 = tpu.memref_squeeze %dma_start3A_68 : memref<1x1x2x128xi32, #tpu.memory_space<hbm>> -> memref<2x128xi32, #tpu.memory_space<hbm>>
    %dma_start3A_70 = arith.constant 0 : i32
    %dma_start3A_71 = arith.constant 0 : i32
    %dma_start3A_72 = tpu.memref_slice %arg3[%add3A, %dma_start3A_65, %dma_start3A_70, %dma_start3A_71] : memref<32x80x2x128xi32, #tpu.memory_space<hbm>> -> memref<1x1x2x128xi32, #tpu.memory_space<hbm>>
    %dma_start3A_73 = tpu.memref_squeeze %dma_start3A_72 : memref<1x1x2x128xi32, #tpu.memory_space<hbm>> -> memref<2x128xi32, #tpu.memory_space<hbm>>
    tpu.enqueue_dma source(%dma_start3A_73 : memref<2x128xi32, #tpu.memory_space<hbm>>) target(%arg7 : memref<2x128xi32, #tpu.memory_space<vmem>>) target_semaphore(%arg13 : memref<!tpu.dma_semaphore, #tpu.memory_space<semaphore_mem>>)
    %dma_wait3A_74 = arith.constant 0 : i32
    %dma_wait3A_75 = arith.constant 0 : i32
    %dma_wait3A_76 = tpu.memref_slice %arg6[%dma_wait3A_74, %dma_wait3A_75] : memref<2x128xi32, #tpu.memory_space<vmem>> -> memref<1x128xi32, #tpu.memory_space<vmem>>
    %dma_wait3A_77 = tpu.memref_squeeze %dma_wait3A_76 : memref<1x128xi32, #tpu.memory_space<vmem>> -> memref<128xi32, #tpu.memory_space<vmem>>
    %dma_wait3A_78 = arith.constant 0 : i32
    %dma_wait3A_79 = arith.constant 0 : i32
    %dma_wait3A_80 = tpu.memref_slice %arg2[%dma_wait3A_78, %dma_wait3A_79] : memref<10000x128xf32, #tpu.memory_space<hbm>> -> memref<10000x128xf32, #tpu.memory_space<hbm>>
    tpu.wait_indirect_dma semaphore(%arg16 : memref<!tpu.dma_semaphore, #tpu.memory_space<semaphore_mem>>) src(%dma_wait3A_80 : memref<10000x128xf32, #tpu.memory_space<hbm>>) dst(%arg10 : memref<128x128xf32, #tpu.memory_space<vmem>>)
    %dma_wait3A_81 = arith.constant 2 : i32
    %dma_wait3A_82 = arith.constant 0 : i32
    %dma_wait3A_83 = arith.constant 0 : i32
    %dma_wait3A_84 = tpu.memref_slice %arg3[%add3A, %dma_wait3A_81, %dma_wait3A_82, %dma_wait3A_83] : memref<32x80x2x128xi32, #tpu.memory_space<hbm>> -> memref<1x1x2x128xi32, #tpu.memory_space<hbm>>
    %dma_wait3A_85 = tpu.memref_squeeze %dma_wait3A_84 : memref<1x1x2x128xi32, #tpu.memory_space<hbm>> -> memref<2x128xi32, #tpu.memory_space<hbm>>
    %dma_wait3A_86 = arith.constant 0 : i32
    %dma_wait3A_87 = arith.constant 0 : i32
    %dma_wait3A_88 = tpu.memref_slice %arg3[%add3A, %dma_wait3A_81, %dma_wait3A_86, %dma_wait3A_87] : memref<32x80x2x128xi32, #tpu.memory_space<hbm>> -> memref<1x1x2x128xi32, #tpu.memory_space<hbm>>
    %dma_wait3A_89 = tpu.memref_squeeze %dma_wait3A_88 : memref<1x1x2x128xi32, #tpu.memory_space<hbm>> -> memref<2x128xi32, #tpu.memory_space<hbm>>
    tpu.wait_dma2 semaphore(%arg13 : memref<!tpu.dma_semaphore, #tpu.memory_space<semaphore_mem>>) src(%dma_wait3A_89 : memref<2x128xi32, #tpu.memory_space<hbm>>) dst(%arg7 : memref<2x128xi32, #tpu.memory_space<vmem>>)
    %dma_start3A_90 = arith.constant 0 : i32
    %dma_start3A_91 = arith.constant 0 : i32
    %dma_start3A_92 = tpu.memref_slice %arg7[%dma_start3A_90, %dma_start3A_91] : memref<2x128xi32, #tpu.memory_space<vmem>> -> memref<1x128xi32, #tpu.memory_space<vmem>>
    %dma_start3A_93 = tpu.memref_squeeze %dma_start3A_92 : memref<1x128xi32, #tpu.memory_space<vmem>> -> memref<128xi32, #tpu.memory_space<vmem>>
    %dma_start3A_94 = arith.constant 0 : i32
    %dma_start3A_95 = arith.constant 0 : i32
    %dma_start3A_96 = tpu.memref_slice %arg2[%dma_start3A_94, %dma_start3A_95] : memref<10000x128xf32, #tpu.memory_space<hbm>> -> memref<10000x128xf32, #tpu.memory_space<hbm>>
    tpu.enqueue_indirect_dma source(%dma_start3A_96 : memref<10000x128xf32, #tpu.memory_space<hbm>>) target(%arg9 : memref<128x128xf32, #tpu.memory_space<vmem>>) offsets(%dma_start3A_93 : memref<128xi32, #tpu.memory_space<vmem>>) semaphore(%arg15 : memref<!tpu.dma_semaphore, #tpu.memory_space<semaphore_mem>>)
    %run_scoped3A_97 = arith.constant 1 : i32
    "tpu.region"() ({
      %run_scoped3A_279 = tpu.sem_alloc : memref<!tpu.dma_semaphore, #tpu.memory_space<semaphore_mem>>
      %dma_start3A_280 = arith.constant 0 : i32
      %dma_start3A_281 = tpu.memref_slice %arg6[%run_scoped3A_97, %dma_start3A_280] : memref<2x128xi32, #tpu.memory_space<vmem>> -> memref<1x128xi32, #tpu.memory_space<vmem>>
      %dma_start3A_282 = tpu.memref_squeeze %dma_start3A_281 : memref<1x128xi32, #tpu.memory_space<vmem>> -> memref<128xi32, #tpu.memory_space<vmem>>
      %dma_start3A_283 = arith.constant 0 : i32
      %dma_start3A_284 = arith.constant 0 : i32
      %dma_start3A_285 = tpu.memref_slice %arg17[%dma_start3A_283, %dma_start3A_284] : memref<10240x128xf32, #tpu.memory_space<vmem_shared>> -> memref<10240x128xf32, #tpu.memory_space<vmem_shared>>
      tpu.enqueue_indirect_dma source(%arg10 : memref<128x128xf32, #tpu.memory_space<vmem>>) target(%dma_start3A_285 : memref<10240x128xf32, #tpu.memory_space<vmem_shared>>) offsets(%dma_start3A_282 : memref<128xi32, #tpu.memory_space<vmem>>) semaphore(%run_scoped3A_279 : memref<!tpu.dma_semaphore, #tpu.memory_space<semaphore_mem>>) {add = true}
      %dma_wait3A_286 = arith.constant 0 : i32
      %dma_wait3A_287 = tpu.memref_slice %arg6[%run_scoped3A_97, %dma_wait3A_286] : memref<2x128xi32, #tpu.memory_space<vmem>> -> memref<1x128xi32, #tpu.memory_space<vmem>>
      %dma_wait3A_288 = tpu.memref_squeeze %dma_wait3A_287 : memref<1x128xi32, #tpu.memory_space<vmem>> -> memref<128xi32, #tpu.memory_space<vmem>>
      %dma_wait3A_289 = arith.constant 0 : i32
      %dma_wait3A_290 = arith.constant 0 : i32
      %dma_wait3A_291 = tpu.memref_slice %arg17[%dma_wait3A_289, %dma_wait3A_290] : memref<10240x128xf32, #tpu.memory_space<vmem_shared>> -> memref<10240x128xf32, #tpu.memory_space<vmem_shared>>
      tpu.wait_indirect_dma semaphore(%run_scoped3A_279 : memref<!tpu.dma_semaphore, #tpu.memory_space<semaphore_mem>>) src(%arg10 : memref<128x128xf32, #tpu.memory_space<vmem>>) dst(%dma_wait3A_291 : memref<10240x128xf32, #tpu.memory_space<vmem_shared>>)
      tpu.yield
    }) : () -> ()
    %dma_start3A_98 = arith.constant 3 : i32
    %dma_start3A_99 = arith.constant 0 : i32
    %dma_start3A_100 = arith.constant 0 : i32
    %dma_start3A_101 = tpu.memref_slice %arg3[%add3A, %dma_start3A_98, %dma_start3A_99, %dma_start3A_100] : memref<32x80x2x128xi32, #tpu.memory_space<hbm>> -> memref<1x1x2x128xi32, #tpu.memory_space<hbm>>
    %dma_start3A_102 = tpu.memref_squeeze %dma_start3A_101 : memref<1x1x2x128xi32, #tpu.memory_space<hbm>> -> memref<2x128xi32, #tpu.memory_space<hbm>>
    %dma_start3A_103 = arith.constant 0 : i32
    %dma_start3A_104 = arith.constant 0 : i32
    %dma_start3A_105 = tpu.memref_slice %arg3[%add3A, %dma_start3A_98, %dma_start3A_103, %dma_start3A_104] : memref<32x80x2x128xi32, #tpu.memory_space<hbm>> -> memref<1x1x2x128xi32, #tpu.memory_space<hbm>>
    %dma_start3A_106 = tpu.memref_squeeze %dma_start3A_105 : memref<1x1x2x128xi32, #tpu.memory_space<hbm>> -> memref<2x128xi32, #tpu.memory_space<hbm>>
    tpu.enqueue_dma source(%dma_start3A_106 : memref<2x128xi32, #tpu.memory_space<hbm>>) target(%arg8 : memref<2x128xi32, #tpu.memory_space<vmem>>) target_semaphore(%arg14 : memref<!tpu.dma_semaphore, #tpu.memory_space<semaphore_mem>>)
    %dma_wait3A_107 = arith.constant 0 : i32
    %dma_wait3A_108 = arith.constant 0 : i32
    %dma_wait3A_109 = tpu.memref_slice %arg7[%dma_wait3A_107, %dma_wait3A_108] : memref<2x128xi32, #tpu.memory_space<vmem>> -> memref<1x128xi32, #tpu.memory_space<vmem>>
    %dma_wait3A_110 = tpu.memref_squeeze %dma_wait3A_109 : memref<1x128xi32, #tpu.memory_space<vmem>> -> memref<128xi32, #tpu.memory_space<vmem>>
    %dma_wait3A_111 = arith.constant 0 : i32
    %dma_wait3A_112 = arith.constant 0 : i32
    %dma_wait3A_113 = tpu.memref_slice %arg2[%dma_wait3A_111, %dma_wait3A_112] : memref<10000x128xf32, #tpu.memory_space<hbm>> -> memref<10000x128xf32, #tpu.memory_space<hbm>>
    tpu.wait_indirect_dma semaphore(%arg15 : memref<!tpu.dma_semaphore, #tpu.memory_space<semaphore_mem>>) src(%dma_wait3A_113 : memref<10000x128xf32, #tpu.memory_space<hbm>>) dst(%arg9 : memref<128x128xf32, #tpu.memory_space<vmem>>)
    %dma_wait3A_114 = arith.constant 3 : i32
    %dma_wait3A_115 = arith.constant 0 : i32
    %dma_wait3A_116 = arith.constant 0 : i32
    %dma_wait3A_117 = tpu.memref_slice %arg3[%add3A, %dma_wait3A_114, %dma_wait3A_115, %dma_wait3A_116] : memref<32x80x2x128xi32, #tpu.memory_space<hbm>> -> memref<1x1x2x128xi32, #tpu.memory_space<hbm>>
    %dma_wait3A_118 = tpu.memref_squeeze %dma_wait3A_117 : memref<1x1x2x128xi32, #tpu.memory_space<hbm>> -> memref<2x128xi32, #tpu.memory_space<hbm>>
    %dma_wait3A_119 = arith.constant 0 : i32
    %dma_wait3A_120 = arith.constant 0 : i32
    %dma_wait3A_121 = tpu.memref_slice %arg3[%add3A, %dma_wait3A_114, %dma_wait3A_119, %dma_wait3A_120] : memref<32x80x2x128xi32, #tpu.memory_space<hbm>> -> memref<1x1x2x128xi32, #tpu.memory_space<hbm>>
    %dma_wait3A_122 = tpu.memref_squeeze %dma_wait3A_121 : memref<1x1x2x128xi32, #tpu.memory_space<hbm>> -> memref<2x128xi32, #tpu.memory_space<hbm>>
    tpu.wait_dma2 semaphore(%arg14 : memref<!tpu.dma_semaphore, #tpu.memory_space<semaphore_mem>>) src(%dma_wait3A_122 : memref<2x128xi32, #tpu.memory_space<hbm>>) dst(%arg8 : memref<2x128xi32, #tpu.memory_space<vmem>>)
    %dma_start3A_123 = arith.constant 0 : i32
    %dma_start3A_124 = arith.constant 0 : i32
    %dma_start3A_125 = tpu.memref_slice %arg8[%dma_start3A_123, %dma_start3A_124] : memref<2x128xi32, #tpu.memory_space<vmem>> -> memref<1x128xi32, #tpu.memory_space<vmem>>
    %dma_start3A_126 = tpu.memref_squeeze %dma_start3A_125 : memref<1x128xi32, #tpu.memory_space<vmem>> -> memref<128xi32, #tpu.memory_space<vmem>>
    %dma_start3A_127 = arith.constant 0 : i32
    %dma_start3A_128 = arith.constant 0 : i32
    %dma_start3A_129 = tpu.memref_slice %arg2[%dma_start3A_127, %dma_start3A_128] : memref<10000x128xf32, #tpu.memory_space<hbm>> -> memref<10000x128xf32, #tpu.memory_space<hbm>>
    tpu.enqueue_indirect_dma source(%dma_start3A_129 : memref<10000x128xf32, #tpu.memory_space<hbm>>) target(%arg10 : memref<128x128xf32, #tpu.memory_space<vmem>>) offsets(%dma_start3A_126 : memref<128xi32, #tpu.memory_space<vmem>>) semaphore(%arg16 : memref<!tpu.dma_semaphore, #tpu.memory_space<semaphore_mem>>)
    %run_scoped3A_130 = arith.constant 1 : i32
    "tpu.region"() ({
      %run_scoped3A_279 = tpu.sem_alloc : memref<!tpu.dma_semaphore, #tpu.memory_space<semaphore_mem>>
      %dma_start3A_280 = arith.constant 0 : i32
      %dma_start3A_281 = tpu.memref_slice %arg7[%run_scoped3A_130, %dma_start3A_280] : memref<2x128xi32, #tpu.memory_space<vmem>> -> memref<1x128xi32, #tpu.memory_space<vmem>>
      %dma_start3A_282 = tpu.memref_squeeze %dma_start3A_281 : memref<1x128xi32, #tpu.memory_space<vmem>> -> memref<128xi32, #tpu.memory_space<vmem>>
      %dma_start3A_283 = arith.constant 0 : i32
      %dma_start3A_284 = arith.constant 0 : i32
      %dma_start3A_285 = tpu.memref_slice %arg17[%dma_start3A_283, %dma_start3A_284] : memref<10240x128xf32, #tpu.memory_space<vmem_shared>> -> memref<10240x128xf32, #tpu.memory_space<vmem_shared>>
      tpu.enqueue_indirect_dma source(%arg9 : memref<128x128xf32, #tpu.memory_space<vmem>>) target(%dma_start3A_285 : memref<10240x128xf32, #tpu.memory_space<vmem_shared>>) offsets(%dma_start3A_282 : memref<128xi32, #tpu.memory_space<vmem>>) semaphore(%run_scoped3A_279 : memref<!tpu.dma_semaphore, #tpu.memory_space<semaphore_mem>>) {add = true}
      %dma_wait3A_286 = arith.constant 0 : i32
      %dma_wait3A_287 = tpu.memref_slice %arg7[%run_scoped3A_130, %dma_wait3A_286] : memref<2x128xi32, #tpu.memory_space<vmem>> -> memref<1x128xi32, #tpu.memory_space<vmem>>
      %dma_wait3A_288 = tpu.memref_squeeze %dma_wait3A_287 : memref<1x128xi32, #tpu.memory_space<vmem>> -> memref<128xi32, #tpu.memory_space<vmem>>
      %dma_wait3A_289 = arith.constant 0 : i32
      %dma_wait3A_290 = arith.constant 0 : i32
      %dma_wait3A_291 = tpu.memref_slice %arg17[%dma_wait3A_289, %dma_wait3A_290] : memref<10240x128xf32, #tpu.memory_space<vmem_shared>> -> memref<10240x128xf32, #tpu.memory_space<vmem_shared>>
      tpu.wait_indirect_dma semaphore(%run_scoped3A_279 : memref<!tpu.dma_semaphore, #tpu.memory_space<semaphore_mem>>) src(%arg9 : memref<128x128xf32, #tpu.memory_space<vmem>>) dst(%dma_wait3A_291 : memref<10240x128xf32, #tpu.memory_space<vmem_shared>>)
      tpu.yield
    }) : () -> ()
    %dma_start3A_131 = arith.constant 4 : i32
    %dma_start3A_132 = arith.constant 0 : i32
    %dma_start3A_133 = arith.constant 0 : i32
    %dma_start3A_134 = tpu.memref_slice %arg3[%add3A, %dma_start3A_131, %dma_start3A_132, %dma_start3A_133] : memref<32x80x2x128xi32, #tpu.memory_space<hbm>> -> memref<1x1x2x128xi32, #tpu.memory_space<hbm>>
    %dma_start3A_135 = tpu.memref_squeeze %dma_start3A_134 : memref<1x1x2x128xi32, #tpu.memory_space<hbm>> -> memref<2x128xi32, #tpu.memory_space<hbm>>
    %dma_start3A_136 = arith.constant 0 : i32
    %dma_start3A_137 = arith.constant 0 : i32
    %dma_start3A_138 = tpu.memref_slice %arg3[%add3A, %dma_start3A_131, %dma_start3A_136, %dma_start3A_137] : memref<32x80x2x128xi32, #tpu.memory_space<hbm>> -> memref<1x1x2x128xi32, #tpu.memory_space<hbm>>
    %dma_start3A_139 = tpu.memref_squeeze %dma_start3A_138 : memref<1x1x2x128xi32, #tpu.memory_space<hbm>> -> memref<2x128xi32, #tpu.memory_space<hbm>>
    tpu.enqueue_dma source(%dma_start3A_139 : memref<2x128xi32, #tpu.memory_space<hbm>>) target(%arg5 : memref<2x128xi32, #tpu.memory_space<vmem>>) target_semaphore(%arg11 : memref<!tpu.dma_semaphore, #tpu.memory_space<semaphore_mem>>)
    %dma_wait3A_140 = arith.constant 0 : i32
    %dma_wait3A_141 = arith.constant 0 : i32
    %dma_wait3A_142 = tpu.memref_slice %arg8[%dma_wait3A_140, %dma_wait3A_141] : memref<2x128xi32, #tpu.memory_space<vmem>> -> memref<1x128xi32, #tpu.memory_space<vmem>>
    %dma_wait3A_143 = tpu.memref_squeeze %dma_wait3A_142 : memref<1x128xi32, #tpu.memory_space<vmem>> -> memref<128xi32, #tpu.memory_space<vmem>>
    %dma_wait3A_144 = arith.constant 0 : i32
    %dma_wait3A_145 = arith.constant 0 : i32
    %dma_wait3A_146 = tpu.memref_slice %arg2[%dma_wait3A_144, %dma_wait3A_145] : memref<10000x128xf32, #tpu.memory_space<hbm>> -> memref<10000x128xf32, #tpu.memory_space<hbm>>
    tpu.wait_indirect_dma semaphore(%arg16 : memref<!tpu.dma_semaphore, #tpu.memory_space<semaphore_mem>>) src(%dma_wait3A_146 : memref<10000x128xf32, #tpu.memory_space<hbm>>) dst(%arg10 : memref<128x128xf32, #tpu.memory_space<vmem>>)
    %dma_wait3A_147 = arith.constant 4 : i32
    %dma_wait3A_148 = arith.constant 0 : i32
    %dma_wait3A_149 = arith.constant 0 : i32
    %dma_wait3A_150 = tpu.memref_slice %arg3[%add3A, %dma_wait3A_147, %dma_wait3A_148, %dma_wait3A_149] : memref<32x80x2x128xi32, #tpu.memory_space<hbm>> -> memref<1x1x2x128xi32, #tpu.memory_space<hbm>>
    %dma_wait3A_151 = tpu.memref_squeeze %dma_wait3A_150 : memref<1x1x2x128xi32, #tpu.memory_space<hbm>> -> memref<2x128xi32, #tpu.memory_space<hbm>>
    %dma_wait3A_152 = arith.constant 0 : i32
    %dma_wait3A_153 = arith.constant 0 : i32
    %dma_wait3A_154 = tpu.memref_slice %arg3[%add3A, %dma_wait3A_147, %dma_wait3A_152, %dma_wait3A_153] : memref<32x80x2x128xi32, #tpu.memory_space<hbm>> -> memref<1x1x2x128xi32, #tpu.memory_space<hbm>>
    %dma_wait3A_155 = tpu.memref_squeeze %dma_wait3A_154 : memref<1x1x2x128xi32, #tpu.memory_space<hbm>> -> memref<2x128xi32, #tpu.memory_space<hbm>>
    tpu.wait_dma2 semaphore(%arg11 : memref<!tpu.dma_semaphore, #tpu.memory_space<semaphore_mem>>) src(%dma_wait3A_155 : memref<2x128xi32, #tpu.memory_space<hbm>>) dst(%arg5 : memref<2x128xi32, #tpu.memory_space<vmem>>)
    %dma_start3A_156 = arith.constant 0 : i32
    %dma_start3A_157 = arith.constant 0 : i32
    %dma_start3A_158 = tpu.memref_slice %arg5[%dma_start3A_156, %dma_start3A_157] : memref<2x128xi32, #tpu.memory_space<vmem>> -> memref<1x128xi32, #tpu.memory_space<vmem>>
    %dma_start3A_159 = tpu.memref_squeeze %dma_start3A_158 : memref<1x128xi32, #tpu.memory_space<vmem>> -> memref<128xi32, #tpu.memory_space<vmem>>
    %dma_start3A_160 = arith.constant 0 : i32
    %dma_start3A_161 = arith.constant 0 : i32
    %dma_start3A_162 = tpu.memref_slice %arg2[%dma_start3A_160, %dma_start3A_161] : memref<10000x128xf32, #tpu.memory_space<hbm>> -> memref<10000x128xf32, #tpu.memory_space<hbm>>
    tpu.enqueue_indirect_dma source(%dma_start3A_162 : memref<10000x128xf32, #tpu.memory_space<hbm>>) target(%arg9 : memref<128x128xf32, #tpu.memory_space<vmem>>) offsets(%dma_start3A_159 : memref<128xi32, #tpu.memory_space<vmem>>) semaphore(%arg15 : memref<!tpu.dma_semaphore, #tpu.memory_space<semaphore_mem>>)
    %run_scoped3A_163 = arith.constant 1 : i32
    "tpu.region"() ({
      %run_scoped3A_279 = tpu.sem_alloc : memref<!tpu.dma_semaphore, #tpu.memory_space<semaphore_mem>>
      %dma_start3A_280 = arith.constant 0 : i32
      %dma_start3A_281 = tpu.memref_slice %arg8[%run_scoped3A_163, %dma_start3A_280] : memref<2x128xi32, #tpu.memory_space<vmem>> -> memref<1x128xi32, #tpu.memory_space<vmem>>
      %dma_start3A_282 = tpu.memref_squeeze %dma_start3A_281 : memref<1x128xi32, #tpu.memory_space<vmem>> -> memref<128xi32, #tpu.memory_space<vmem>>
      %dma_start3A_283 = arith.constant 0 : i32
      %dma_start3A_284 = arith.constant 0 : i32
      %dma_start3A_285 = tpu.memref_slice %arg17[%dma_start3A_283, %dma_start3A_284] : memref<10240x128xf32, #tpu.memory_space<vmem_shared>> -> memref<10240x128xf32, #tpu.memory_space<vmem_shared>>
      tpu.enqueue_indirect_dma source(%arg10 : memref<128x128xf32, #tpu.memory_space<vmem>>) target(%dma_start3A_285 : memref<10240x128xf32, #tpu.memory_space<vmem_shared>>) offsets(%dma_start3A_282 : memref<128xi32, #tpu.memory_space<vmem>>) semaphore(%run_scoped3A_279 : memref<!tpu.dma_semaphore, #tpu.memory_space<semaphore_mem>>) {add = true}
      %dma_wait3A_286 = arith.constant 0 : i32
      %dma_wait3A_287 = tpu.memref_slice %arg8[%run_scoped3A_163, %dma_wait3A_286] : memref<2x128xi32, #tpu.memory_space<vmem>> -> memref<1x128xi32, #tpu.memory_space<vmem>>
      %dma_wait3A_288 = tpu.memref_squeeze %dma_wait3A_287 : memref<1x128xi32, #tpu.memory_space<vmem>> -> memref<128xi32, #tpu.memory_space<vmem>>
      %dma_wait3A_289 = arith.constant 0 : i32
      %dma_wait3A_290 = arith.constant 0 : i32
      %dma_wait3A_291 = tpu.memref_slice %arg17[%dma_wait3A_289, %dma_wait3A_290] : memref<10240x128xf32, #tpu.memory_space<vmem_shared>> -> memref<10240x128xf32, #tpu.memory_space<vmem_shared>>
      tpu.wait_indirect_dma semaphore(%run_scoped3A_279 : memref<!tpu.dma_semaphore, #tpu.memory_space<semaphore_mem>>) src(%arg10 : memref<128x128xf32, #tpu.memory_space<vmem>>) dst(%dma_wait3A_291 : memref<10240x128xf32, #tpu.memory_space<vmem_shared>>)
      tpu.yield
    }) : () -> ()
    %dma_start3A_164 = arith.constant 5 : i32
    %dma_start3A_165 = arith.constant 0 : i32
    %dma_start3A_166 = arith.constant 0 : i32
    %dma_start3A_167 = tpu.memref_slice %arg3[%add3A, %dma_start3A_164, %dma_start3A_165, %dma_start3A_166] : memref<32x80x2x128xi32, #tpu.memory_space<hbm>> -> memref<1x1x2x128xi32, #tpu.memory_space<hbm>>
    %dma_start3A_168 = tpu.memref_squeeze %dma_start3A_167 : memref<1x1x2x128xi32, #tpu.memory_space<hbm>> -> memref<2x128xi32, #tpu.memory_space<hbm>>
    %dma_start3A_169 = arith.constant 0 : i32
    %dma_start3A_170 = arith.constant 0 : i32
    %dma_start3A_171 = tpu.memref_slice %arg3[%add3A, %dma_start3A_164, %dma_start3A_169, %dma_start3A_170] : memref<32x80x2x128xi32, #tpu.memory_space<hbm>> -> memref<1x1x2x128xi32, #tpu.memory_space<hbm>>
    %dma_start3A_172 = tpu.memref_squeeze %dma_start3A_171 : memref<1x1x2x128xi32, #tpu.memory_space<hbm>> -> memref<2x128xi32, #tpu.memory_space<hbm>>
    tpu.enqueue_dma source(%dma_start3A_172 : memref<2x128xi32, #tpu.memory_space<hbm>>) target(%arg6 : memref<2x128xi32, #tpu.memory_space<vmem>>) target_semaphore(%arg12 : memref<!tpu.dma_semaphore, #tpu.memory_space<semaphore_mem>>)
    %scan3A_173 = arith.constant 0 : i32
    %scan3A_174 = arith.constant 18 : i32
    %scan3A_175 = arith.addi %scan3A_173, %scan3A_174 : i32
    %scan3A_176 = arith.constant 1 : i32
    scf.for %scan3A_279 = %scan3A_173 to %scan3A_175 step %scan3A_176  : i32 {
      %mul3A_280 = arith.constant 4 : i32
      %mul3A_281 = arith.muli %scan3A_279, %mul3A_280 : i32
      %add3A_282 = arith.constant 4 : i32
      %add3A_283 = arith.addi %add3A_282, %mul3A_281 : i32
      %add3A_284 = arith.constant 0 : i32
      %add3A_285 = arith.addi %add3A_283, %add3A_284 : i32
      %dma_wait3A_286 = arith.constant 0 : i32
      %dma_wait3A_287 = arith.constant 0 : i32
      %dma_wait3A_288 = tpu.memref_slice %arg5[%dma_wait3A_286, %dma_wait3A_287] : memref<2x128xi32, #tpu.memory_space<vmem>> -> memref<1x128xi32, #tpu.memory_space<vmem>>
      %dma_wait3A_289 = tpu.memref_squeeze %dma_wait3A_288 : memref<1x128xi32, #tpu.memory_space<vmem>> -> memref<128xi32, #tpu.memory_space<vmem>>
      %dma_wait3A_290 = arith.constant 0 : i32
      %dma_wait3A_291 = arith.constant 0 : i32
      %dma_wait3A_292 = tpu.memref_slice %arg2[%dma_wait3A_290, %dma_wait3A_291] : memref<10000x128xf32, #tpu.memory_space<hbm>> -> memref<10000x128xf32, #tpu.memory_space<hbm>>
      tpu.wait_indirect_dma semaphore(%arg15 : memref<!tpu.dma_semaphore, #tpu.memory_space<semaphore_mem>>) src(%dma_wait3A_292 : memref<10000x128xf32, #tpu.memory_space<hbm>>) dst(%arg9 : memref<128x128xf32, #tpu.memory_space<vmem>>)
      %add3A_293 = arith.constant 1 : i32
      %add3A_294 = arith.addi %add3A_285, %add3A_293 : i32
      %dma_wait3A_295 = arith.constant 0 : i32
      %dma_wait3A_296 = arith.constant 0 : i32
      %dma_wait3A_297 = tpu.memref_slice %arg3[%add3A, %add3A_294, %dma_wait3A_295, %dma_wait3A_296] : memref<32x80x2x128xi32, #tpu.memory_space<hbm>> -> memref<1x1x2x128xi32, #tpu.memory_space<hbm>>
      %dma_wait3A_298 = tpu.memref_squeeze %dma_wait3A_297 : memref<1x1x2x128xi32, #tpu.memory_space<hbm>> -> memref<2x128xi32, #tpu.memory_space<hbm>>
      %dma_wait3A_299 = arith.constant 0 : i32
      %dma_wait3A_300 = arith.constant 0 : i32
      %dma_wait3A_301 = tpu.memref_slice %arg3[%add3A, %add3A_294, %dma_wait3A_299, %dma_wait3A_300] : memref<32x80x2x128xi32, #tpu.memory_space<hbm>> -> memref<1x1x2x128xi32, #tpu.memory_space<hbm>>
      %dma_wait3A_302 = tpu.memref_squeeze %dma_wait3A_301 : memref<1x1x2x128xi32, #tpu.memory_space<hbm>> -> memref<2x128xi32, #tpu.memory_space<hbm>>
      tpu.wait_dma2 semaphore(%arg12 : memref<!tpu.dma_semaphore, #tpu.memory_space<semaphore_mem>>) src(%dma_wait3A_302 : memref<2x128xi32, #tpu.memory_space<hbm>>) dst(%arg6 : memref<2x128xi32, #tpu.memory_space<vmem>>)
      %dma_start3A_303 = arith.constant 0 : i32
      %dma_start3A_304 = arith.constant 0 : i32
      %dma_start3A_305 = tpu.memref_slice %arg6[%dma_start3A_303, %dma_start3A_304] : memref<2x128xi32, #tpu.memory_space<vmem>> -> memref<1x128xi32, #tpu.memory_space<vmem>>
      %dma_start3A_306 = tpu.memref_squeeze %dma_start3A_305 : memref<1x128xi32, #tpu.memory_space<vmem>> -> memref<128xi32, #tpu.memory_space<vmem>>
      %dma_start3A_307 = arith.constant 0 : i32
      %dma_start3A_308 = arith.constant 0 : i32
      %dma_start3A_309 = tpu.memref_slice %arg2[%dma_start3A_307, %dma_start3A_308] : memref<10000x128xf32, #tpu.memory_space<hbm>> -> memref<10000x128xf32, #tpu.memory_space<hbm>>
      tpu.enqueue_indirect_dma source(%dma_start3A_309 : memref<10000x128xf32, #tpu.memory_space<hbm>>) target(%arg10 : memref<128x128xf32, #tpu.memory_space<vmem>>) offsets(%dma_start3A_306 : memref<128xi32, #tpu.memory_space<vmem>>) semaphore(%arg16 : memref<!tpu.dma_semaphore, #tpu.memory_space<semaphore_mem>>)
      %run_scoped3A_310 = arith.constant 1 : i32
      "tpu.region"() ({
        %run_scoped3A_432 = tpu.sem_alloc : memref<!tpu.dma_semaphore, #tpu.memory_space<semaphore_mem>>
        %dma_start3A_433 = arith.constant 0 : i32
        %dma_start3A_434 = tpu.memref_slice %arg5[%run_scoped3A_310, %dma_start3A_433] : memref<2x128xi32, #tpu.memory_space<vmem>> -> memref<1x128xi32, #tpu.memory_space<vmem>>
        %dma_start3A_435 = tpu.memref_squeeze %dma_start3A_434 : memref<1x128xi32, #tpu.memory_space<vmem>> -> memref<128xi32, #tpu.memory_space<vmem>>
        %dma_start3A_436 = arith.constant 0 : i32
        %dma_start3A_437 = arith.constant 0 : i32
        %dma_start3A_438 = tpu.memref_slice %arg17[%dma_start3A_436, %dma_start3A_437] : memref<10240x128xf32, #tpu.memory_space<vmem_shared>> -> memref<10240x128xf32, #tpu.memory_space<vmem_shared>>
        tpu.enqueue_indirect_dma source(%arg9 : memref<128x128xf32, #tpu.memory_space<vmem>>) target(%dma_start3A_438 : memref<10240x128xf32, #tpu.memory_space<vmem_shared>>) offsets(%dma_start3A_435 : memref<128xi32, #tpu.memory_space<vmem>>) semaphore(%run_scoped3A_432 : memref<!tpu.dma_semaphore, #tpu.memory_space<semaphore_mem>>) {add = true}
        %dma_wait3A_439 = arith.constant 0 : i32
        %dma_wait3A_440 = tpu.memref_slice %arg5[%run_scoped3A_310, %dma_wait3A_439] : memref<2x128xi32, #tpu.memory_space<vmem>> -> memref<1x128xi32, #tpu.memory_space<vmem>>
        %dma_wait3A_441 = tpu.memref_squeeze %dma_wait3A_440 : memref<1x128xi32, #tpu.memory_space<vmem>> -> memref<128xi32, #tpu.memory_space<vmem>>
        %dma_wait3A_442 = arith.constant 0 : i32
        %dma_wait3A_443 = arith.constant 0 : i32
        %dma_wait3A_444 = tpu.memref_slice %arg17[%dma_wait3A_442, %dma_wait3A_443] : memref<10240x128xf32, #tpu.memory_space<vmem_shared>> -> memref<10240x128xf32, #tpu.memory_space<vmem_shared>>
        tpu.wait_indirect_dma semaphore(%run_scoped3A_432 : memref<!tpu.dma_semaphore, #tpu.memory_space<semaphore_mem>>) src(%arg9 : memref<128x128xf32, #tpu.memory_space<vmem>>) dst(%dma_wait3A_444 : memref<10240x128xf32, #tpu.memory_space<vmem_shared>>)
        tpu.yield
      }) : () -> ()
      %add3A_311 = arith.constant 2 : i32
      %add3A_312 = arith.addi %add3A_285, %add3A_311 : i32
      %dma_start3A_313 = arith.constant 0 : i32
      %dma_start3A_314 = arith.constant 0 : i32
      %dma_start3A_315 = tpu.memref_slice %arg3[%add3A, %add3A_312, %dma_start3A_313, %dma_start3A_314] : memref<32x80x2x128xi32, #tpu.memory_space<hbm>> -> memref<1x1x2x128xi32, #tpu.memory_space<hbm>>
      %dma_start3A_316 = tpu.memref_squeeze %dma_start3A_315 : memref<1x1x2x128xi32, #tpu.memory_space<hbm>> -> memref<2x128xi32, #tpu.memory_space<hbm>>
      %dma_start3A_317 = arith.constant 0 : i32
      %dma_start3A_318 = arith.constant 0 : i32
      %dma_start3A_319 = tpu.memref_slice %arg3[%add3A, %add3A_312, %dma_start3A_317, %dma_start3A_318] : memref<32x80x2x128xi32, #tpu.memory_space<hbm>> -> memref<1x1x2x128xi32, #tpu.memory_space<hbm>>
      %dma_start3A_320 = tpu.memref_squeeze %dma_start3A_319 : memref<1x1x2x128xi32, #tpu.memory_space<hbm>> -> memref<2x128xi32, #tpu.memory_space<hbm>>
      tpu.enqueue_dma source(%dma_start3A_320 : memref<2x128xi32, #tpu.memory_space<hbm>>) target(%arg7 : memref<2x128xi32, #tpu.memory_space<vmem>>) target_semaphore(%arg13 : memref<!tpu.dma_semaphore, #tpu.memory_space<semaphore_mem>>)
      %add3A_321 = arith.constant 1 : i32
      %add3A_322 = arith.addi %add3A_283, %add3A_321 : i32
      %dma_wait3A_323 = arith.constant 0 : i32
      %dma_wait3A_324 = arith.constant 0 : i32
      %dma_wait3A_325 = tpu.memref_slice %arg6[%dma_wait3A_323, %dma_wait3A_324] : memref<2x128xi32, #tpu.memory_space<vmem>> -> memref<1x128xi32, #tpu.memory_space<vmem>>
      %dma_wait3A_326 = tpu.memref_squeeze %dma_wait3A_325 : memref<1x128xi32, #tpu.memory_space<vmem>> -> memref<128xi32, #tpu.memory_space<vmem>>
      %dma_wait3A_327 = arith.constant 0 : i32
      %dma_wait3A_328 = arith.constant 0 : i32
      %dma_wait3A_329 = tpu.memref_slice %arg2[%dma_wait3A_327, %dma_wait3A_328] : memref<10000x128xf32, #tpu.memory_space<hbm>> -> memref<10000x128xf32, #tpu.memory_space<hbm>>
      tpu.wait_indirect_dma semaphore(%arg16 : memref<!tpu.dma_semaphore, #tpu.memory_space<semaphore_mem>>) src(%dma_wait3A_329 : memref<10000x128xf32, #tpu.memory_space<hbm>>) dst(%arg10 : memref<128x128xf32, #tpu.memory_space<vmem>>)
      %add3A_330 = arith.constant 1 : i32
      %add3A_331 = arith.addi %add3A_322, %add3A_330 : i32
      %dma_wait3A_332 = arith.constant 0 : i32
      %dma_wait3A_333 = arith.constant 0 : i32
      %dma_wait3A_334 = tpu.memref_slice %arg3[%add3A, %add3A_331, %dma_wait3A_332, %dma_wait3A_333] : memref<32x80x2x128xi32, #tpu.memory_space<hbm>> -> memref<1x1x2x128xi32, #tpu.memory_space<hbm>>
      %dma_wait3A_335 = tpu.memref_squeeze %dma_wait3A_334 : memref<1x1x2x128xi32, #tpu.memory_space<hbm>> -> memref<2x128xi32, #tpu.memory_space<hbm>>
      %dma_wait3A_336 = arith.constant 0 : i32
      %dma_wait3A_337 = arith.constant 0 : i32
      %dma_wait3A_338 = tpu.memref_slice %arg3[%add3A, %add3A_331, %dma_wait3A_336, %dma_wait3A_337] : memref<32x80x2x128xi32, #tpu.memory_space<hbm>> -> memref<1x1x2x128xi32, #tpu.memory_space<hbm>>
      %dma_wait3A_339 = tpu.memref_squeeze %dma_wait3A_338 : memref<1x1x2x128xi32, #tpu.memory_space<hbm>> -> memref<2x128xi32, #tpu.memory_space<hbm>>
      tpu.wait_dma2 semaphore(%arg13 : memref<!tpu.dma_semaphore, #tpu.memory_space<semaphore_mem>>) src(%dma_wait3A_339 : memref<2x128xi32, #tpu.memory_space<hbm>>) dst(%arg7 : memref<2x128xi32, #tpu.memory_space<vmem>>)
      %dma_start3A_340 = arith.constant 0 : i32
      %dma_start3A_341 = arith.constant 0 : i32
      %dma_start3A_342 = tpu.memref_slice %arg7[%dma_start3A_340, %dma_start3A_341] : memref<2x128xi32, #tpu.memory_space<vmem>> -> memref<1x128xi32, #tpu.memory_space<vmem>>
      %dma_start3A_343 = tpu.memref_squeeze %dma_start3A_342 : memref<1x128xi32, #tpu.memory_space<vmem>> -> memref<128xi32, #tpu.memory_space<vmem>>
      %dma_start3A_344 = arith.constant 0 : i32
      %dma_start3A_345 = arith.constant 0 : i32
      %dma_start3A_346 = tpu.memref_slice %arg2[%dma_start3A_344, %dma_start3A_345] : memref<10000x128xf32, #tpu.memory_space<hbm>> -> memref<10000x128xf32, #tpu.memory_space<hbm>>
      tpu.enqueue_indirect_dma source(%dma_start3A_346 : memref<10000x128xf32, #tpu.memory_space<hbm>>) target(%arg9 : memref<128x128xf32, #tpu.memory_space<vmem>>) offsets(%dma_start3A_343 : memref<128xi32, #tpu.memory_space<vmem>>) semaphore(%arg15 : memref<!tpu.dma_semaphore, #tpu.memory_space<semaphore_mem>>)
      %run_scoped3A_347 = arith.constant 1 : i32
      "tpu.region"() ({
        %run_scoped3A_432 = tpu.sem_alloc : memref<!tpu.dma_semaphore, #tpu.memory_space<semaphore_mem>>
        %dma_start3A_433 = arith.constant 0 : i32
        %dma_start3A_434 = tpu.memref_slice %arg6[%run_scoped3A_347, %dma_start3A_433] : memref<2x128xi32, #tpu.memory_space<vmem>> -> memref<1x128xi32, #tpu.memory_space<vmem>>
        %dma_start3A_435 = tpu.memref_squeeze %dma_start3A_434 : memref<1x128xi32, #tpu.memory_space<vmem>> -> memref<128xi32, #tpu.memory_space<vmem>>
        %dma_start3A_436 = arith.constant 0 : i32
        %dma_start3A_437 = arith.constant 0 : i32
        %dma_start3A_438 = tpu.memref_slice %arg17[%dma_start3A_436, %dma_start3A_437] : memref<10240x128xf32, #tpu.memory_space<vmem_shared>> -> memref<10240x128xf32, #tpu.memory_space<vmem_shared>>
        tpu.enqueue_indirect_dma source(%arg10 : memref<128x128xf32, #tpu.memory_space<vmem>>) target(%dma_start3A_438 : memref<10240x128xf32, #tpu.memory_space<vmem_shared>>) offsets(%dma_start3A_435 : memref<128xi32, #tpu.memory_space<vmem>>) semaphore(%run_scoped3A_432 : memref<!tpu.dma_semaphore, #tpu.memory_space<semaphore_mem>>) {add = true}
        %dma_wait3A_439 = arith.constant 0 : i32
        %dma_wait3A_440 = tpu.memref_slice %arg6[%run_scoped3A_347, %dma_wait3A_439] : memref<2x128xi32, #tpu.memory_space<vmem>> -> memref<1x128xi32, #tpu.memory_space<vmem>>
        %dma_wait3A_441 = tpu.memref_squeeze %dma_wait3A_440 : memref<1x128xi32, #tpu.memory_space<vmem>> -> memref<128xi32, #tpu.memory_space<vmem>>
        %dma_wait3A_442 = arith.constant 0 : i32
        %dma_wait3A_443 = arith.constant 0 : i32
        %dma_wait3A_444 = tpu.memref_slice %arg17[%dma_wait3A_442, %dma_wait3A_443] : memref<10240x128xf32, #tpu.memory_space<vmem_shared>> -> memref<10240x128xf32, #tpu.memory_space<vmem_shared>>
        tpu.wait_indirect_dma semaphore(%run_scoped3A_432 : memref<!tpu.dma_semaphore, #tpu.memory_space<semaphore_mem>>) src(%arg10 : memref<128x128xf32, #tpu.memory_space<vmem>>) dst(%dma_wait3A_444 : memref<10240x128xf32, #tpu.memory_space<vmem_shared>>)
        tpu.yield
      }) : () -> ()
      %add3A_348 = arith.constant 2 : i32
      %add3A_349 = arith.addi %add3A_322, %add3A_348 : i32
      %dma_start3A_350 = arith.constant 0 : i32
      %dma_start3A_351 = arith.constant 0 : i32
      %dma_start3A_352 = tpu.memref_slice %arg3[%add3A, %add3A_349, %dma_start3A_350, %dma_start3A_351] : memref<32x80x2x128xi32, #tpu.memory_space<hbm>> -> memref<1x1x2x128xi32, #tpu.memory_space<hbm>>
      %dma_start3A_353 = tpu.memref_squeeze %dma_start3A_352 : memref<1x1x2x128xi32, #tpu.memory_space<hbm>> -> memref<2x128xi32, #tpu.memory_space<hbm>>
      %dma_start3A_354 = arith.constant 0 : i32
      %dma_start3A_355 = arith.constant 0 : i32
      %dma_start3A_356 = tpu.memref_slice %arg3[%add3A, %add3A_349, %dma_start3A_354, %dma_start3A_355] : memref<32x80x2x128xi32, #tpu.memory_space<hbm>> -> memref<1x1x2x128xi32, #tpu.memory_space<hbm>>
      %dma_start3A_357 = tpu.memref_squeeze %dma_start3A_356 : memref<1x1x2x128xi32, #tpu.memory_space<hbm>> -> memref<2x128xi32, #tpu.memory_space<hbm>>
      tpu.enqueue_dma source(%dma_start3A_357 : memref<2x128xi32, #tpu.memory_space<hbm>>) target(%arg8 : memref<2x128xi32, #tpu.memory_space<vmem>>) target_semaphore(%arg14 : memref<!tpu.dma_semaphore, #tpu.memory_space<semaphore_mem>>)
      %add3A_358 = arith.constant 2 : i32
      %add3A_359 = arith.addi %add3A_283, %add3A_358 : i32
      %dma_wait3A_360 = arith.constant 0 : i32
      %dma_wait3A_361 = arith.constant 0 : i32
      %dma_wait3A_362 = tpu.memref_slice %arg7[%dma_wait3A_360, %dma_wait3A_361] : memref<2x128xi32, #tpu.memory_space<vmem>> -> memref<1x128xi32, #tpu.memory_space<vmem>>
      %dma_wait3A_363 = tpu.memref_squeeze %dma_wait3A_362 : memref<1x128xi32, #tpu.memory_space<vmem>> -> memref<128xi32, #tpu.memory_space<vmem>>
      %dma_wait3A_364 = arith.constant 0 : i32
      %dma_wait3A_365 = arith.constant 0 : i32
      %dma_wait3A_366 = tpu.memref_slice %arg2[%dma_wait3A_364, %dma_wait3A_365] : memref<10000x128xf32, #tpu.memory_space<hbm>> -> memref<10000x128xf32, #tpu.memory_space<hbm>>
      tpu.wait_indirect_dma semaphore(%arg15 : memref<!tpu.dma_semaphore, #tpu.memory_space<semaphore_mem>>) src(%dma_wait3A_366 : memref<10000x128xf32, #tpu.memory_space<hbm>>) dst(%arg9 : memref<128x128xf32, #tpu.memory_space<vmem>>)
      %add3A_367 = arith.constant 1 : i32
      %add3A_368 = arith.addi %add3A_359, %add3A_367 : i32
      %dma_wait3A_369 = arith.constant 0 : i32
      %dma_wait3A_370 = arith.constant 0 : i32
      %dma_wait3A_371 = tpu.memref_slice %arg3[%add3A, %add3A_368, %dma_wait3A_369, %dma_wait3A_370] : memref<32x80x2x128xi32, #tpu.memory_space<hbm>> -> memref<1x1x2x128xi32, #tpu.memory_space<hbm>>
      %dma_wait3A_372 = tpu.memref_squeeze %dma_wait3A_371 : memref<1x1x2x128xi32, #tpu.memory_space<hbm>> -> memref<2x128xi32, #tpu.memory_space<hbm>>
      %dma_wait3A_373 = arith.constant 0 : i32
      %dma_wait3A_374 = arith.constant 0 : i32
      %dma_wait3A_375 = tpu.memref_slice %arg3[%add3A, %add3A_368, %dma_wait3A_373, %dma_wait3A_374] : memref<32x80x2x128xi32, #tpu.memory_space<hbm>> -> memref<1x1x2x128xi32, #tpu.memory_space<hbm>>
      %dma_wait3A_376 = tpu.memref_squeeze %dma_wait3A_375 : memref<1x1x2x128xi32, #tpu.memory_space<hbm>> -> memref<2x128xi32, #tpu.memory_space<hbm>>
      tpu.wait_dma2 semaphore(%arg14 : memref<!tpu.dma_semaphore, #tpu.memory_space<semaphore_mem>>) src(%dma_wait3A_376 : memref<2x128xi32, #tpu.memory_space<hbm>>) dst(%arg8 : memref<2x128xi32, #tpu.memory_space<vmem>>)
      %dma_start3A_377 = arith.constant 0 : i32
      %dma_start3A_378 = arith.constant 0 : i32
      %dma_start3A_379 = tpu.memref_slice %arg8[%dma_start3A_377, %dma_start3A_378] : memref<2x128xi32, #tpu.memory_space<vmem>> -> memref<1x128xi32, #tpu.memory_space<vmem>>
      %dma_start3A_380 = tpu.memref_squeeze %dma_start3A_379 : memref<1x128xi32, #tpu.memory_space<vmem>> -> memref<128xi32, #tpu.memory_space<vmem>>
      %dma_start3A_381 = arith.constant 0 : i32
      %dma_start3A_382 = arith.constant 0 : i32
      %dma_start3A_383 = tpu.memref_slice %arg2[%dma_start3A_381, %dma_start3A_382] : memref<10000x128xf32, #tpu.memory_space<hbm>> -> memref<10000x128xf32, #tpu.memory_space<hbm>>
      tpu.enqueue_indirect_dma source(%dma_start3A_383 : memref<10000x128xf32, #tpu.memory_space<hbm>>) target(%arg10 : memref<128x128xf32, #tpu.memory_space<vmem>>) offsets(%dma_start3A_380 : memref<128xi32, #tpu.memory_space<vmem>>) semaphore(%arg16 : memref<!tpu.dma_semaphore, #tpu.memory_space<semaphore_mem>>)
      %run_scoped3A_384 = arith.constant 1 : i32
      "tpu.region"() ({
        %run_scoped3A_432 = tpu.sem_alloc : memref<!tpu.dma_semaphore, #tpu.memory_space<semaphore_mem>>
        %dma_start3A_433 = arith.constant 0 : i32
        %dma_start3A_434 = tpu.memref_slice %arg7[%run_scoped3A_384, %dma_start3A_433] : memref<2x128xi32, #tpu.memory_space<vmem>> -> memref<1x128xi32, #tpu.memory_space<vmem>>
        %dma_start3A_435 = tpu.memref_squeeze %dma_start3A_434 : memref<1x128xi32, #tpu.memory_space<vmem>> -> memref<128xi32, #tpu.memory_space<vmem>>
        %dma_start3A_436 = arith.constant 0 : i32
        %dma_start3A_437 = arith.constant 0 : i32
        %dma_start3A_438 = tpu.memref_slice %arg17[%dma_start3A_436, %dma_start3A_437] : memref<10240x128xf32, #tpu.memory_space<vmem_shared>> -> memref<10240x128xf32, #tpu.memory_space<vmem_shared>>
        tpu.enqueue_indirect_dma source(%arg9 : memref<128x128xf32, #tpu.memory_space<vmem>>) target(%dma_start3A_438 : memref<10240x128xf32, #tpu.memory_space<vmem_shared>>) offsets(%dma_start3A_435 : memref<128xi32, #tpu.memory_space<vmem>>) semaphore(%run_scoped3A_432 : memref<!tpu.dma_semaphore, #tpu.memory_space<semaphore_mem>>) {add = true}
        %dma_wait3A_439 = arith.constant 0 : i32
        %dma_wait3A_440 = tpu.memref_slice %arg7[%run_scoped3A_384, %dma_wait3A_439] : memref<2x128xi32, #tpu.memory_space<vmem>> -> memref<1x128xi32, #tpu.memory_space<vmem>>
        %dma_wait3A_441 = tpu.memref_squeeze %dma_wait3A_440 : memref<1x128xi32, #tpu.memory_space<vmem>> -> memref<128xi32, #tpu.memory_space<vmem>>
        %dma_wait3A_442 = arith.constant 0 : i32
        %dma_wait3A_443 = arith.constant 0 : i32
        %dma_wait3A_444 = tpu.memref_slice %arg17[%dma_wait3A_442, %dma_wait3A_443] : memref<10240x128xf32, #tpu.memory_space<vmem_shared>> -> memref<10240x128xf32, #tpu.memory_space<vmem_shared>>
        tpu.wait_indirect_dma semaphore(%run_scoped3A_432 : memref<!tpu.dma_semaphore, #tpu.memory_space<semaphore_mem>>) src(%arg9 : memref<128x128xf32, #tpu.memory_space<vmem>>) dst(%dma_wait3A_444 : memref<10240x128xf32, #tpu.memory_space<vmem_shared>>)
        tpu.yield
      }) : () -> ()
      %add3A_385 = arith.constant 2 : i32
      %add3A_386 = arith.addi %add3A_359, %add3A_385 : i32
      %dma_start3A_387 = arith.constant 0 : i32
      %dma_start3A_388 = arith.constant 0 : i32
      %dma_start3A_389 = tpu.memref_slice %arg3[%add3A, %add3A_386, %dma_start3A_387, %dma_start3A_388] : memref<32x80x2x128xi32, #tpu.memory_space<hbm>> -> memref<1x1x2x128xi32, #tpu.memory_space<hbm>>
      %dma_start3A_390 = tpu.memref_squeeze %dma_start3A_389 : memref<1x1x2x128xi32, #tpu.memory_space<hbm>> -> memref<2x128xi32, #tpu.memory_space<hbm>>
      %dma_start3A_391 = arith.constant 0 : i32
      %dma_start3A_392 = arith.constant 0 : i32
      %dma_start3A_393 = tpu.memref_slice %arg3[%add3A, %add3A_386, %dma_start3A_391, %dma_start3A_392] : memref<32x80x2x128xi32, #tpu.memory_space<hbm>> -> memref<1x1x2x128xi32, #tpu.memory_space<hbm>>
      %dma_start3A_394 = tpu.memref_squeeze %dma_start3A_393 : memref<1x1x2x128xi32, #tpu.memory_space<hbm>> -> memref<2x128xi32, #tpu.memory_space<hbm>>
      tpu.enqueue_dma source(%dma_start3A_394 : memref<2x128xi32, #tpu.memory_space<hbm>>) target(%arg5 : memref<2x128xi32, #tpu.memory_space<vmem>>) target_semaphore(%arg11 : memref<!tpu.dma_semaphore, #tpu.memory_space<semaphore_mem>>)
      %add3A_395 = arith.constant 3 : i32
      %add3A_396 = arith.addi %add3A_283, %add3A_395 : i32
      %dma_wait3A_397 = arith.constant 0 : i32
      %dma_wait3A_398 = arith.constant 0 : i32
      %dma_wait3A_399 = tpu.memref_slice %arg8[%dma_wait3A_397, %dma_wait3A_398] : memref<2x128xi32, #tpu.memory_space<vmem>> -> memref<1x128xi32, #tpu.memory_space<vmem>>
      %dma_wait3A_400 = tpu.memref_squeeze %dma_wait3A_399 : memref<1x128xi32, #tpu.memory_space<vmem>> -> memref<128xi32, #tpu.memory_space<vmem>>
      %dma_wait3A_401 = arith.constant 0 : i32
      %dma_wait3A_402 = arith.constant 0 : i32
      %dma_wait3A_403 = tpu.memref_slice %arg2[%dma_wait3A_401, %dma_wait3A_402] : memref<10000x128xf32, #tpu.memory_space<hbm>> -> memref<10000x128xf32, #tpu.memory_space<hbm>>
      tpu.wait_indirect_dma semaphore(%arg16 : memref<!tpu.dma_semaphore, #tpu.memory_space<semaphore_mem>>) src(%dma_wait3A_403 : memref<10000x128xf32, #tpu.memory_space<hbm>>) dst(%arg10 : memref<128x128xf32, #tpu.memory_space<vmem>>)
      %add3A_404 = arith.constant 1 : i32
      %add3A_405 = arith.addi %add3A_396, %add3A_404 : i32
      %dma_wait3A_406 = arith.constant 0 : i32
      %dma_wait3A_407 = arith.constant 0 : i32
      %dma_wait3A_408 = tpu.memref_slice %arg3[%add3A, %add3A_405, %dma_wait3A_406, %dma_wait3A_407] : memref<32x80x2x128xi32, #tpu.memory_space<hbm>> -> memref<1x1x2x128xi32, #tpu.memory_space<hbm>>
      %dma_wait3A_409 = tpu.memref_squeeze %dma_wait3A_408 : memref<1x1x2x128xi32, #tpu.memory_space<hbm>> -> memref<2x128xi32, #tpu.memory_space<hbm>>
      %dma_wait3A_410 = arith.constant 0 : i32
      %dma_wait3A_411 = arith.constant 0 : i32
      %dma_wait3A_412 = tpu.memref_slice %arg3[%add3A, %add3A_405, %dma_wait3A_410, %dma_wait3A_411] : memref<32x80x2x128xi32, #tpu.memory_space<hbm>> -> memref<1x1x2x128xi32, #tpu.memory_space<hbm>>
      %dma_wait3A_413 = tpu.memref_squeeze %dma_wait3A_412 : memref<1x1x2x128xi32, #tpu.memory_space<hbm>> -> memref<2x128xi32, #tpu.memory_space<hbm>>
      tpu.wait_dma2 semaphore(%arg11 : memref<!tpu.dma_semaphore, #tpu.memory_space<semaphore_mem>>) src(%dma_wait3A_413 : memref<2x128xi32, #tpu.memory_space<hbm>>) dst(%arg5 : memref<2x128xi32, #tpu.memory_space<vmem>>)
      %dma_start3A_414 = arith.constant 0 : i32
      %dma_start3A_415 = arith.constant 0 : i32
      %dma_start3A_416 = tpu.memref_slice %arg5[%dma_start3A_414, %dma_start3A_415] : memref<2x128xi32, #tpu.memory_space<vmem>> -> memref<1x128xi32, #tpu.memory_space<vmem>>
      %dma_start3A_417 = tpu.memref_squeeze %dma_start3A_416 : memref<1x128xi32, #tpu.memory_space<vmem>> -> memref<128xi32, #tpu.memory_space<vmem>>
      %dma_start3A_418 = arith.constant 0 : i32
      %dma_start3A_419 = arith.constant 0 : i32
      %dma_start3A_420 = tpu.memref_slice %arg2[%dma_start3A_418, %dma_start3A_419] : memref<10000x128xf32, #tpu.memory_space<hbm>> -> memref<10000x128xf32, #tpu.memory_space<hbm>>
      tpu.enqueue_indirect_dma source(%dma_start3A_420 : memref<10000x128xf32, #tpu.memory_space<hbm>>) target(%arg9 : memref<128x128xf32, #tpu.memory_space<vmem>>) offsets(%dma_start3A_417 : memref<128xi32, #tpu.memory_space<vmem>>) semaphore(%arg15 : memref<!tpu.dma_semaphore, #tpu.memory_space<semaphore_mem>>)
      %run_scoped3A_421 = arith.constant 1 : i32
      "tpu.region"() ({
        %run_scoped3A_432 = tpu.sem_alloc : memref<!tpu.dma_semaphore, #tpu.memory_space<semaphore_mem>>
        %dma_start3A_433 = arith.constant 0 : i32
        %dma_start3A_434 = tpu.memref_slice %arg8[%run_scoped3A_421, %dma_start3A_433] : memref<2x128xi32, #tpu.memory_space<vmem>> -> memref<1x128xi32, #tpu.memory_space<vmem>>
        %dma_start3A_435 = tpu.memref_squeeze %dma_start3A_434 : memref<1x128xi32, #tpu.memory_space<vmem>> -> memref<128xi32, #tpu.memory_space<vmem>>
        %dma_start3A_436 = arith.constant 0 : i32
        %dma_start3A_437 = arith.constant 0 : i32
        %dma_start3A_438 = tpu.memref_slice %arg17[%dma_start3A_436, %dma_start3A_437] : memref<10240x128xf32, #tpu.memory_space<vmem_shared>> -> memref<10240x128xf32, #tpu.memory_space<vmem_shared>>
        tpu.enqueue_indirect_dma source(%arg10 : memref<128x128xf32, #tpu.memory_space<vmem>>) target(%dma_start3A_438 : memref<10240x128xf32, #tpu.memory_space<vmem_shared>>) offsets(%dma_start3A_435 : memref<128xi32, #tpu.memory_space<vmem>>) semaphore(%run_scoped3A_432 : memref<!tpu.dma_semaphore, #tpu.memory_space<semaphore_mem>>) {add = true}
        %dma_wait3A_439 = arith.constant 0 : i32
        %dma_wait3A_440 = tpu.memref_slice %arg8[%run_scoped3A_421, %dma_wait3A_439] : memref<2x128xi32, #tpu.memory_space<vmem>> -> memref<1x128xi32, #tpu.memory_space<vmem>>
        %dma_wait3A_441 = tpu.memref_squeeze %dma_wait3A_440 : memref<1x128xi32, #tpu.memory_space<vmem>> -> memref<128xi32, #tpu.memory_space<vmem>>
        %dma_wait3A_442 = arith.constant 0 : i32
        %dma_wait3A_443 = arith.constant 0 : i32
        %dma_wait3A_444 = tpu.memref_slice %arg17[%dma_wait3A_442, %dma_wait3A_443] : memref<10240x128xf32, #tpu.memory_space<vmem_shared>> -> memref<10240x128xf32, #tpu.memory_space<vmem_shared>>
        tpu.wait_indirect_dma semaphore(%run_scoped3A_432 : memref<!tpu.dma_semaphore, #tpu.memory_space<semaphore_mem>>) src(%arg10 : memref<128x128xf32, #tpu.memory_space<vmem>>) dst(%dma_wait3A_444 : memref<10240x128xf32, #tpu.memory_space<vmem_shared>>)
        tpu.yield
      }) : () -> ()
      %add3A_422 = arith.constant 2 : i32
      %add3A_423 = arith.addi %add3A_396, %add3A_422 : i32
      %dma_start3A_424 = arith.constant 0 : i32
      %dma_start3A_425 = arith.constant 0 : i32
      %dma_start3A_426 = tpu.memref_slice %arg3[%add3A, %add3A_423, %dma_start3A_424, %dma_start3A_425] : memref<32x80x2x128xi32, #tpu.memory_space<hbm>> -> memref<1x1x2x128xi32, #tpu.memory_space<hbm>>
      %dma_start3A_427 = tpu.memref_squeeze %dma_start3A_426 : memref<1x1x2x128xi32, #tpu.memory_space<hbm>> -> memref<2x128xi32, #tpu.memory_space<hbm>>
      %dma_start3A_428 = arith.constant 0 : i32
      %dma_start3A_429 = arith.constant 0 : i32
      %dma_start3A_430 = tpu.memref_slice %arg3[%add3A, %add3A_423, %dma_start3A_428, %dma_start3A_429] : memref<32x80x2x128xi32, #tpu.memory_space<hbm>> -> memref<1x1x2x128xi32, #tpu.memory_space<hbm>>
      %dma_start3A_431 = tpu.memref_squeeze %dma_start3A_430 : memref<1x1x2x128xi32, #tpu.memory_space<hbm>> -> memref<2x128xi32, #tpu.memory_space<hbm>>
      tpu.enqueue_dma source(%dma_start3A_431 : memref<2x128xi32, #tpu.memory_space<hbm>>) target(%arg6 : memref<2x128xi32, #tpu.memory_space<vmem>>) target_semaphore(%arg12 : memref<!tpu.dma_semaphore, #tpu.memory_space<semaphore_mem>>)
    }
    %scan3A_177 = arith.constant 18 : i32
    %dma_wait3A_178 = arith.constant 0 : i32
    %dma_wait3A_179 = arith.constant 0 : i32
    %dma_wait3A_180 = tpu.memref_slice %arg5[%dma_wait3A_178, %dma_wait3A_179] : memref<2x128xi32, #tpu.memory_space<vmem>> -> memref<1x128xi32, #tpu.memory_space<vmem>>
    %dma_wait3A_181 = tpu.memref_squeeze %dma_wait3A_180 : memref<1x128xi32, #tpu.memory_space<vmem>> -> memref<128xi32, #tpu.memory_space<vmem>>
    %dma_wait3A_182 = arith.constant 0 : i32
    %dma_wait3A_183 = arith.constant 0 : i32
    %dma_wait3A_184 = tpu.memref_slice %arg2[%dma_wait3A_182, %dma_wait3A_183] : memref<10000x128xf32, #tpu.memory_space<hbm>> -> memref<10000x128xf32, #tpu.memory_space<hbm>>
    tpu.wait_indirect_dma semaphore(%arg15 : memref<!tpu.dma_semaphore, #tpu.memory_space<semaphore_mem>>) src(%dma_wait3A_184 : memref<10000x128xf32, #tpu.memory_space<hbm>>) dst(%arg9 : memref<128x128xf32, #tpu.memory_space<vmem>>)
    %dma_wait3A_185 = arith.constant 77 : i32
    %dma_wait3A_186 = arith.constant 0 : i32
    %dma_wait3A_187 = arith.constant 0 : i32
    %dma_wait3A_188 = tpu.memref_slice %arg3[%add3A, %dma_wait3A_185, %dma_wait3A_186, %dma_wait3A_187] : memref<32x80x2x128xi32, #tpu.memory_space<hbm>> -> memref<1x1x2x128xi32, #tpu.memory_space<hbm>>
    %dma_wait3A_189 = tpu.memref_squeeze %dma_wait3A_188 : memref<1x1x2x128xi32, #tpu.memory_space<hbm>> -> memref<2x128xi32, #tpu.memory_space<hbm>>
    %dma_wait3A_190 = arith.constant 0 : i32
    %dma_wait3A_191 = arith.constant 0 : i32
    %dma_wait3A_192 = tpu.memref_slice %arg3[%add3A, %dma_wait3A_185, %dma_wait3A_190, %dma_wait3A_191] : memref<32x80x2x128xi32, #tpu.memory_space<hbm>> -> memref<1x1x2x128xi32, #tpu.memory_space<hbm>>
    %dma_wait3A_193 = tpu.memref_squeeze %dma_wait3A_192 : memref<1x1x2x128xi32, #tpu.memory_space<hbm>> -> memref<2x128xi32, #tpu.memory_space<hbm>>
    tpu.wait_dma2 semaphore(%arg12 : memref<!tpu.dma_semaphore, #tpu.memory_space<semaphore_mem>>) src(%dma_wait3A_193 : memref<2x128xi32, #tpu.memory_space<hbm>>) dst(%arg6 : memref<2x128xi32, #tpu.memory_space<vmem>>)
    %dma_start3A_194 = arith.constant 0 : i32
    %dma_start3A_195 = arith.constant 0 : i32
    %dma_start3A_196 = tpu.memref_slice %arg6[%dma_start3A_194, %dma_start3A_195] : memref<2x128xi32, #tpu.memory_space<vmem>> -> memref<1x128xi32, #tpu.memory_space<vmem>>
    %dma_start3A_197 = tpu.memref_squeeze %dma_start3A_196 : memref<1x128xi32, #tpu.memory_space<vmem>> -> memref<128xi32, #tpu.memory_space<vmem>>
    %dma_start3A_198 = arith.constant 0 : i32
    %dma_start3A_199 = arith.constant 0 : i32
    %dma_start3A_200 = tpu.memref_slice %arg2[%dma_start3A_198, %dma_start3A_199] : memref<10000x128xf32, #tpu.memory_space<hbm>> -> memref<10000x128xf32, #tpu.memory_space<hbm>>
    tpu.enqueue_indirect_dma source(%dma_start3A_200 : memref<10000x128xf32, #tpu.memory_space<hbm>>) target(%arg10 : memref<128x128xf32, #tpu.memory_space<vmem>>) offsets(%dma_start3A_197 : memref<128xi32, #tpu.memory_space<vmem>>) semaphore(%arg16 : memref<!tpu.dma_semaphore, #tpu.memory_space<semaphore_mem>>)
    %run_scoped3A_201 = arith.constant 1 : i32
    "tpu.region"() ({
      %run_scoped3A_279 = tpu.sem_alloc : memref<!tpu.dma_semaphore, #tpu.memory_space<semaphore_mem>>
      %dma_start3A_280 = arith.constant 0 : i32
      %dma_start3A_281 = tpu.memref_slice %arg5[%run_scoped3A_201, %dma_start3A_280] : memref<2x128xi32, #tpu.memory_space<vmem>> -> memref<1x128xi32, #tpu.memory_space<vmem>>
      %dma_start3A_282 = tpu.memref_squeeze %dma_start3A_281 : memref<1x128xi32, #tpu.memory_space<vmem>> -> memref<128xi32, #tpu.memory_space<vmem>>
      %dma_start3A_283 = arith.constant 0 : i32
      %dma_start3A_284 = arith.constant 0 : i32
      %dma_start3A_285 = tpu.memref_slice %arg17[%dma_start3A_283, %dma_start3A_284] : memref<10240x128xf32, #tpu.memory_space<vmem_shared>> -> memref<10240x128xf32, #tpu.memory_space<vmem_shared>>
      tpu.enqueue_indirect_dma source(%arg9 : memref<128x128xf32, #tpu.memory_space<vmem>>) target(%dma_start3A_285 : memref<10240x128xf32, #tpu.memory_space<vmem_shared>>) offsets(%dma_start3A_282 : memref<128xi32, #tpu.memory_space<vmem>>) semaphore(%run_scoped3A_279 : memref<!tpu.dma_semaphore, #tpu.memory_space<semaphore_mem>>) {add = true}
      %dma_wait3A_286 = arith.constant 0 : i32
      %dma_wait3A_287 = tpu.memref_slice %arg5[%run_scoped3A_201, %dma_wait3A_286] : memref<2x128xi32, #tpu.memory_space<vmem>> -> memref<1x128xi32, #tpu.memory_space<vmem>>
      %dma_wait3A_288 = tpu.memref_squeeze %dma_wait3A_287 : memref<1x128xi32, #tpu.memory_space<vmem>> -> memref<128xi32, #tpu.memory_space<vmem>>
      %dma_wait3A_289 = arith.constant 0 : i32
      %dma_wait3A_290 = arith.constant 0 : i32
      %dma_wait3A_291 = tpu.memref_slice %arg17[%dma_wait3A_289, %dma_wait3A_290] : memref<10240x128xf32, #tpu.memory_space<vmem_shared>> -> memref<10240x128xf32, #tpu.memory_space<vmem_shared>>
      tpu.wait_indirect_dma semaphore(%run_scoped3A_279 : memref<!tpu.dma_semaphore, #tpu.memory_space<semaphore_mem>>) src(%arg9 : memref<128x128xf32, #tpu.memory_space<vmem>>) dst(%dma_wait3A_291 : memref<10240x128xf32, #tpu.memory_space<vmem_shared>>)
      tpu.yield
    }) : () -> ()
    %dma_start3A_202 = arith.constant 78 : i32
    %dma_start3A_203 = arith.constant 0 : i32
    %dma_start3A_204 = arith.constant 0 : i32
    %dma_start3A_205 = tpu.memref_slice %arg3[%add3A, %dma_start3A_202, %dma_start3A_203, %dma_start3A_204] : memref<32x80x2x128xi32, #tpu.memory_space<hbm>> -> memref<1x1x2x128xi32, #tpu.memory_space<hbm>>
    %dma_start3A_206 = tpu.memref_squeeze %dma_start3A_205 : memref<1x1x2x128xi32, #tpu.memory_space<hbm>> -> memref<2x128xi32, #tpu.memory_space<hbm>>
    %dma_start3A_207 = arith.constant 0 : i32
    %dma_start3A_208 = arith.constant 0 : i32
    %dma_start3A_209 = tpu.memref_slice %arg3[%add3A, %dma_start3A_202, %dma_start3A_207, %dma_start3A_208] : memref<32x80x2x128xi32, #tpu.memory_space<hbm>> -> memref<1x1x2x128xi32, #tpu.memory_space<hbm>>
    %dma_start3A_210 = tpu.memref_squeeze %dma_start3A_209 : memref<1x1x2x128xi32, #tpu.memory_space<hbm>> -> memref<2x128xi32, #tpu.memory_space<hbm>>
    tpu.enqueue_dma source(%dma_start3A_210 : memref<2x128xi32, #tpu.memory_space<hbm>>) target(%arg7 : memref<2x128xi32, #tpu.memory_space<vmem>>) target_semaphore(%arg13 : memref<!tpu.dma_semaphore, #tpu.memory_space<semaphore_mem>>)
    %dma_wait3A_211 = arith.constant 0 : i32
    %dma_wait3A_212 = arith.constant 0 : i32
    %dma_wait3A_213 = tpu.memref_slice %arg6[%dma_wait3A_211, %dma_wait3A_212] : memref<2x128xi32, #tpu.memory_space<vmem>> -> memref<1x128xi32, #tpu.memory_space<vmem>>
    %dma_wait3A_214 = tpu.memref_squeeze %dma_wait3A_213 : memref<1x128xi32, #tpu.memory_space<vmem>> -> memref<128xi32, #tpu.memory_space<vmem>>
    %dma_wait3A_215 = arith.constant 0 : i32
    %dma_wait3A_216 = arith.constant 0 : i32
    %dma_wait3A_217 = tpu.memref_slice %arg2[%dma_wait3A_215, %dma_wait3A_216] : memref<10000x128xf32, #tpu.memory_space<hbm>> -> memref<10000x128xf32, #tpu.memory_space<hbm>>
    tpu.wait_indirect_dma semaphore(%arg16 : memref<!tpu.dma_semaphore, #tpu.memory_space<semaphore_mem>>) src(%dma_wait3A_217 : memref<10000x128xf32, #tpu.memory_space<hbm>>) dst(%arg10 : memref<128x128xf32, #tpu.memory_space<vmem>>)
    %dma_wait3A_218 = arith.constant 78 : i32
    %dma_wait3A_219 = arith.constant 0 : i32
    %dma_wait3A_220 = arith.constant 0 : i32
    %dma_wait3A_221 = tpu.memref_slice %arg3[%add3A, %dma_wait3A_218, %dma_wait3A_219, %dma_wait3A_220] : memref<32x80x2x128xi32, #tpu.memory_space<hbm>> -> memref<1x1x2x128xi32, #tpu.memory_space<hbm>>
    %dma_wait3A_222 = tpu.memref_squeeze %dma_wait3A_221 : memref<1x1x2x128xi32, #tpu.memory_space<hbm>> -> memref<2x128xi32, #tpu.memory_space<hbm>>
    %dma_wait3A_223 = arith.constant 0 : i32
    %dma_wait3A_224 = arith.constant 0 : i32
    %dma_wait3A_225 = tpu.memref_slice %arg3[%add3A, %dma_wait3A_218, %dma_wait3A_223, %dma_wait3A_224] : memref<32x80x2x128xi32, #tpu.memory_space<hbm>> -> memref<1x1x2x128xi32, #tpu.memory_space<hbm>>
    %dma_wait3A_226 = tpu.memref_squeeze %dma_wait3A_225 : memref<1x1x2x128xi32, #tpu.memory_space<hbm>> -> memref<2x128xi32, #tpu.memory_space<hbm>>
    tpu.wait_dma2 semaphore(%arg13 : memref<!tpu.dma_semaphore, #tpu.memory_space<semaphore_mem>>) src(%dma_wait3A_226 : memref<2x128xi32, #tpu.memory_space<hbm>>) dst(%arg7 : memref<2x128xi32, #tpu.memory_space<vmem>>)
    %dma_start3A_227 = arith.constant 0 : i32
    %dma_start3A_228 = arith.constant 0 : i32
    %dma_start3A_229 = tpu.memref_slice %arg7[%dma_start3A_227, %dma_start3A_228] : memref<2x128xi32, #tpu.memory_space<vmem>> -> memref<1x128xi32, #tpu.memory_space<vmem>>
    %dma_start3A_230 = tpu.memref_squeeze %dma_start3A_229 : memref<1x128xi32, #tpu.memory_space<vmem>> -> memref<128xi32, #tpu.memory_space<vmem>>
    %dma_start3A_231 = arith.constant 0 : i32
    %dma_start3A_232 = arith.constant 0 : i32
    %dma_start3A_233 = tpu.memref_slice %arg2[%dma_start3A_231, %dma_start3A_232] : memref<10000x128xf32, #tpu.memory_space<hbm>> -> memref<10000x128xf32, #tpu.memory_space<hbm>>
    tpu.enqueue_indirect_dma source(%dma_start3A_233 : memref<10000x128xf32, #tpu.memory_space<hbm>>) target(%arg9 : memref<128x128xf32, #tpu.memory_space<vmem>>) offsets(%dma_start3A_230 : memref<128xi32, #tpu.memory_space<vmem>>) semaphore(%arg15 : memref<!tpu.dma_semaphore, #tpu.memory_space<semaphore_mem>>)
    %run_scoped3A_234 = arith.constant 1 : i32
    "tpu.region"() ({
      %run_scoped3A_279 = tpu.sem_alloc : memref<!tpu.dma_semaphore, #tpu.memory_space<semaphore_mem>>
      %dma_start3A_280 = arith.constant 0 : i32
      %dma_start3A_281 = tpu.memref_slice %arg6[%run_scoped3A_234, %dma_start3A_280] : memref<2x128xi32, #tpu.memory_space<vmem>> -> memref<1x128xi32, #tpu.memory_space<vmem>>
      %dma_start3A_282 = tpu.memref_squeeze %dma_start3A_281 : memref<1x128xi32, #tpu.memory_space<vmem>> -> memref<128xi32, #tpu.memory_space<vmem>>
      %dma_start3A_283 = arith.constant 0 : i32
      %dma_start3A_284 = arith.constant 0 : i32
      %dma_start3A_285 = tpu.memref_slice %arg17[%dma_start3A_283, %dma_start3A_284] : memref<10240x128xf32, #tpu.memory_space<vmem_shared>> -> memref<10240x128xf32, #tpu.memory_space<vmem_shared>>
      tpu.enqueue_indirect_dma source(%arg10 : memref<128x128xf32, #tpu.memory_space<vmem>>) target(%dma_start3A_285 : memref<10240x128xf32, #tpu.memory_space<vmem_shared>>) offsets(%dma_start3A_282 : memref<128xi32, #tpu.memory_space<vmem>>) semaphore(%run_scoped3A_279 : memref<!tpu.dma_semaphore, #tpu.memory_space<semaphore_mem>>) {add = true}
      %dma_wait3A_286 = arith.constant 0 : i32
      %dma_wait3A_287 = tpu.memref_slice %arg6[%run_scoped3A_234, %dma_wait3A_286] : memref<2x128xi32, #tpu.memory_space<vmem>> -> memref<1x128xi32, #tpu.memory_space<vmem>>
      %dma_wait3A_288 = tpu.memref_squeeze %dma_wait3A_287 : memref<1x128xi32, #tpu.memory_space<vmem>> -> memref<128xi32, #tpu.memory_space<vmem>>
      %dma_wait3A_289 = arith.constant 0 : i32
      %dma_wait3A_290 = arith.constant 0 : i32
      %dma_wait3A_291 = tpu.memref_slice %arg17[%dma_wait3A_289, %dma_wait3A_290] : memref<10240x128xf32, #tpu.memory_space<vmem_shared>> -> memref<10240x128xf32, #tpu.memory_space<vmem_shared>>
      tpu.wait_indirect_dma semaphore(%run_scoped3A_279 : memref<!tpu.dma_semaphore, #tpu.memory_space<semaphore_mem>>) src(%arg10 : memref<128x128xf32, #tpu.memory_space<vmem>>) dst(%dma_wait3A_291 : memref<10240x128xf32, #tpu.memory_space<vmem_shared>>)
      tpu.yield
    }) : () -> ()
    %dma_start3A_235 = arith.constant 79 : i32
    %dma_start3A_236 = arith.constant 0 : i32
    %dma_start3A_237 = arith.constant 0 : i32
    %dma_start3A_238 = tpu.memref_slice %arg3[%add3A, %dma_start3A_235, %dma_start3A_236, %dma_start3A_237] : memref<32x80x2x128xi32, #tpu.memory_space<hbm>> -> memref<1x1x2x128xi32, #tpu.memory_space<hbm>>
    %dma_start3A_239 = tpu.memref_squeeze %dma_start3A_238 : memref<1x1x2x128xi32, #tpu.memory_space<hbm>> -> memref<2x128xi32, #tpu.memory_space<hbm>>
    %dma_start3A_240 = arith.constant 0 : i32
    %dma_start3A_241 = arith.constant 0 : i32
    %dma_start3A_242 = tpu.memref_slice %arg3[%add3A, %dma_start3A_235, %dma_start3A_240, %dma_start3A_241] : memref<32x80x2x128xi32, #tpu.memory_space<hbm>> -> memref<1x1x2x128xi32, #tpu.memory_space<hbm>>
    %dma_start3A_243 = tpu.memref_squeeze %dma_start3A_242 : memref<1x1x2x128xi32, #tpu.memory_space<hbm>> -> memref<2x128xi32, #tpu.memory_space<hbm>>
    tpu.enqueue_dma source(%dma_start3A_243 : memref<2x128xi32, #tpu.memory_space<hbm>>) target(%arg8 : memref<2x128xi32, #tpu.memory_space<vmem>>) target_semaphore(%arg14 : memref<!tpu.dma_semaphore, #tpu.memory_space<semaphore_mem>>)
    %dma_wait3A_244 = arith.constant 0 : i32
    %dma_wait3A_245 = arith.constant 0 : i32
    %dma_wait3A_246 = tpu.memref_slice %arg7[%dma_wait3A_244, %dma_wait3A_245] : memref<2x128xi32, #tpu.memory_space<vmem>> -> memref<1x128xi32, #tpu.memory_space<vmem>>
    %dma_wait3A_247 = tpu.memref_squeeze %dma_wait3A_246 : memref<1x128xi32, #tpu.memory_space<vmem>> -> memref<128xi32, #tpu.memory_space<vmem>>
    %dma_wait3A_248 = arith.constant 0 : i32
    %dma_wait3A_249 = arith.constant 0 : i32
    %dma_wait3A_250 = tpu.memref_slice %arg2[%dma_wait3A_248, %dma_wait3A_249] : memref<10000x128xf32, #tpu.memory_space<hbm>> -> memref<10000x128xf32, #tpu.memory_space<hbm>>
    tpu.wait_indirect_dma semaphore(%arg15 : memref<!tpu.dma_semaphore, #tpu.memory_space<semaphore_mem>>) src(%dma_wait3A_250 : memref<10000x128xf32, #tpu.memory_space<hbm>>) dst(%arg9 : memref<128x128xf32, #tpu.memory_space<vmem>>)
    %dma_wait3A_251 = arith.constant 79 : i32
    %dma_wait3A_252 = arith.constant 0 : i32
    %dma_wait3A_253 = arith.constant 0 : i32
    %dma_wait3A_254 = tpu.memref_slice %arg3[%add3A, %dma_wait3A_251, %dma_wait3A_252, %dma_wait3A_253] : memref<32x80x2x128xi32, #tpu.memory_space<hbm>> -> memref<1x1x2x128xi32, #tpu.memory_space<hbm>>
    %dma_wait3A_255 = tpu.memref_squeeze %dma_wait3A_254 : memref<1x1x2x128xi32, #tpu.memory_space<hbm>> -> memref<2x128xi32, #tpu.memory_space<hbm>>
    %dma_wait3A_256 = arith.constant 0 : i32
    %dma_wait3A_257 = arith.constant 0 : i32
    %dma_wait3A_258 = tpu.memref_slice %arg3[%add3A, %dma_wait3A_251, %dma_wait3A_256, %dma_wait3A_257] : memref<32x80x2x128xi32, #tpu.memory_space<hbm>> -> memref<1x1x2x128xi32, #tpu.memory_space<hbm>>
    %dma_wait3A_259 = tpu.memref_squeeze %dma_wait3A_258 : memref<1x1x2x128xi32, #tpu.memory_space<hbm>> -> memref<2x128xi32, #tpu.memory_space<hbm>>
    tpu.wait_dma2 semaphore(%arg14 : memref<!tpu.dma_semaphore, #tpu.memory_space<semaphore_mem>>) src(%dma_wait3A_259 : memref<2x128xi32, #tpu.memory_space<hbm>>) dst(%arg8 : memref<2x128xi32, #tpu.memory_space<vmem>>)
    %dma_start3A_260 = arith.constant 0 : i32
    %dma_start3A_261 = arith.constant 0 : i32
    %dma_start3A_262 = tpu.memref_slice %arg8[%dma_start3A_260, %dma_start3A_261] : memref<2x128xi32, #tpu.memory_space<vmem>> -> memref<1x128xi32, #tpu.memory_space<vmem>>
    %dma_start3A_263 = tpu.memref_squeeze %dma_start3A_262 : memref<1x128xi32, #tpu.memory_space<vmem>> -> memref<128xi32, #tpu.memory_space<vmem>>
    %dma_start3A_264 = arith.constant 0 : i32
    %dma_start3A_265 = arith.constant 0 : i32
    %dma_start3A_266 = tpu.memref_slice %arg2[%dma_start3A_264, %dma_start3A_265] : memref<10000x128xf32, #tpu.memory_space<hbm>> -> memref<10000x128xf32, #tpu.memory_space<hbm>>
    tpu.enqueue_indirect_dma source(%dma_start3A_266 : memref<10000x128xf32, #tpu.memory_space<hbm>>) target(%arg10 : memref<128x128xf32, #tpu.memory_space<vmem>>) offsets(%dma_start3A_263 : memref<128xi32, #tpu.memory_space<vmem>>) semaphore(%arg16 : memref<!tpu.dma_semaphore, #tpu.memory_space<semaphore_mem>>)
    %run_scoped3A_267 = arith.constant 1 : i32
    "tpu.region"() ({
      %run_scoped3A_279 = tpu.sem_alloc : memref<!tpu.dma_semaphore, #tpu.memory_space<semaphore_mem>>
      %dma_start3A_280 = arith.constant 0 : i32
      %dma_start3A_281 = tpu.memref_slice %arg7[%run_scoped3A_267, %dma_start3A_280] : memref<2x128xi32, #tpu.memory_space<vmem>> -> memref<1x128xi32, #tpu.memory_space<vmem>>
      %dma_start3A_282 = tpu.memref_squeeze %dma_start3A_281 : memref<1x128xi32, #tpu.memory_space<vmem>> -> memref<128xi32, #tpu.memory_space<vmem>>
      %dma_start3A_283 = arith.constant 0 : i32
      %dma_start3A_284 = arith.constant 0 : i32
      %dma_start3A_285 = tpu.memref_slice %arg17[%dma_start3A_283, %dma_start3A_284] : memref<10240x128xf32, #tpu.memory_space<vmem_shared>> -> memref<10240x128xf32, #tpu.memory_space<vmem_shared>>
      tpu.enqueue_indirect_dma source(%arg9 : memref<128x128xf32, #tpu.memory_space<vmem>>) target(%dma_start3A_285 : memref<10240x128xf32, #tpu.memory_space<vmem_shared>>) offsets(%dma_start3A_282 : memref<128xi32, #tpu.memory_space<vmem>>) semaphore(%run_scoped3A_279 : memref<!tpu.dma_semaphore, #tpu.memory_space<semaphore_mem>>) {add = true}
      %dma_wait3A_286 = arith.constant 0 : i32
      %dma_wait3A_287 = tpu.memref_slice %arg7[%run_scoped3A_267, %dma_wait3A_286] : memref<2x128xi32, #tpu.memory_space<vmem>> -> memref<1x128xi32, #tpu.memory_space<vmem>>
      %dma_wait3A_288 = tpu.memref_squeeze %dma_wait3A_287 : memref<1x128xi32, #tpu.memory_space<vmem>> -> memref<128xi32, #tpu.memory_space<vmem>>
      %dma_wait3A_289 = arith.constant 0 : i32
      %dma_wait3A_290 = arith.constant 0 : i32
      %dma_wait3A_291 = tpu.memref_slice %arg17[%dma_wait3A_289, %dma_wait3A_290] : memref<10240x128xf32, #tpu.memory_space<vmem_shared>> -> memref<10240x128xf32, #tpu.memory_space<vmem_shared>>
      tpu.wait_indirect_dma semaphore(%run_scoped3A_279 : memref<!tpu.dma_semaphore, #tpu.memory_space<semaphore_mem>>) src(%arg9 : memref<128x128xf32, #tpu.memory_space<vmem>>) dst(%dma_wait3A_291 : memref<10240x128xf32, #tpu.memory_space<vmem_shared>>)
      tpu.yield
    }) : () -> ()
    %dma_wait3A_268 = arith.constant 0 : i32
    %dma_wait3A_269 = arith.constant 0 : i32
    %dma_wait3A_270 = tpu.memref_slice %arg8[%dma_wait3A_268, %dma_wait3A_269] : memref<2x128xi32, #tpu.memory_space<vmem>> -> memref<1x128xi32, #tpu.memory_space<vmem>>
    %dma_wait3A_271 = tpu.memref_squeeze %dma_wait3A_270 : memref<1x128xi32, #tpu.memory_space<vmem>> -> memref<128xi32, #tpu.memory_space<vmem>>
    %dma_wait3A_272 = arith.constant 0 : i32
    %dma_wait3A_273 = arith.constant 0 : i32
    %dma_wait3A_274 = tpu.memref_slice %arg2[%dma_wait3A_272, %dma_wait3A_273] : memref<10000x128xf32, #tpu.memory_space<hbm>> -> memref<10000x128xf32, #tpu.memory_space<hbm>>
    tpu.wait_indirect_dma semaphore(%arg16 : memref<!tpu.dma_semaphore, #tpu.memory_space<semaphore_mem>>) src(%dma_wait3A_274 : memref<10000x128xf32, #tpu.memory_space<hbm>>) dst(%arg10 : memref<128x128xf32, #tpu.memory_space<vmem>>)
    %run_scoped3A_275 = arith.constant 1 : i32
    "tpu.region"() ({
      %run_scoped3A_279 = tpu.sem_alloc : memref<!tpu.dma_semaphore, #tpu.memory_space<semaphore_mem>>
      %dma_start3A_280 = arith.constant 0 : i32
      %dma_start3A_281 = tpu.memref_slice %arg8[%run_scoped3A_275, %dma_start3A_280] : memref<2x128xi32, #tpu.memory_space<vmem>> -> memref<1x128xi32, #tpu.memory_space<vmem>>
      %dma_start3A_282 = tpu.memref_squeeze %dma_start3A_281 : memref<1x128xi32, #tpu.memory_space<vmem>> -> memref<128xi32, #tpu.memory_space<vmem>>
      %dma_start3A_283 = arith.constant 0 : i32
      %dma_start3A_284 = arith.constant 0 : i32
      %dma_start3A_285 = tpu.memref_slice %arg17[%dma_start3A_283, %dma_start3A_284] : memref<10240x128xf32, #tpu.memory_space<vmem_shared>> -> memref<10240x128xf32, #tpu.memory_space<vmem_shared>>
      tpu.enqueue_indirect_dma source(%arg10 : memref<128x128xf32, #tpu.memory_space<vmem>>) target(%dma_start3A_285 : memref<10240x128xf32, #tpu.memory_space<vmem_shared>>) offsets(%dma_start3A_282 : memref<128xi32, #tpu.memory_space<vmem>>) semaphore(%run_scoped3A_279 : memref<!tpu.dma_semaphore, #tpu.memory_space<semaphore_mem>>) {add = true}
      %dma_wait3A_286 = arith.constant 0 : i32
      %dma_wait3A_287 = tpu.memref_slice %arg8[%run_scoped3A_275, %dma_wait3A_286] : memref<2x128xi32, #tpu.memory_space<vmem>> -> memref<1x128xi32, #tpu.memory_space<vmem>>
      %dma_wait3A_288 = tpu.memref_squeeze %dma_wait3A_287 : memref<1x128xi32, #tpu.memory_space<vmem>> -> memref<128xi32, #tpu.memory_space<vmem>>
      %dma_wait3A_289 = arith.constant 0 : i32
      %dma_wait3A_290 = arith.constant 0 : i32
      %dma_wait3A_291 = tpu.memref_slice %arg17[%dma_wait3A_289, %dma_wait3A_290] : memref<10240x128xf32, #tpu.memory_space<vmem_shared>> -> memref<10240x128xf32, #tpu.memory_space<vmem_shared>>
      tpu.wait_indirect_dma semaphore(%run_scoped3A_279 : memref<!tpu.dma_semaphore, #tpu.memory_space<semaphore_mem>>) src(%arg10 : memref<128x128xf32, #tpu.memory_space<vmem>>) dst(%dma_wait3A_291 : memref<10240x128xf32, #tpu.memory_space<vmem_shared>>)
      tpu.yield
    }) : () -> ()
    %barrier3A_276 = arith.constant 0 : index
    tpu.barrier barrier_id(%barrier3A_276)
    %mul3A_277 = arith.constant 632 : i32
    %mul3A_278 = arith.muli %arg1, %mul3A_277 : i32
    %multiple_of3A = tpu.assume_multiple %mul3A_278, 8 : i32
    "tpu.region"() ({
      %run_scoped3A_279 = tpu.sem_alloc : memref<!tpu.dma_semaphore, #tpu.memory_space<semaphore_mem>>
      %dma_start3A_280 = arith.constant 0 : i32
      %dma_start3A_281 = tpu.memref_slice %arg4[%arg0, %multiple_of3A, %dma_start3A_280] : memref<2x10112x128xf32, #tpu.memory_space<hbm>> -> memref<1x632x128xf32, #tpu.memory_space<hbm>>
      %dma_start3A_282 = tpu.memref_squeeze %dma_start3A_281 : memref<1x632x128xf32, #tpu.memory_space<hbm>> -> memref<632x128xf32, #tpu.memory_space<hbm>>
      %dma_start3A_283 = arith.constant 0 : i32
      %dma_start3A_284 = tpu.memref_slice %arg17[%multiple_of3A, %dma_start3A_283] : memref<10240x128xf32, #tpu.memory_space<vmem_shared>> -> memref<632x128xf32, #tpu.memory_space<vmem_shared>>
      tpu.enqueue_dma source(%dma_start3A_284 : memref<632x128xf32, #tpu.memory_space<vmem_shared>>) target(%dma_start3A_282 : memref<632x128xf32, #tpu.memory_space<hbm>>) target_semaphore(%run_scoped3A_279 : memref<!tpu.dma_semaphore, #tpu.memory_space<semaphore_mem>>)
      %dma_wait3A_285 = arith.constant 0 : i32
      %dma_wait3A_286 = tpu.memref_slice %arg4[%arg0, %multiple_of3A, %dma_wait3A_285] : memref<2x10112x128xf32, #tpu.memory_space<hbm>> -> memref<1x632x128xf32, #tpu.memory_space<hbm>>
      %dma_wait3A_287 = tpu.memref_squeeze %dma_wait3A_286 : memref<1x632x128xf32, #tpu.memory_space<hbm>> -> memref<632x128xf32, #tpu.memory_space<hbm>>
      %dma_wait3A_288 = arith.constant 0 : i32
      %dma_wait3A_289 = tpu.memref_slice %arg17[%multiple_of3A, %dma_wait3A_288] : memref<10240x128xf32, #tpu.memory_space<vmem_shared>> -> memref<632x128xf32, #tpu.memory_space<vmem_shared>>
      tpu.wait_dma2 semaphore(%run_scoped3A_279 : memref<!tpu.dma_semaphore, #tpu.memory_space<semaphore_mem>>) src(%dma_wait3A_289 : memref<632x128xf32, #tpu.memory_space<vmem_shared>>) dst(%dma_wait3A_287 : memref<632x128xf32, #tpu.memory_space<hbm>>)
      tpu.yield
    }) : () -> ()
    return
  }
}

#map = affine_map<(d0, d1) -> (0, 0)>
#map1 = affine_map<(d0, d1) -> (0, 0, 0, 0)>
#map2 = affine_map<(d0, d1) -> (0, 0, 0)>
module attributes {stable_mosaic.version = 14 : i64} {
  func.func @_sc_aggregate_body(%arg0: i32, %arg1: i32, %arg2: memref<10000x128xf32, #tpu.memory_space<hbm>>, %arg3: memref<32x80x2x128xi32, #tpu.memory_space<hbm>>, %arg4: memref<2x10112x128xf32, #tpu.memory_space<hbm>>, %arg5: memref<2x128xi32, #tpu.memory_space<vmem>>, %arg6: memref<2x128xi32, #tpu.memory_space<vmem>>, %arg7: memref<2x128xi32, #tpu.memory_space<vmem>>, %arg8: memref<2x128xi32, #tpu.memory_space<vmem>>, %arg9: memref<128x128xf32, #tpu.memory_space<vmem>>, %arg10: memref<128x128xf32, #tpu.memory_space<vmem>>, %arg11: memref<!tpu.dma_semaphore, #tpu.memory_space<semaphore_mem>>, %arg12: memref<!tpu.dma_semaphore, #tpu.memory_space<semaphore_mem>>, %arg13: memref<!tpu.dma_semaphore, #tpu.memory_space<semaphore_mem>>, %arg14: memref<!tpu.dma_semaphore, #tpu.memory_space<semaphore_mem>>, %arg15: memref<!tpu.dma_semaphore, #tpu.memory_space<semaphore_mem>>, %arg16: memref<!tpu.dma_semaphore, #tpu.memory_space<semaphore_mem>>, %arg17: memref<10240x128xf32, #tpu.memory_space<vmem_shared>>) attributes {dimension_semantics = [#tpu.dimension_semantics<core_parallel>, #tpu.dimension_semantics<subcore_parallel>], iteration_bounds = array<i64: 2, 16>, scalar_prefetch = 0 : i64, scratch_operands = 13 : i64, tpu.core_type = #tpu.core_type<sc_vector_subcore>, window_params = [{transform_indices = #map}, {transform_indices = #map1}, {transform_indices = #map2}]} {
    %mul3A = arith.constant 16 : i32
    %mul3A_0 = arith.muli %arg0, %mul3A : i32
    %add3A = arith.addi %mul3A_0, %arg1 : i32
    %dma_start3A = arith.constant 0 : i32
    %dma_start3A_1 = arith.constant 0 : i32
    %dma_start3A_2 = arith.constant 0 : i32
    %dma_start3A_3 = tpu.memref_slice %arg3[%add3A, %dma_start3A, %dma_start3A_1, %dma_start3A_2] : memref<32x80x2x128xi32, #tpu.memory_space<hbm>> -> memref<1x1x2x128xi32, #tpu.memory_space<hbm>>
    %dma_start3A_4 = tpu.memref_squeeze %dma_start3A_3 : memref<1x1x2x128xi32, #tpu.memory_space<hbm>> -> memref<2x128xi32, #tpu.memory_space<hbm>>
    %dma_start3A_5 = arith.constant 0 : i32
    %dma_start3A_6 = arith.constant 0 : i32
    %dma_start3A_7 = tpu.memref_slice %arg3[%add3A, %dma_start3A, %dma_start3A_5, %dma_start3A_6] : memref<32x80x2x128xi32, #tpu.memory_space<hbm>> -> memref<1x1x2x128xi32, #tpu.memory_space<hbm>>
    %dma_start3A_8 = tpu.memref_squeeze %dma_start3A_7 : memref<1x1x2x128xi32, #tpu.memory_space<hbm>> -> memref<2x128xi32, #tpu.memory_space<hbm>>
    tpu.enqueue_dma source(%dma_start3A_8 : memref<2x128xi32, #tpu.memory_space<hbm>>) target(%arg5 : memref<2x128xi32, #tpu.memory_space<vmem>>) target_semaphore(%arg11 : memref<!tpu.dma_semaphore, #tpu.memory_space<semaphore_mem>>)
    %dma_start3A_9 = arith.constant 1 : i32
    %dma_start3A_10 = arith.constant 0 : i32
    %dma_start3A_11 = arith.constant 0 : i32
    %dma_start3A_12 = tpu.memref_slice %arg3[%add3A, %dma_start3A_9, %dma_start3A_10, %dma_start3A_11] : memref<32x80x2x128xi32, #tpu.memory_space<hbm>> -> memref<1x1x2x128xi32, #tpu.memory_space<hbm>>
    %dma_start3A_13 = tpu.memref_squeeze %dma_start3A_12 : memref<1x1x2x128xi32, #tpu.memory_space<hbm>> -> memref<2x128xi32, #tpu.memory_space<hbm>>
    %dma_start3A_14 = arith.constant 0 : i32
    %dma_start3A_15 = arith.constant 0 : i32
    %dma_start3A_16 = tpu.memref_slice %arg3[%add3A, %dma_start3A_9, %dma_start3A_14, %dma_start3A_15] : memref<32x80x2x128xi32, #tpu.memory_space<hbm>> -> memref<1x1x2x128xi32, #tpu.memory_space<hbm>>
    %dma_start3A_17 = tpu.memref_squeeze %dma_start3A_16 : memref<1x1x2x128xi32, #tpu.memory_space<hbm>> -> memref<2x128xi32, #tpu.memory_space<hbm>>
    tpu.enqueue_dma source(%dma_start3A_17 : memref<2x128xi32, #tpu.memory_space<hbm>>) target(%arg6 : memref<2x128xi32, #tpu.memory_space<vmem>>) target_semaphore(%arg12 : memref<!tpu.dma_semaphore, #tpu.memory_space<semaphore_mem>>)
    %dma_wait3A = arith.constant 0 : i32
    %dma_wait3A_18 = arith.constant 0 : i32
    %dma_wait3A_19 = arith.constant 0 : i32
    %dma_wait3A_20 = tpu.memref_slice %arg3[%add3A, %dma_wait3A, %dma_wait3A_18, %dma_wait3A_19] : memref<32x80x2x128xi32, #tpu.memory_space<hbm>> -> memref<1x1x2x128xi32, #tpu.memory_space<hbm>>
    %dma_wait3A_21 = tpu.memref_squeeze %dma_wait3A_20 : memref<1x1x2x128xi32, #tpu.memory_space<hbm>> -> memref<2x128xi32, #tpu.memory_space<hbm>>
    %dma_wait3A_22 = arith.constant 0 : i32
    %dma_wait3A_23 = arith.constant 0 : i32
    %dma_wait3A_24 = tpu.memref_slice %arg3[%add3A, %dma_wait3A, %dma_wait3A_22, %dma_wait3A_23] : memref<32x80x2x128xi32, #tpu.memory_space<hbm>> -> memref<1x1x2x128xi32, #tpu.memory_space<hbm>>
    %dma_wait3A_25 = tpu.memref_squeeze %dma_wait3A_24 : memref<1x1x2x128xi32, #tpu.memory_space<hbm>> -> memref<2x128xi32, #tpu.memory_space<hbm>>
    tpu.wait_dma2 semaphore(%arg11 : memref<!tpu.dma_semaphore, #tpu.memory_space<semaphore_mem>>) src(%dma_wait3A_25 : memref<2x128xi32, #tpu.memory_space<hbm>>) dst(%arg5 : memref<2x128xi32, #tpu.memory_space<vmem>>)
    %dma_start3A_26 = arith.constant 0 : i32
    %dma_start3A_27 = arith.constant 0 : i32
    %dma_start3A_28 = tpu.memref_slice %arg5[%dma_start3A_26, %dma_start3A_27] : memref<2x128xi32, #tpu.memory_space<vmem>> -> memref<1x128xi32, #tpu.memory_space<vmem>>
    %dma_start3A_29 = tpu.memref_squeeze %dma_start3A_28 : memref<1x128xi32, #tpu.memory_space<vmem>> -> memref<128xi32, #tpu.memory_space<vmem>>
    %dma_start3A_30 = arith.constant 0 : i32
    %dma_start3A_31 = arith.constant 0 : i32
    %dma_start3A_32 = tpu.memref_slice %arg2[%dma_start3A_30, %dma_start3A_31] : memref<10000x128xf32, #tpu.memory_space<hbm>> -> memref<10000x128xf32, #tpu.memory_space<hbm>>
    tpu.enqueue_indirect_dma source(%dma_start3A_32 : memref<10000x128xf32, #tpu.memory_space<hbm>>) target(%arg9 : memref<128x128xf32, #tpu.memory_space<vmem>>) offsets(%dma_start3A_29 : memref<128xi32, #tpu.memory_space<vmem>>) semaphore(%arg15 : memref<!tpu.dma_semaphore, #tpu.memory_space<semaphore_mem>>)
    %scan3A = arith.constant 0 : i32
    %scan3A_33 = arith.constant 128 : i32
    %scan3A_34 = arith.addi %scan3A, %scan3A_33 : i32
    %scan3A_35 = arith.constant 1 : i32
    scf.for %scan3A_279 = %scan3A to %scan3A_34 step %scan3A_35  : i32 {
      %mul3A_280 = arith.constant 1 : i32
      %mul3A_281 = arith.muli %scan3A_279, %mul3A_280 : i32
      %add3A_282 = arith.constant 0 : i32
      %add3A_283 = arith.addi %add3A_282, %mul3A_281 : i32
      %scan3A_284 = arith.constant 0 : i32
      %scan3A_285 = arith.constant 8 : i32
      %scan3A_286 = arith.addi %scan3A_284, %scan3A_285 : i32
      %scan3A_287 = arith.constant 1 : i32
      scf.for %scan3A_289 = %scan3A_284 to %scan3A_286 step %scan3A_287  : i32 {
        %mul3A_290 = arith.constant 1 : i32
        %mul3A_291 = arith.muli %scan3A_289, %mul3A_290 : i32
        %add3A_292 = arith.constant 0 : i32
        %add3A_293 = arith.addi %add3A_292, %mul3A_291 : i32
        %broadcast_in_dim3A = arith.constant 0.000000e+00 : f32
        %broadcast_in_dim3A_294 = vector.broadcast %broadcast_in_dim3A : f32 to vector<16xf32>
        %mul3A_295 = arith.constant 16 : i32
        %mul3A_296 = arith.muli %add3A_293, %mul3A_295 : i32
        %swap3A = arith.index_cast %add3A_283 : i32 to index
        %swap3A_297 = arith.index_cast %mul3A_296 : i32 to index
        %swap3A_298 = tpu.vector_load %arg10[%swap3A, %swap3A_297] {strides = array<i32>} : memref<128x128xf32, #tpu.memory_space<vmem>>, vector<1x16xf32>,
        %swap3A_299 = vector.shape_cast %swap3A_298 : vector<1x16xf32> to vector<16xf32>
        %swap3A_300 = vector.shape_cast %broadcast_in_dim3A_294 : vector<16xf32> to vector<1x16xf32>
        tpu.vector_store %arg10[%swap3A, %swap3A_297], %swap3A_300 {strides = array<i32>} : memref<128x128xf32, #tpu.memory_space<vmem>>, vector<1x16xf32>,
      }
      %scan3A_288 = arith.constant 8 : i32
    }
    %scan3A_36 = arith.constant 128 : i32
    %scan3A_37 = arith.constant 0 : i32
    %scan3A_38 = arith.constant 5 : i32
    %scan3A_39 = arith.addi %scan3A_37, %scan3A_38 : i32
    %scan3A_40 = arith.constant 1 : i32
    scf.for %scan3A_279 = %scan3A_37 to %scan3A_39 step %scan3A_40  : i32 {
      %mul3A_280 = arith.constant 1 : i32
      %mul3A_281 = arith.muli %scan3A_279, %mul3A_280 : i32
      %add3A_282 = arith.constant 0 : i32
      %add3A_283 = arith.addi %add3A_282, %mul3A_281 : i32
      %mul3A_284 = arith.constant 640 : i32
      %mul3A_285 = arith.muli %arg1, %mul3A_284 : i32
      %mul3A_286 = arith.constant 128 : i32
      %mul3A_287 = arith.muli %add3A_283, %mul3A_286 : i32
      %add3A_288 = arith.addi %mul3A_285, %mul3A_287 : i32
      "tpu.region"() ({
        %run_scoped3A_289 = tpu.sem_alloc : memref<!tpu.dma_semaphore, #tpu.memory_space<semaphore_mem>>
        %dma_start3A_290 = arith.constant 0 : i32
        %dma_start3A_291 = tpu.memref_slice %arg17[%add3A_288, %dma_start3A_290] : memref<10240x128xf32, #tpu.memory_space<vmem_shared>> -> memref<128x128xf32, #tpu.memory_space<vmem_shared>>
        %dma_start3A_292 = arith.constant 0 : i32
        %dma_start3A_293 = tpu.memref_slice %arg17[%add3A_288, %dma_start3A_292] : memref<10240x128xf32, #tpu.memory_space<vmem_shared>> -> memref<128x128xf32, #tpu.memory_space<vmem_shared>>
        tpu.enqueue_dma source(%arg10 : memref<128x128xf32, #tpu.memory_space<vmem>>) target(%dma_start3A_293 : memref<128x128xf32, #tpu.memory_space<vmem_shared>>) target_semaphore(%run_scoped3A_289 : memref<!tpu.dma_semaphore, #tpu.memory_space<semaphore_mem>>)
        %dma_wait3A_294 = arith.constant 0 : i32
        %dma_wait3A_295 = tpu.memref_slice %arg17[%add3A_288, %dma_wait3A_294] : memref<10240x128xf32, #tpu.memory_space<vmem_shared>> -> memref<128x128xf32, #tpu.memory_space<vmem_shared>>
        %dma_wait3A_296 = arith.constant 0 : i32
        %dma_wait3A_297 = tpu.memref_slice %arg17[%add3A_288, %dma_wait3A_296] : memref<10240x128xf32, #tpu.memory_space<vmem_shared>> -> memref<128x128xf32, #tpu.memory_space<vmem_shared>>
        tpu.wait_dma2 semaphore(%run_scoped3A_289 : memref<!tpu.dma_semaphore, #tpu.memory_space<semaphore_mem>>) src(%arg10 : memref<128x128xf32, #tpu.memory_space<vmem>>) dst(%dma_wait3A_297 : memref<128x128xf32, #tpu.memory_space<vmem_shared>>)
        tpu.yield
      }) : () -> ()
    }
    %scan3A_41 = arith.constant 5 : i32
    %barrier3A = arith.constant 0 : index
    tpu.barrier barrier_id(%barrier3A)
    %dma_wait3A_42 = arith.constant 0 : i32
    %dma_wait3A_43 = arith.constant 0 : i32
    %dma_wait3A_44 = tpu.memref_slice %arg5[%dma_wait3A_42, %dma_wait3A_43] : memref<2x128xi32, #tpu.memory_space<vmem>> -> memref<1x128xi32, #tpu.memory_space<vmem>>
    %dma_wait3A_45 = tpu.memref_squeeze %dma_wait3A_44 : memref<1x128xi32, #tpu.memory_space<vmem>> -> memref<128xi32, #tpu.memory_space<vmem>>
    %dma_wait3A_46 = arith.constant 0 : i32
    %dma_wait3A_47 = arith.constant 0 : i32
    %dma_wait3A_48 = tpu.memref_slice %arg2[%dma_wait3A_46, %dma_wait3A_47] : memref<10000x128xf32, #tpu.memory_space<hbm>> -> memref<10000x128xf32, #tpu.memory_space<hbm>>
    tpu.wait_indirect_dma semaphore(%arg15 : memref<!tpu.dma_semaphore, #tpu.memory_space<semaphore_mem>>) src(%dma_wait3A_48 : memref<10000x128xf32, #tpu.memory_space<hbm>>) dst(%arg9 : memref<128x128xf32, #tpu.memory_space<vmem>>)
    %dma_wait3A_49 = arith.constant 1 : i32
    %dma_wait3A_50 = arith.constant 0 : i32
    %dma_wait3A_51 = arith.constant 0 : i32
    %dma_wait3A_52 = tpu.memref_slice %arg3[%add3A, %dma_wait3A_49, %dma_wait3A_50, %dma_wait3A_51] : memref<32x80x2x128xi32, #tpu.memory_space<hbm>> -> memref<1x1x2x128xi32, #tpu.memory_space<hbm>>
    %dma_wait3A_53 = tpu.memref_squeeze %dma_wait3A_52 : memref<1x1x2x128xi32, #tpu.memory_space<hbm>> -> memref<2x128xi32, #tpu.memory_space<hbm>>
    %dma_wait3A_54 = arith.constant 0 : i32
    %dma_wait3A_55 = arith.constant 0 : i32
    %dma_wait3A_56 = tpu.memref_slice %arg3[%add3A, %dma_wait3A_49, %dma_wait3A_54, %dma_wait3A_55] : memref<32x80x2x128xi32, #tpu.memory_space<hbm>> -> memref<1x1x2x128xi32, #tpu.memory_space<hbm>>
    %dma_wait3A_57 = tpu.memref_squeeze %dma_wait3A_56 : memref<1x1x2x128xi32, #tpu.memory_space<hbm>> -> memref<2x128xi32, #tpu.memory_space<hbm>>
    tpu.wait_dma2 semaphore(%arg12 : memref<!tpu.dma_semaphore, #tpu.memory_space<semaphore_mem>>) src(%dma_wait3A_57 : memref<2x128xi32, #tpu.memory_space<hbm>>) dst(%arg6 : memref<2x128xi32, #tpu.memory_space<vmem>>)
    %dma_start3A_58 = arith.constant 0 : i32
    %dma_start3A_59 = arith.constant 0 : i32
    %dma_start3A_60 = tpu.memref_slice %arg6[%dma_start3A_58, %dma_start3A_59] : memref<2x128xi32, #tpu.memory_space<vmem>> -> memref<1x128xi32, #tpu.memory_space<vmem>>
    %dma_start3A_61 = tpu.memref_squeeze %dma_start3A_60 : memref<1x128xi32, #tpu.memory_space<vmem>> -> memref<128xi32, #tpu.memory_space<vmem>>
    %dma_start3A_62 = arith.constant 0 : i32
    %dma_start3A_63 = arith.constant 0 : i32
    %dma_start3A_64 = tpu.memref_slice %arg2[%dma_start3A_62, %dma_start3A_63] : memref<10000x128xf32, #tpu.memory_space<hbm>> -> memref<10000x128xf32, #tpu.memory_space<hbm>>
    tpu.enqueue_indirect_dma source(%dma_start3A_64 : memref<10000x128xf32, #tpu.memory_space<hbm>>) target(%arg10 : memref<128x128xf32, #tpu.memory_space<vmem>>) offsets(%dma_start3A_61 : memref<128xi32, #tpu.memory_space<vmem>>) semaphore(%arg16 : memref<!tpu.dma_semaphore, #tpu.memory_space<semaphore_mem>>)
    %run_scoped3A = arith.constant 1 : i32
    "tpu.region"() ({
      %run_scoped3A_279 = tpu.sem_alloc : memref<!tpu.dma_semaphore, #tpu.memory_space<semaphore_mem>>
      %dma_start3A_280 = arith.constant 0 : i32
      %dma_start3A_281 = tpu.memref_slice %arg5[%run_scoped3A, %dma_start3A_280] : memref<2x128xi32, #tpu.memory_space<vmem>> -> memref<1x128xi32, #tpu.memory_space<vmem>>
      %dma_start3A_282 = tpu.memref_squeeze %dma_start3A_281 : memref<1x128xi32, #tpu.memory_space<vmem>> -> memref<128xi32, #tpu.memory_space<vmem>>
      %dma_start3A_283 = arith.constant 0 : i32
      %dma_start3A_284 = arith.constant 0 : i32
      %dma_start3A_285 = tpu.memref_slice %arg17[%dma_start3A_283, %dma_start3A_284] : memref<10240x128xf32, #tpu.memory_space<vmem_shared>> -> memref<10240x128xf32, #tpu.memory_space<vmem_shared>>
      tpu.enqueue_indirect_dma source(%arg9 : memref<128x128xf32, #tpu.memory_space<vmem>>) target(%dma_start3A_285 : memref<10240x128xf32, #tpu.memory_space<vmem_shared>>) offsets(%dma_start3A_282 : memref<128xi32, #tpu.memory_space<vmem>>) semaphore(%run_scoped3A_279 : memref<!tpu.dma_semaphore, #tpu.memory_space<semaphore_mem>>) {add = true}
      %dma_wait3A_286 = arith.constant 0 : i32
      %dma_wait3A_287 = tpu.memref_slice %arg5[%run_scoped3A, %dma_wait3A_286] : memref<2x128xi32, #tpu.memory_space<vmem>> -> memref<1x128xi32, #tpu.memory_space<vmem>>
      %dma_wait3A_288 = tpu.memref_squeeze %dma_wait3A_287 : memref<1x128xi32, #tpu.memory_space<vmem>> -> memref<128xi32, #tpu.memory_space<vmem>>
      %dma_wait3A_289 = arith.constant 0 : i32
      %dma_wait3A_290 = arith.constant 0 : i32
      %dma_wait3A_291 = tpu.memref_slice %arg17[%dma_wait3A_289, %dma_wait3A_290] : memref<10240x128xf32, #tpu.memory_space<vmem_shared>> -> memref<10240x128xf32, #tpu.memory_space<vmem_shared>>
      tpu.wait_indirect_dma semaphore(%run_scoped3A_279 : memref<!tpu.dma_semaphore, #tpu.memory_space<semaphore_mem>>) src(%arg9 : memref<128x128xf32, #tpu.memory_space<vmem>>) dst(%dma_wait3A_291 : memref<10240x128xf32, #tpu.memory_space<vmem_shared>>)
      tpu.yield
    }) : () -> ()
    %dma_start3A_65 = arith.constant 2 : i32
    %dma_start3A_66 = arith.constant 0 : i32
    %dma_start3A_67 = arith.constant 0 : i32
    %dma_start3A_68 = tpu.memref_slice %arg3[%add3A, %dma_start3A_65, %dma_start3A_66, %dma_start3A_67] : memref<32x80x2x128xi32, #tpu.memory_space<hbm>> -> memref<1x1x2x128xi32, #tpu.memory_space<hbm>>
    %dma_start3A_69 = tpu.memref_squeeze %dma_start3A_68 : memref<1x1x2x128xi32, #tpu.memory_space<hbm>> -> memref<2x128xi32, #tpu.memory_space<hbm>>
    %dma_start3A_70 = arith.constant 0 : i32
    %dma_start3A_71 = arith.constant 0 : i32
    %dma_start3A_72 = tpu.memref_slice %arg3[%add3A, %dma_start3A_65, %dma_start3A_70, %dma_start3A_71] : memref<32x80x2x128xi32, #tpu.memory_space<hbm>> -> memref<1x1x2x128xi32, #tpu.memory_space<hbm>>
    %dma_start3A_73 = tpu.memref_squeeze %dma_start3A_72 : memref<1x1x2x128xi32, #tpu.memory_space<hbm>> -> memref<2x128xi32, #tpu.memory_space<hbm>>
    tpu.enqueue_dma source(%dma_start3A_73 : memref<2x128xi32, #tpu.memory_space<hbm>>) target(%arg7 : memref<2x128xi32, #tpu.memory_space<vmem>>) target_semaphore(%arg13 : memref<!tpu.dma_semaphore, #tpu.memory_space<semaphore_mem>>)
    %dma_wait3A_74 = arith.constant 0 : i32
    %dma_wait3A_75 = arith.constant 0 : i32
    %dma_wait3A_76 = tpu.memref_slice %arg6[%dma_wait3A_74, %dma_wait3A_75] : memref<2x128xi32, #tpu.memory_space<vmem>> -> memref<1x128xi32, #tpu.memory_space<vmem>>
    %dma_wait3A_77 = tpu.memref_squeeze %dma_wait3A_76 : memref<1x128xi32, #tpu.memory_space<vmem>> -> memref<128xi32, #tpu.memory_space<vmem>>
    %dma_wait3A_78 = arith.constant 0 : i32
    %dma_wait3A_79 = arith.constant 0 : i32
    %dma_wait3A_80 = tpu.memref_slice %arg2[%dma_wait3A_78, %dma_wait3A_79] : memref<10000x128xf32, #tpu.memory_space<hbm>> -> memref<10000x128xf32, #tpu.memory_space<hbm>>
    tpu.wait_indirect_dma semaphore(%arg16 : memref<!tpu.dma_semaphore, #tpu.memory_space<semaphore_mem>>) src(%dma_wait3A_80 : memref<10000x128xf32, #tpu.memory_space<hbm>>) dst(%arg10 : memref<128x128xf32, #tpu.memory_space<vmem>>)
    %dma_wait3A_81 = arith.constant 2 : i32
    %dma_wait3A_82 = arith.constant 0 : i32
    %dma_wait3A_83 = arith.constant 0 : i32
    %dma_wait3A_84 = tpu.memref_slice %arg3[%add3A, %dma_wait3A_81, %dma_wait3A_82, %dma_wait3A_83] : memref<32x80x2x128xi32, #tpu.memory_space<hbm>> -> memref<1x1x2x128xi32, #tpu.memory_space<hbm>>
    %dma_wait3A_85 = tpu.memref_squeeze %dma_wait3A_84 : memref<1x1x2x128xi32, #tpu.memory_space<hbm>> -> memref<2x128xi32, #tpu.memory_space<hbm>>
    %dma_wait3A_86 = arith.constant 0 : i32
    %dma_wait3A_87 = arith.constant 0 : i32
    %dma_wait3A_88 = tpu.memref_slice %arg3[%add3A, %dma_wait3A_81, %dma_wait3A_86, %dma_wait3A_87] : memref<32x80x2x128xi32, #tpu.memory_space<hbm>> -> memref<1x1x2x128xi32, #tpu.memory_space<hbm>>
    %dma_wait3A_89 = tpu.memref_squeeze %dma_wait3A_88 : memref<1x1x2x128xi32, #tpu.memory_space<hbm>> -> memref<2x128xi32, #tpu.memory_space<hbm>>
    tpu.wait_dma2 semaphore(%arg13 : memref<!tpu.dma_semaphore, #tpu.memory_space<semaphore_mem>>) src(%dma_wait3A_89 : memref<2x128xi32, #tpu.memory_space<hbm>>) dst(%arg7 : memref<2x128xi32, #tpu.memory_space<vmem>>)
    %dma_start3A_90 = arith.constant 0 : i32
    %dma_start3A_91 = arith.constant 0 : i32
    %dma_start3A_92 = tpu.memref_slice %arg7[%dma_start3A_90, %dma_start3A_91] : memref<2x128xi32, #tpu.memory_space<vmem>> -> memref<1x128xi32, #tpu.memory_space<vmem>>
    %dma_start3A_93 = tpu.memref_squeeze %dma_start3A_92 : memref<1x128xi32, #tpu.memory_space<vmem>> -> memref<128xi32, #tpu.memory_space<vmem>>
    %dma_start3A_94 = arith.constant 0 : i32
    %dma_start3A_95 = arith.constant 0 : i32
    %dma_start3A_96 = tpu.memref_slice %arg2[%dma_start3A_94, %dma_start3A_95] : memref<10000x128xf32, #tpu.memory_space<hbm>> -> memref<10000x128xf32, #tpu.memory_space<hbm>>
    tpu.enqueue_indirect_dma source(%dma_start3A_96 : memref<10000x128xf32, #tpu.memory_space<hbm>>) target(%arg9 : memref<128x128xf32, #tpu.memory_space<vmem>>) offsets(%dma_start3A_93 : memref<128xi32, #tpu.memory_space<vmem>>) semaphore(%arg15 : memref<!tpu.dma_semaphore, #tpu.memory_space<semaphore_mem>>)
    %run_scoped3A_97 = arith.constant 1 : i32
    "tpu.region"() ({
      %run_scoped3A_279 = tpu.sem_alloc : memref<!tpu.dma_semaphore, #tpu.memory_space<semaphore_mem>>
      %dma_start3A_280 = arith.constant 0 : i32
      %dma_start3A_281 = tpu.memref_slice %arg6[%run_scoped3A_97, %dma_start3A_280] : memref<2x128xi32, #tpu.memory_space<vmem>> -> memref<1x128xi32, #tpu.memory_space<vmem>>
      %dma_start3A_282 = tpu.memref_squeeze %dma_start3A_281 : memref<1x128xi32, #tpu.memory_space<vmem>> -> memref<128xi32, #tpu.memory_space<vmem>>
      %dma_start3A_283 = arith.constant 0 : i32
      %dma_start3A_284 = arith.constant 0 : i32
      %dma_start3A_285 = tpu.memref_slice %arg17[%dma_start3A_283, %dma_start3A_284] : memref<10240x128xf32, #tpu.memory_space<vmem_shared>> -> memref<10240x128xf32, #tpu.memory_space<vmem_shared>>
      tpu.enqueue_indirect_dma source(%arg10 : memref<128x128xf32, #tpu.memory_space<vmem>>) target(%dma_start3A_285 : memref<10240x128xf32, #tpu.memory_space<vmem_shared>>) offsets(%dma_start3A_282 : memref<128xi32, #tpu.memory_space<vmem>>) semaphore(%run_scoped3A_279 : memref<!tpu.dma_semaphore, #tpu.memory_space<semaphore_mem>>) {add = true}
      %dma_wait3A_286 = arith.constant 0 : i32
      %dma_wait3A_287 = tpu.memref_slice %arg6[%run_scoped3A_97, %dma_wait3A_286] : memref<2x128xi32, #tpu.memory_space<vmem>> -> memref<1x128xi32, #tpu.memory_space<vmem>>
      %dma_wait3A_288 = tpu.memref_squeeze %dma_wait3A_287 : memref<1x128xi32, #tpu.memory_space<vmem>> -> memref<128xi32, #tpu.memory_space<vmem>>
      %dma_wait3A_289 = arith.constant 0 : i32
      %dma_wait3A_290 = arith.constant 0 : i32
      %dma_wait3A_291 = tpu.memref_slice %arg17[%dma_wait3A_289, %dma_wait3A_290] : memref<10240x128xf32, #tpu.memory_space<vmem_shared>> -> memref<10240x128xf32, #tpu.memory_space<vmem_shared>>
      tpu.wait_indirect_dma semaphore(%run_scoped3A_279 : memref<!tpu.dma_semaphore, #tpu.memory_space<semaphore_mem>>) src(%arg10 : memref<128x128xf32, #tpu.memory_space<vmem>>) dst(%dma_wait3A_291 : memref<10240x128xf32, #tpu.memory_space<vmem_shared>>)
      tpu.yield
    }) : () -> ()
    %dma_start3A_98 = arith.constant 3 : i32
    %dma_start3A_99 = arith.constant 0 : i32
    %dma_start3A_100 = arith.constant 0 : i32
    %dma_start3A_101 = tpu.memref_slice %arg3[%add3A, %dma_start3A_98, %dma_start3A_99, %dma_start3A_100] : memref<32x80x2x128xi32, #tpu.memory_space<hbm>> -> memref<1x1x2x128xi32, #tpu.memory_space<hbm>>
    %dma_start3A_102 = tpu.memref_squeeze %dma_start3A_101 : memref<1x1x2x128xi32, #tpu.memory_space<hbm>> -> memref<2x128xi32, #tpu.memory_space<hbm>>
    %dma_start3A_103 = arith.constant 0 : i32
    %dma_start3A_104 = arith.constant 0 : i32
    %dma_start3A_105 = tpu.memref_slice %arg3[%add3A, %dma_start3A_98, %dma_start3A_103, %dma_start3A_104] : memref<32x80x2x128xi32, #tpu.memory_space<hbm>> -> memref<1x1x2x128xi32, #tpu.memory_space<hbm>>
    %dma_start3A_106 = tpu.memref_squeeze %dma_start3A_105 : memref<1x1x2x128xi32, #tpu.memory_space<hbm>> -> memref<2x128xi32, #tpu.memory_space<hbm>>
    tpu.enqueue_dma source(%dma_start3A_106 : memref<2x128xi32, #tpu.memory_space<hbm>>) target(%arg8 : memref<2x128xi32, #tpu.memory_space<vmem>>) target_semaphore(%arg14 : memref<!tpu.dma_semaphore, #tpu.memory_space<semaphore_mem>>)
    %dma_wait3A_107 = arith.constant 0 : i32
    %dma_wait3A_108 = arith.constant 0 : i32
    %dma_wait3A_109 = tpu.memref_slice %arg7[%dma_wait3A_107, %dma_wait3A_108] : memref<2x128xi32, #tpu.memory_space<vmem>> -> memref<1x128xi32, #tpu.memory_space<vmem>>
    %dma_wait3A_110 = tpu.memref_squeeze %dma_wait3A_109 : memref<1x128xi32, #tpu.memory_space<vmem>> -> memref<128xi32, #tpu.memory_space<vmem>>
    %dma_wait3A_111 = arith.constant 0 : i32
    %dma_wait3A_112 = arith.constant 0 : i32
    %dma_wait3A_113 = tpu.memref_slice %arg2[%dma_wait3A_111, %dma_wait3A_112] : memref<10000x128xf32, #tpu.memory_space<hbm>> -> memref<10000x128xf32, #tpu.memory_space<hbm>>
    tpu.wait_indirect_dma semaphore(%arg15 : memref<!tpu.dma_semaphore, #tpu.memory_space<semaphore_mem>>) src(%dma_wait3A_113 : memref<10000x128xf32, #tpu.memory_space<hbm>>) dst(%arg9 : memref<128x128xf32, #tpu.memory_space<vmem>>)
    %dma_wait3A_114 = arith.constant 3 : i32
    %dma_wait3A_115 = arith.constant 0 : i32
    %dma_wait3A_116 = arith.constant 0 : i32
    %dma_wait3A_117 = tpu.memref_slice %arg3[%add3A, %dma_wait3A_114, %dma_wait3A_115, %dma_wait3A_116] : memref<32x80x2x128xi32, #tpu.memory_space<hbm>> -> memref<1x1x2x128xi32, #tpu.memory_space<hbm>>
    %dma_wait3A_118 = tpu.memref_squeeze %dma_wait3A_117 : memref<1x1x2x128xi32, #tpu.memory_space<hbm>> -> memref<2x128xi32, #tpu.memory_space<hbm>>
    %dma_wait3A_119 = arith.constant 0 : i32
    %dma_wait3A_120 = arith.constant 0 : i32
    %dma_wait3A_121 = tpu.memref_slice %arg3[%add3A, %dma_wait3A_114, %dma_wait3A_119, %dma_wait3A_120] : memref<32x80x2x128xi32, #tpu.memory_space<hbm>> -> memref<1x1x2x128xi32, #tpu.memory_space<hbm>>
    %dma_wait3A_122 = tpu.memref_squeeze %dma_wait3A_121 : memref<1x1x2x128xi32, #tpu.memory_space<hbm>> -> memref<2x128xi32, #tpu.memory_space<hbm>>
    tpu.wait_dma2 semaphore(%arg14 : memref<!tpu.dma_semaphore, #tpu.memory_space<semaphore_mem>>) src(%dma_wait3A_122 : memref<2x128xi32, #tpu.memory_space<hbm>>) dst(%arg8 : memref<2x128xi32, #tpu.memory_space<vmem>>)
    %dma_start3A_123 = arith.constant 0 : i32
    %dma_start3A_124 = arith.constant 0 : i32
    %dma_start3A_125 = tpu.memref_slice %arg8[%dma_start3A_123, %dma_start3A_124] : memref<2x128xi32, #tpu.memory_space<vmem>> -> memref<1x128xi32, #tpu.memory_space<vmem>>
    %dma_start3A_126 = tpu.memref_squeeze %dma_start3A_125 : memref<1x128xi32, #tpu.memory_space<vmem>> -> memref<128xi32, #tpu.memory_space<vmem>>
    %dma_start3A_127 = arith.constant 0 : i32
    %dma_start3A_128 = arith.constant 0 : i32
    %dma_start3A_129 = tpu.memref_slice %arg2[%dma_start3A_127, %dma_start3A_128] : memref<10000x128xf32, #tpu.memory_space<hbm>> -> memref<10000x128xf32, #tpu.memory_space<hbm>>
    tpu.enqueue_indirect_dma source(%dma_start3A_129 : memref<10000x128xf32, #tpu.memory_space<hbm>>) target(%arg10 : memref<128x128xf32, #tpu.memory_space<vmem>>) offsets(%dma_start3A_126 : memref<128xi32, #tpu.memory_space<vmem>>) semaphore(%arg16 : memref<!tpu.dma_semaphore, #tpu.memory_space<semaphore_mem>>)
    %run_scoped3A_130 = arith.constant 1 : i32
    "tpu.region"() ({
      %run_scoped3A_279 = tpu.sem_alloc : memref<!tpu.dma_semaphore, #tpu.memory_space<semaphore_mem>>
      %dma_start3A_280 = arith.constant 0 : i32
      %dma_start3A_281 = tpu.memref_slice %arg7[%run_scoped3A_130, %dma_start3A_280] : memref<2x128xi32, #tpu.memory_space<vmem>> -> memref<1x128xi32, #tpu.memory_space<vmem>>
      %dma_start3A_282 = tpu.memref_squeeze %dma_start3A_281 : memref<1x128xi32, #tpu.memory_space<vmem>> -> memref<128xi32, #tpu.memory_space<vmem>>
      %dma_start3A_283 = arith.constant 0 : i32
      %dma_start3A_284 = arith.constant 0 : i32
      %dma_start3A_285 = tpu.memref_slice %arg17[%dma_start3A_283, %dma_start3A_284] : memref<10240x128xf32, #tpu.memory_space<vmem_shared>> -> memref<10240x128xf32, #tpu.memory_space<vmem_shared>>
      tpu.enqueue_indirect_dma source(%arg9 : memref<128x128xf32, #tpu.memory_space<vmem>>) target(%dma_start3A_285 : memref<10240x128xf32, #tpu.memory_space<vmem_shared>>) offsets(%dma_start3A_282 : memref<128xi32, #tpu.memory_space<vmem>>) semaphore(%run_scoped3A_279 : memref<!tpu.dma_semaphore, #tpu.memory_space<semaphore_mem>>) {add = true}
      %dma_wait3A_286 = arith.constant 0 : i32
      %dma_wait3A_287 = tpu.memref_slice %arg7[%run_scoped3A_130, %dma_wait3A_286] : memref<2x128xi32, #tpu.memory_space<vmem>> -> memref<1x128xi32, #tpu.memory_space<vmem>>
      %dma_wait3A_288 = tpu.memref_squeeze %dma_wait3A_287 : memref<1x128xi32, #tpu.memory_space<vmem>> -> memref<128xi32, #tpu.memory_space<vmem>>
      %dma_wait3A_289 = arith.constant 0 : i32
      %dma_wait3A_290 = arith.constant 0 : i32
      %dma_wait3A_291 = tpu.memref_slice %arg17[%dma_wait3A_289, %dma_wait3A_290] : memref<10240x128xf32, #tpu.memory_space<vmem_shared>> -> memref<10240x128xf32, #tpu.memory_space<vmem_shared>>
      tpu.wait_indirect_dma semaphore(%run_scoped3A_279 : memref<!tpu.dma_semaphore, #tpu.memory_space<semaphore_mem>>) src(%arg9 : memref<128x128xf32, #tpu.memory_space<vmem>>) dst(%dma_wait3A_291 : memref<10240x128xf32, #tpu.memory_space<vmem_shared>>)
      tpu.yield
    }) : () -> ()
    %dma_start3A_131 = arith.constant 4 : i32
    %dma_start3A_132 = arith.constant 0 : i32
    %dma_start3A_133 = arith.constant 0 : i32
    %dma_start3A_134 = tpu.memref_slice %arg3[%add3A, %dma_start3A_131, %dma_start3A_132, %dma_start3A_133] : memref<32x80x2x128xi32, #tpu.memory_space<hbm>> -> memref<1x1x2x128xi32, #tpu.memory_space<hbm>>
    %dma_start3A_135 = tpu.memref_squeeze %dma_start3A_134 : memref<1x1x2x128xi32, #tpu.memory_space<hbm>> -> memref<2x128xi32, #tpu.memory_space<hbm>>
    %dma_start3A_136 = arith.constant 0 : i32
    %dma_start3A_137 = arith.constant 0 : i32
    %dma_start3A_138 = tpu.memref_slice %arg3[%add3A, %dma_start3A_131, %dma_start3A_136, %dma_start3A_137] : memref<32x80x2x128xi32, #tpu.memory_space<hbm>> -> memref<1x1x2x128xi32, #tpu.memory_space<hbm>>
    %dma_start3A_139 = tpu.memref_squeeze %dma_start3A_138 : memref<1x1x2x128xi32, #tpu.memory_space<hbm>> -> memref<2x128xi32, #tpu.memory_space<hbm>>
    tpu.enqueue_dma source(%dma_start3A_139 : memref<2x128xi32, #tpu.memory_space<hbm>>) target(%arg5 : memref<2x128xi32, #tpu.memory_space<vmem>>) target_semaphore(%arg11 : memref<!tpu.dma_semaphore, #tpu.memory_space<semaphore_mem>>)
    %dma_wait3A_140 = arith.constant 0 : i32
    %dma_wait3A_141 = arith.constant 0 : i32
    %dma_wait3A_142 = tpu.memref_slice %arg8[%dma_wait3A_140, %dma_wait3A_141] : memref<2x128xi32, #tpu.memory_space<vmem>> -> memref<1x128xi32, #tpu.memory_space<vmem>>
    %dma_wait3A_143 = tpu.memref_squeeze %dma_wait3A_142 : memref<1x128xi32, #tpu.memory_space<vmem>> -> memref<128xi32, #tpu.memory_space<vmem>>
    %dma_wait3A_144 = arith.constant 0 : i32
    %dma_wait3A_145 = arith.constant 0 : i32
    %dma_wait3A_146 = tpu.memref_slice %arg2[%dma_wait3A_144, %dma_wait3A_145] : memref<10000x128xf32, #tpu.memory_space<hbm>> -> memref<10000x128xf32, #tpu.memory_space<hbm>>
    tpu.wait_indirect_dma semaphore(%arg16 : memref<!tpu.dma_semaphore, #tpu.memory_space<semaphore_mem>>) src(%dma_wait3A_146 : memref<10000x128xf32, #tpu.memory_space<hbm>>) dst(%arg10 : memref<128x128xf32, #tpu.memory_space<vmem>>)
    %dma_wait3A_147 = arith.constant 4 : i32
    %dma_wait3A_148 = arith.constant 0 : i32
    %dma_wait3A_149 = arith.constant 0 : i32
    %dma_wait3A_150 = tpu.memref_slice %arg3[%add3A, %dma_wait3A_147, %dma_wait3A_148, %dma_wait3A_149] : memref<32x80x2x128xi32, #tpu.memory_space<hbm>> -> memref<1x1x2x128xi32, #tpu.memory_space<hbm>>
    %dma_wait3A_151 = tpu.memref_squeeze %dma_wait3A_150 : memref<1x1x2x128xi32, #tpu.memory_space<hbm>> -> memref<2x128xi32, #tpu.memory_space<hbm>>
    %dma_wait3A_152 = arith.constant 0 : i32
    %dma_wait3A_153 = arith.constant 0 : i32
    %dma_wait3A_154 = tpu.memref_slice %arg3[%add3A, %dma_wait3A_147, %dma_wait3A_152, %dma_wait3A_153] : memref<32x80x2x128xi32, #tpu.memory_space<hbm>> -> memref<1x1x2x128xi32, #tpu.memory_space<hbm>>
    %dma_wait3A_155 = tpu.memref_squeeze %dma_wait3A_154 : memref<1x1x2x128xi32, #tpu.memory_space<hbm>> -> memref<2x128xi32, #tpu.memory_space<hbm>>
    tpu.wait_dma2 semaphore(%arg11 : memref<!tpu.dma_semaphore, #tpu.memory_space<semaphore_mem>>) src(%dma_wait3A_155 : memref<2x128xi32, #tpu.memory_space<hbm>>) dst(%arg5 : memref<2x128xi32, #tpu.memory_space<vmem>>)
    %dma_start3A_156 = arith.constant 0 : i32
    %dma_start3A_157 = arith.constant 0 : i32
    %dma_start3A_158 = tpu.memref_slice %arg5[%dma_start3A_156, %dma_start3A_157] : memref<2x128xi32, #tpu.memory_space<vmem>> -> memref<1x128xi32, #tpu.memory_space<vmem>>
    %dma_start3A_159 = tpu.memref_squeeze %dma_start3A_158 : memref<1x128xi32, #tpu.memory_space<vmem>> -> memref<128xi32, #tpu.memory_space<vmem>>
    %dma_start3A_160 = arith.constant 0 : i32
    %dma_start3A_161 = arith.constant 0 : i32
    %dma_start3A_162 = tpu.memref_slice %arg2[%dma_start3A_160, %dma_start3A_161] : memref<10000x128xf32, #tpu.memory_space<hbm>> -> memref<10000x128xf32, #tpu.memory_space<hbm>>
    tpu.enqueue_indirect_dma source(%dma_start3A_162 : memref<10000x128xf32, #tpu.memory_space<hbm>>) target(%arg9 : memref<128x128xf32, #tpu.memory_space<vmem>>) offsets(%dma_start3A_159 : memref<128xi32, #tpu.memory_space<vmem>>) semaphore(%arg15 : memref<!tpu.dma_semaphore, #tpu.memory_space<semaphore_mem>>)
    %run_scoped3A_163 = arith.constant 1 : i32
    "tpu.region"() ({
      %run_scoped3A_279 = tpu.sem_alloc : memref<!tpu.dma_semaphore, #tpu.memory_space<semaphore_mem>>
      %dma_start3A_280 = arith.constant 0 : i32
      %dma_start3A_281 = tpu.memref_slice %arg8[%run_scoped3A_163, %dma_start3A_280] : memref<2x128xi32, #tpu.memory_space<vmem>> -> memref<1x128xi32, #tpu.memory_space<vmem>>
      %dma_start3A_282 = tpu.memref_squeeze %dma_start3A_281 : memref<1x128xi32, #tpu.memory_space<vmem>> -> memref<128xi32, #tpu.memory_space<vmem>>
      %dma_start3A_283 = arith.constant 0 : i32
      %dma_start3A_284 = arith.constant 0 : i32
      %dma_start3A_285 = tpu.memref_slice %arg17[%dma_start3A_283, %dma_start3A_284] : memref<10240x128xf32, #tpu.memory_space<vmem_shared>> -> memref<10240x128xf32, #tpu.memory_space<vmem_shared>>
      tpu.enqueue_indirect_dma source(%arg10 : memref<128x128xf32, #tpu.memory_space<vmem>>) target(%dma_start3A_285 : memref<10240x128xf32, #tpu.memory_space<vmem_shared>>) offsets(%dma_start3A_282 : memref<128xi32, #tpu.memory_space<vmem>>) semaphore(%run_scoped3A_279 : memref<!tpu.dma_semaphore, #tpu.memory_space<semaphore_mem>>) {add = true}
      %dma_wait3A_286 = arith.constant 0 : i32
      %dma_wait3A_287 = tpu.memref_slice %arg8[%run_scoped3A_163, %dma_wait3A_286] : memref<2x128xi32, #tpu.memory_space<vmem>> -> memref<1x128xi32, #tpu.memory_space<vmem>>
      %dma_wait3A_288 = tpu.memref_squeeze %dma_wait3A_287 : memref<1x128xi32, #tpu.memory_space<vmem>> -> memref<128xi32, #tpu.memory_space<vmem>>
      %dma_wait3A_289 = arith.constant 0 : i32
      %dma_wait3A_290 = arith.constant 0 : i32
      %dma_wait3A_291 = tpu.memref_slice %arg17[%dma_wait3A_289, %dma_wait3A_290] : memref<10240x128xf32, #tpu.memory_space<vmem_shared>> -> memref<10240x128xf32, #tpu.memory_space<vmem_shared>>
      tpu.wait_indirect_dma semaphore(%run_scoped3A_279 : memref<!tpu.dma_semaphore, #tpu.memory_space<semaphore_mem>>) src(%arg10 : memref<128x128xf32, #tpu.memory_space<vmem>>) dst(%dma_wait3A_291 : memref<10240x128xf32, #tpu.memory_space<vmem_shared>>)
      tpu.yield
    }) : () -> ()
    %dma_start3A_164 = arith.constant 5 : i32
    %dma_start3A_165 = arith.constant 0 : i32
    %dma_start3A_166 = arith.constant 0 : i32
    %dma_start3A_167 = tpu.memref_slice %arg3[%add3A, %dma_start3A_164, %dma_start3A_165, %dma_start3A_166] : memref<32x80x2x128xi32, #tpu.memory_space<hbm>> -> memref<1x1x2x128xi32, #tpu.memory_space<hbm>>
    %dma_start3A_168 = tpu.memref_squeeze %dma_start3A_167 : memref<1x1x2x128xi32, #tpu.memory_space<hbm>> -> memref<2x128xi32, #tpu.memory_space<hbm>>
    %dma_start3A_169 = arith.constant 0 : i32
    %dma_start3A_170 = arith.constant 0 : i32
    %dma_start3A_171 = tpu.memref_slice %arg3[%add3A, %dma_start3A_164, %dma_start3A_169, %dma_start3A_170] : memref<32x80x2x128xi32, #tpu.memory_space<hbm>> -> memref<1x1x2x128xi32, #tpu.memory_space<hbm>>
    %dma_start3A_172 = tpu.memref_squeeze %dma_start3A_171 : memref<1x1x2x128xi32, #tpu.memory_space<hbm>> -> memref<2x128xi32, #tpu.memory_space<hbm>>
    tpu.enqueue_dma source(%dma_start3A_172 : memref<2x128xi32, #tpu.memory_space<hbm>>) target(%arg6 : memref<2x128xi32, #tpu.memory_space<vmem>>) target_semaphore(%arg12 : memref<!tpu.dma_semaphore, #tpu.memory_space<semaphore_mem>>)
    %scan3A_173 = arith.constant 0 : i32
    %scan3A_174 = arith.constant 18 : i32
    %scan3A_175 = arith.addi %scan3A_173, %scan3A_174 : i32
    %scan3A_176 = arith.constant 1 : i32
    scf.for %scan3A_279 = %scan3A_173 to %scan3A_175 step %scan3A_176  : i32 {
      %mul3A_280 = arith.constant 4 : i32
      %mul3A_281 = arith.muli %scan3A_279, %mul3A_280 : i32
      %add3A_282 = arith.constant 4 : i32
      %add3A_283 = arith.addi %add3A_282, %mul3A_281 : i32
      %add3A_284 = arith.constant 0 : i32
      %add3A_285 = arith.addi %add3A_283, %add3A_284 : i32
      %dma_wait3A_286 = arith.constant 0 : i32
      %dma_wait3A_287 = arith.constant 0 : i32
      %dma_wait3A_288 = tpu.memref_slice %arg5[%dma_wait3A_286, %dma_wait3A_287] : memref<2x128xi32, #tpu.memory_space<vmem>> -> memref<1x128xi32, #tpu.memory_space<vmem>>
      %dma_wait3A_289 = tpu.memref_squeeze %dma_wait3A_288 : memref<1x128xi32, #tpu.memory_space<vmem>> -> memref<128xi32, #tpu.memory_space<vmem>>
      %dma_wait3A_290 = arith.constant 0 : i32
      %dma_wait3A_291 = arith.constant 0 : i32
      %dma_wait3A_292 = tpu.memref_slice %arg2[%dma_wait3A_290, %dma_wait3A_291] : memref<10000x128xf32, #tpu.memory_space<hbm>> -> memref<10000x128xf32, #tpu.memory_space<hbm>>
      tpu.wait_indirect_dma semaphore(%arg15 : memref<!tpu.dma_semaphore, #tpu.memory_space<semaphore_mem>>) src(%dma_wait3A_292 : memref<10000x128xf32, #tpu.memory_space<hbm>>) dst(%arg9 : memref<128x128xf32, #tpu.memory_space<vmem>>)
      %add3A_293 = arith.constant 1 : i32
      %add3A_294 = arith.addi %add3A_285, %add3A_293 : i32
      %dma_wait3A_295 = arith.constant 0 : i32
      %dma_wait3A_296 = arith.constant 0 : i32
      %dma_wait3A_297 = tpu.memref_slice %arg3[%add3A, %add3A_294, %dma_wait3A_295, %dma_wait3A_296] : memref<32x80x2x128xi32, #tpu.memory_space<hbm>> -> memref<1x1x2x128xi32, #tpu.memory_space<hbm>>
      %dma_wait3A_298 = tpu.memref_squeeze %dma_wait3A_297 : memref<1x1x2x128xi32, #tpu.memory_space<hbm>> -> memref<2x128xi32, #tpu.memory_space<hbm>>
      %dma_wait3A_299 = arith.constant 0 : i32
      %dma_wait3A_300 = arith.constant 0 : i32
      %dma_wait3A_301 = tpu.memref_slice %arg3[%add3A, %add3A_294, %dma_wait3A_299, %dma_wait3A_300] : memref<32x80x2x128xi32, #tpu.memory_space<hbm>> -> memref<1x1x2x128xi32, #tpu.memory_space<hbm>>
      %dma_wait3A_302 = tpu.memref_squeeze %dma_wait3A_301 : memref<1x1x2x128xi32, #tpu.memory_space<hbm>> -> memref<2x128xi32, #tpu.memory_space<hbm>>
      tpu.wait_dma2 semaphore(%arg12 : memref<!tpu.dma_semaphore, #tpu.memory_space<semaphore_mem>>) src(%dma_wait3A_302 : memref<2x128xi32, #tpu.memory_space<hbm>>) dst(%arg6 : memref<2x128xi32, #tpu.memory_space<vmem>>)
      %dma_start3A_303 = arith.constant 0 : i32
      %dma_start3A_304 = arith.constant 0 : i32
      %dma_start3A_305 = tpu.memref_slice %arg6[%dma_start3A_303, %dma_start3A_304] : memref<2x128xi32, #tpu.memory_space<vmem>> -> memref<1x128xi32, #tpu.memory_space<vmem>>
      %dma_start3A_306 = tpu.memref_squeeze %dma_start3A_305 : memref<1x128xi32, #tpu.memory_space<vmem>> -> memref<128xi32, #tpu.memory_space<vmem>>
      %dma_start3A_307 = arith.constant 0 : i32
      %dma_start3A_308 = arith.constant 0 : i32
      %dma_start3A_309 = tpu.memref_slice %arg2[%dma_start3A_307, %dma_start3A_308] : memref<10000x128xf32, #tpu.memory_space<hbm>> -> memref<10000x128xf32, #tpu.memory_space<hbm>>
      tpu.enqueue_indirect_dma source(%dma_start3A_309 : memref<10000x128xf32, #tpu.memory_space<hbm>>) target(%arg10 : memref<128x128xf32, #tpu.memory_space<vmem>>) offsets(%dma_start3A_306 : memref<128xi32, #tpu.memory_space<vmem>>) semaphore(%arg16 : memref<!tpu.dma_semaphore, #tpu.memory_space<semaphore_mem>>)
      %run_scoped3A_310 = arith.constant 1 : i32
      "tpu.region"() ({
        %run_scoped3A_432 = tpu.sem_alloc : memref<!tpu.dma_semaphore, #tpu.memory_space<semaphore_mem>>
        %dma_start3A_433 = arith.constant 0 : i32
        %dma_start3A_434 = tpu.memref_slice %arg5[%run_scoped3A_310, %dma_start3A_433] : memref<2x128xi32, #tpu.memory_space<vmem>> -> memref<1x128xi32, #tpu.memory_space<vmem>>
        %dma_start3A_435 = tpu.memref_squeeze %dma_start3A_434 : memref<1x128xi32, #tpu.memory_space<vmem>> -> memref<128xi32, #tpu.memory_space<vmem>>
        %dma_start3A_436 = arith.constant 0 : i32
        %dma_start3A_437 = arith.constant 0 : i32
        %dma_start3A_438 = tpu.memref_slice %arg17[%dma_start3A_436, %dma_start3A_437] : memref<10240x128xf32, #tpu.memory_space<vmem_shared>> -> memref<10240x128xf32, #tpu.memory_space<vmem_shared>>
        tpu.enqueue_indirect_dma source(%arg9 : memref<128x128xf32, #tpu.memory_space<vmem>>) target(%dma_start3A_438 : memref<10240x128xf32, #tpu.memory_space<vmem_shared>>) offsets(%dma_start3A_435 : memref<128xi32, #tpu.memory_space<vmem>>) semaphore(%run_scoped3A_432 : memref<!tpu.dma_semaphore, #tpu.memory_space<semaphore_mem>>) {add = true}
        %dma_wait3A_439 = arith.constant 0 : i32
        %dma_wait3A_440 = tpu.memref_slice %arg5[%run_scoped3A_310, %dma_wait3A_439] : memref<2x128xi32, #tpu.memory_space<vmem>> -> memref<1x128xi32, #tpu.memory_space<vmem>>
        %dma_wait3A_441 = tpu.memref_squeeze %dma_wait3A_440 : memref<1x128xi32, #tpu.memory_space<vmem>> -> memref<128xi32, #tpu.memory_space<vmem>>
        %dma_wait3A_442 = arith.constant 0 : i32
        %dma_wait3A_443 = arith.constant 0 : i32
        %dma_wait3A_444 = tpu.memref_slice %arg17[%dma_wait3A_442, %dma_wait3A_443] : memref<10240x128xf32, #tpu.memory_space<vmem_shared>> -> memref<10240x128xf32, #tpu.memory_space<vmem_shared>>
        tpu.wait_indirect_dma semaphore(%run_scoped3A_432 : memref<!tpu.dma_semaphore, #tpu.memory_space<semaphore_mem>>) src(%arg9 : memref<128x128xf32, #tpu.memory_space<vmem>>) dst(%dma_wait3A_444 : memref<10240x128xf32, #tpu.memory_space<vmem_shared>>)
        tpu.yield
      }) : () -> ()
      %add3A_311 = arith.constant 2 : i32
      %add3A_312 = arith.addi %add3A_285, %add3A_311 : i32
      %dma_start3A_313 = arith.constant 0 : i32
      %dma_start3A_314 = arith.constant 0 : i32
      %dma_start3A_315 = tpu.memref_slice %arg3[%add3A, %add3A_312, %dma_start3A_313, %dma_start3A_314] : memref<32x80x2x128xi32, #tpu.memory_space<hbm>> -> memref<1x1x2x128xi32, #tpu.memory_space<hbm>>
      %dma_start3A_316 = tpu.memref_squeeze %dma_start3A_315 : memref<1x1x2x128xi32, #tpu.memory_space<hbm>> -> memref<2x128xi32, #tpu.memory_space<hbm>>
      %dma_start3A_317 = arith.constant 0 : i32
      %dma_start3A_318 = arith.constant 0 : i32
      %dma_start3A_319 = tpu.memref_slice %arg3[%add3A, %add3A_312, %dma_start3A_317, %dma_start3A_318] : memref<32x80x2x128xi32, #tpu.memory_space<hbm>> -> memref<1x1x2x128xi32, #tpu.memory_space<hbm>>
      %dma_start3A_320 = tpu.memref_squeeze %dma_start3A_319 : memref<1x1x2x128xi32, #tpu.memory_space<hbm>> -> memref<2x128xi32, #tpu.memory_space<hbm>>
      tpu.enqueue_dma source(%dma_start3A_320 : memref<2x128xi32, #tpu.memory_space<hbm>>) target(%arg7 : memref<2x128xi32, #tpu.memory_space<vmem>>) target_semaphore(%arg13 : memref<!tpu.dma_semaphore, #tpu.memory_space<semaphore_mem>>)
      %add3A_321 = arith.constant 1 : i32
      %add3A_322 = arith.addi %add3A_283, %add3A_321 : i32
      %dma_wait3A_323 = arith.constant 0 : i32
      %dma_wait3A_324 = arith.constant 0 : i32
      %dma_wait3A_325 = tpu.memref_slice %arg6[%dma_wait3A_323, %dma_wait3A_324] : memref<2x128xi32, #tpu.memory_space<vmem>> -> memref<1x128xi32, #tpu.memory_space<vmem>>
      %dma_wait3A_326 = tpu.memref_squeeze %dma_wait3A_325 : memref<1x128xi32, #tpu.memory_space<vmem>> -> memref<128xi32, #tpu.memory_space<vmem>>
      %dma_wait3A_327 = arith.constant 0 : i32
      %dma_wait3A_328 = arith.constant 0 : i32
      %dma_wait3A_329 = tpu.memref_slice %arg2[%dma_wait3A_327, %dma_wait3A_328] : memref<10000x128xf32, #tpu.memory_space<hbm>> -> memref<10000x128xf32, #tpu.memory_space<hbm>>
      tpu.wait_indirect_dma semaphore(%arg16 : memref<!tpu.dma_semaphore, #tpu.memory_space<semaphore_mem>>) src(%dma_wait3A_329 : memref<10000x128xf32, #tpu.memory_space<hbm>>) dst(%arg10 : memref<128x128xf32, #tpu.memory_space<vmem>>)
      %add3A_330 = arith.constant 1 : i32
      %add3A_331 = arith.addi %add3A_322, %add3A_330 : i32
      %dma_wait3A_332 = arith.constant 0 : i32
      %dma_wait3A_333 = arith.constant 0 : i32
      %dma_wait3A_334 = tpu.memref_slice %arg3[%add3A, %add3A_331, %dma_wait3A_332, %dma_wait3A_333] : memref<32x80x2x128xi32, #tpu.memory_space<hbm>> -> memref<1x1x2x128xi32, #tpu.memory_space<hbm>>
      %dma_wait3A_335 = tpu.memref_squeeze %dma_wait3A_334 : memref<1x1x2x128xi32, #tpu.memory_space<hbm>> -> memref<2x128xi32, #tpu.memory_space<hbm>>
      %dma_wait3A_336 = arith.constant 0 : i32
      %dma_wait3A_337 = arith.constant 0 : i32
      %dma_wait3A_338 = tpu.memref_slice %arg3[%add3A, %add3A_331, %dma_wait3A_336, %dma_wait3A_337] : memref<32x80x2x128xi32, #tpu.memory_space<hbm>> -> memref<1x1x2x128xi32, #tpu.memory_space<hbm>>
      %dma_wait3A_339 = tpu.memref_squeeze %dma_wait3A_338 : memref<1x1x2x128xi32, #tpu.memory_space<hbm>> -> memref<2x128xi32, #tpu.memory_space<hbm>>
      tpu.wait_dma2 semaphore(%arg13 : memref<!tpu.dma_semaphore, #tpu.memory_space<semaphore_mem>>) src(%dma_wait3A_339 : memref<2x128xi32, #tpu.memory_space<hbm>>) dst(%arg7 : memref<2x128xi32, #tpu.memory_space<vmem>>)
      %dma_start3A_340 = arith.constant 0 : i32
      %dma_start3A_341 = arith.constant 0 : i32
      %dma_start3A_342 = tpu.memref_slice %arg7[%dma_start3A_340, %dma_start3A_341] : memref<2x128xi32, #tpu.memory_space<vmem>> -> memref<1x128xi32, #tpu.memory_space<vmem>>
      %dma_start3A_343 = tpu.memref_squeeze %dma_start3A_342 : memref<1x128xi32, #tpu.memory_space<vmem>> -> memref<128xi32, #tpu.memory_space<vmem>>
      %dma_start3A_344 = arith.constant 0 : i32
      %dma_start3A_345 = arith.constant 0 : i32
      %dma_start3A_346 = tpu.memref_slice %arg2[%dma_start3A_344, %dma_start3A_345] : memref<10000x128xf32, #tpu.memory_space<hbm>> -> memref<10000x128xf32, #tpu.memory_space<hbm>>
      tpu.enqueue_indirect_dma source(%dma_start3A_346 : memref<10000x128xf32, #tpu.memory_space<hbm>>) target(%arg9 : memref<128x128xf32, #tpu.memory_space<vmem>>) offsets(%dma_start3A_343 : memref<128xi32, #tpu.memory_space<vmem>>) semaphore(%arg15 : memref<!tpu.dma_semaphore, #tpu.memory_space<semaphore_mem>>)
      %run_scoped3A_347 = arith.constant 1 : i32
      "tpu.region"() ({
        %run_scoped3A_432 = tpu.sem_alloc : memref<!tpu.dma_semaphore, #tpu.memory_space<semaphore_mem>>
        %dma_start3A_433 = arith.constant 0 : i32
        %dma_start3A_434 = tpu.memref_slice %arg6[%run_scoped3A_347, %dma_start3A_433] : memref<2x128xi32, #tpu.memory_space<vmem>> -> memref<1x128xi32, #tpu.memory_space<vmem>>
        %dma_start3A_435 = tpu.memref_squeeze %dma_start3A_434 : memref<1x128xi32, #tpu.memory_space<vmem>> -> memref<128xi32, #tpu.memory_space<vmem>>
        %dma_start3A_436 = arith.constant 0 : i32
        %dma_start3A_437 = arith.constant 0 : i32
        %dma_start3A_438 = tpu.memref_slice %arg17[%dma_start3A_436, %dma_start3A_437] : memref<10240x128xf32, #tpu.memory_space<vmem_shared>> -> memref<10240x128xf32, #tpu.memory_space<vmem_shared>>
        tpu.enqueue_indirect_dma source(%arg10 : memref<128x128xf32, #tpu.memory_space<vmem>>) target(%dma_start3A_438 : memref<10240x128xf32, #tpu.memory_space<vmem_shared>>) offsets(%dma_start3A_435 : memref<128xi32, #tpu.memory_space<vmem>>) semaphore(%run_scoped3A_432 : memref<!tpu.dma_semaphore, #tpu.memory_space<semaphore_mem>>) {add = true}
        %dma_wait3A_439 = arith.constant 0 : i32
        %dma_wait3A_440 = tpu.memref_slice %arg6[%run_scoped3A_347, %dma_wait3A_439] : memref<2x128xi32, #tpu.memory_space<vmem>> -> memref<1x128xi32, #tpu.memory_space<vmem>>
        %dma_wait3A_441 = tpu.memref_squeeze %dma_wait3A_440 : memref<1x128xi32, #tpu.memory_space<vmem>> -> memref<128xi32, #tpu.memory_space<vmem>>
        %dma_wait3A_442 = arith.constant 0 : i32
        %dma_wait3A_443 = arith.constant 0 : i32
        %dma_wait3A_444 = tpu.memref_slice %arg17[%dma_wait3A_442, %dma_wait3A_443] : memref<10240x128xf32, #tpu.memory_space<vmem_shared>> -> memref<10240x128xf32, #tpu.memory_space<vmem_shared>>
        tpu.wait_indirect_dma semaphore(%run_scoped3A_432 : memref<!tpu.dma_semaphore, #tpu.memory_space<semaphore_mem>>) src(%arg10 : memref<128x128xf32, #tpu.memory_space<vmem>>) dst(%dma_wait3A_444 : memref<10240x128xf32, #tpu.memory_space<vmem_shared>>)
        tpu.yield
      }) : () -> ()
      %add3A_348 = arith.constant 2 : i32
      %add3A_349 = arith.addi %add3A_322, %add3A_348 : i32
      %dma_start3A_350 = arith.constant 0 : i32
      %dma_start3A_351 = arith.constant 0 : i32
      %dma_start3A_352 = tpu.memref_slice %arg3[%add3A, %add3A_349, %dma_start3A_350, %dma_start3A_351] : memref<32x80x2x128xi32, #tpu.memory_space<hbm>> -> memref<1x1x2x128xi32, #tpu.memory_space<hbm>>
      %dma_start3A_353 = tpu.memref_squeeze %dma_start3A_352 : memref<1x1x2x128xi32, #tpu.memory_space<hbm>> -> memref<2x128xi32, #tpu.memory_space<hbm>>
      %dma_start3A_354 = arith.constant 0 : i32
      %dma_start3A_355 = arith.constant 0 : i32
      %dma_start3A_356 = tpu.memref_slice %arg3[%add3A, %add3A_349, %dma_start3A_354, %dma_start3A_355] : memref<32x80x2x128xi32, #tpu.memory_space<hbm>> -> memref<1x1x2x128xi32, #tpu.memory_space<hbm>>
      %dma_start3A_357 = tpu.memref_squeeze %dma_start3A_356 : memref<1x1x2x128xi32, #tpu.memory_space<hbm>> -> memref<2x128xi32, #tpu.memory_space<hbm>>
      tpu.enqueue_dma source(%dma_start3A_357 : memref<2x128xi32, #tpu.memory_space<hbm>>) target(%arg8 : memref<2x128xi32, #tpu.memory_space<vmem>>) target_semaphore(%arg14 : memref<!tpu.dma_semaphore, #tpu.memory_space<semaphore_mem>>)
      %add3A_358 = arith.constant 2 : i32
      %add3A_359 = arith.addi %add3A_283, %add3A_358 : i32
      %dma_wait3A_360 = arith.constant 0 : i32
      %dma_wait3A_361 = arith.constant 0 : i32
      %dma_wait3A_362 = tpu.memref_slice %arg7[%dma_wait3A_360, %dma_wait3A_361] : memref<2x128xi32, #tpu.memory_space<vmem>> -> memref<1x128xi32, #tpu.memory_space<vmem>>
      %dma_wait3A_363 = tpu.memref_squeeze %dma_wait3A_362 : memref<1x128xi32, #tpu.memory_space<vmem>> -> memref<128xi32, #tpu.memory_space<vmem>>
      %dma_wait3A_364 = arith.constant 0 : i32
      %dma_wait3A_365 = arith.constant 0 : i32
      %dma_wait3A_366 = tpu.memref_slice %arg2[%dma_wait3A_364, %dma_wait3A_365] : memref<10000x128xf32, #tpu.memory_space<hbm>> -> memref<10000x128xf32, #tpu.memory_space<hbm>>
      tpu.wait_indirect_dma semaphore(%arg15 : memref<!tpu.dma_semaphore, #tpu.memory_space<semaphore_mem>>) src(%dma_wait3A_366 : memref<10000x128xf32, #tpu.memory_space<hbm>>) dst(%arg9 : memref<128x128xf32, #tpu.memory_space<vmem>>)
      %add3A_367 = arith.constant 1 : i32
      %add3A_368 = arith.addi %add3A_359, %add3A_367 : i32
      %dma_wait3A_369 = arith.constant 0 : i32
      %dma_wait3A_370 = arith.constant 0 : i32
      %dma_wait3A_371 = tpu.memref_slice %arg3[%add3A, %add3A_368, %dma_wait3A_369, %dma_wait3A_370] : memref<32x80x2x128xi32, #tpu.memory_space<hbm>> -> memref<1x1x2x128xi32, #tpu.memory_space<hbm>>
      %dma_wait3A_372 = tpu.memref_squeeze %dma_wait3A_371 : memref<1x1x2x128xi32, #tpu.memory_space<hbm>> -> memref<2x128xi32, #tpu.memory_space<hbm>>
      %dma_wait3A_373 = arith.constant 0 : i32
      %dma_wait3A_374 = arith.constant 0 : i32
      %dma_wait3A_375 = tpu.memref_slice %arg3[%add3A, %add3A_368, %dma_wait3A_373, %dma_wait3A_374] : memref<32x80x2x128xi32, #tpu.memory_space<hbm>> -> memref<1x1x2x128xi32, #tpu.memory_space<hbm>>
      %dma_wait3A_376 = tpu.memref_squeeze %dma_wait3A_375 : memref<1x1x2x128xi32, #tpu.memory_space<hbm>> -> memref<2x128xi32, #tpu.memory_space<hbm>>
      tpu.wait_dma2 semaphore(%arg14 : memref<!tpu.dma_semaphore, #tpu.memory_space<semaphore_mem>>) src(%dma_wait3A_376 : memref<2x128xi32, #tpu.memory_space<hbm>>) dst(%arg8 : memref<2x128xi32, #tpu.memory_space<vmem>>)
      %dma_start3A_377 = arith.constant 0 : i32
      %dma_start3A_378 = arith.constant 0 : i32
      %dma_start3A_379 = tpu.memref_slice %arg8[%dma_start3A_377, %dma_start3A_378] : memref<2x128xi32, #tpu.memory_space<vmem>> -> memref<1x128xi32, #tpu.memory_space<vmem>>
      %dma_start3A_380 = tpu.memref_squeeze %dma_start3A_379 : memref<1x128xi32, #tpu.memory_space<vmem>> -> memref<128xi32, #tpu.memory_space<vmem>>
      %dma_start3A_381 = arith.constant 0 : i32
      %dma_start3A_382 = arith.constant 0 : i32
      %dma_start3A_383 = tpu.memref_slice %arg2[%dma_start3A_381, %dma_start3A_382] : memref<10000x128xf32, #tpu.memory_space<hbm>> -> memref<10000x128xf32, #tpu.memory_space<hbm>>
      tpu.enqueue_indirect_dma source(%dma_start3A_383 : memref<10000x128xf32, #tpu.memory_space<hbm>>) target(%arg10 : memref<128x128xf32, #tpu.memory_space<vmem>>) offsets(%dma_start3A_380 : memref<128xi32, #tpu.memory_space<vmem>>) semaphore(%arg16 : memref<!tpu.dma_semaphore, #tpu.memory_space<semaphore_mem>>)
      %run_scoped3A_384 = arith.constant 1 : i32
      "tpu.region"() ({
        %run_scoped3A_432 = tpu.sem_alloc : memref<!tpu.dma_semaphore, #tpu.memory_space<semaphore_mem>>
        %dma_start3A_433 = arith.constant 0 : i32
        %dma_start3A_434 = tpu.memref_slice %arg7[%run_scoped3A_384, %dma_start3A_433] : memref<2x128xi32, #tpu.memory_space<vmem>> -> memref<1x128xi32, #tpu.memory_space<vmem>>
        %dma_start3A_435 = tpu.memref_squeeze %dma_start3A_434 : memref<1x128xi32, #tpu.memory_space<vmem>> -> memref<128xi32, #tpu.memory_space<vmem>>
        %dma_start3A_436 = arith.constant 0 : i32
        %dma_start3A_437 = arith.constant 0 : i32
        %dma_start3A_438 = tpu.memref_slice %arg17[%dma_start3A_436, %dma_start3A_437] : memref<10240x128xf32, #tpu.memory_space<vmem_shared>> -> memref<10240x128xf32, #tpu.memory_space<vmem_shared>>
        tpu.enqueue_indirect_dma source(%arg9 : memref<128x128xf32, #tpu.memory_space<vmem>>) target(%dma_start3A_438 : memref<10240x128xf32, #tpu.memory_space<vmem_shared>>) offsets(%dma_start3A_435 : memref<128xi32, #tpu.memory_space<vmem>>) semaphore(%run_scoped3A_432 : memref<!tpu.dma_semaphore, #tpu.memory_space<semaphore_mem>>) {add = true}
        %dma_wait3A_439 = arith.constant 0 : i32
        %dma_wait3A_440 = tpu.memref_slice %arg7[%run_scoped3A_384, %dma_wait3A_439] : memref<2x128xi32, #tpu.memory_space<vmem>> -> memref<1x128xi32, #tpu.memory_space<vmem>>
        %dma_wait3A_441 = tpu.memref_squeeze %dma_wait3A_440 : memref<1x128xi32, #tpu.memory_space<vmem>> -> memref<128xi32, #tpu.memory_space<vmem>>
        %dma_wait3A_442 = arith.constant 0 : i32
        %dma_wait3A_443 = arith.constant 0 : i32
        %dma_wait3A_444 = tpu.memref_slice %arg17[%dma_wait3A_442, %dma_wait3A_443] : memref<10240x128xf32, #tpu.memory_space<vmem_shared>> -> memref<10240x128xf32, #tpu.memory_space<vmem_shared>>
        tpu.wait_indirect_dma semaphore(%run_scoped3A_432 : memref<!tpu.dma_semaphore, #tpu.memory_space<semaphore_mem>>) src(%arg9 : memref<128x128xf32, #tpu.memory_space<vmem>>) dst(%dma_wait3A_444 : memref<10240x128xf32, #tpu.memory_space<vmem_shared>>)
        tpu.yield
      }) : () -> ()
      %add3A_385 = arith.constant 2 : i32
      %add3A_386 = arith.addi %add3A_359, %add3A_385 : i32
      %dma_start3A_387 = arith.constant 0 : i32
      %dma_start3A_388 = arith.constant 0 : i32
      %dma_start3A_389 = tpu.memref_slice %arg3[%add3A, %add3A_386, %dma_start3A_387, %dma_start3A_388] : memref<32x80x2x128xi32, #tpu.memory_space<hbm>> -> memref<1x1x2x128xi32, #tpu.memory_space<hbm>>
      %dma_start3A_390 = tpu.memref_squeeze %dma_start3A_389 : memref<1x1x2x128xi32, #tpu.memory_space<hbm>> -> memref<2x128xi32, #tpu.memory_space<hbm>>
      %dma_start3A_391 = arith.constant 0 : i32
      %dma_start3A_392 = arith.constant 0 : i32
      %dma_start3A_393 = tpu.memref_slice %arg3[%add3A, %add3A_386, %dma_start3A_391, %dma_start3A_392] : memref<32x80x2x128xi32, #tpu.memory_space<hbm>> -> memref<1x1x2x128xi32, #tpu.memory_space<hbm>>
      %dma_start3A_394 = tpu.memref_squeeze %dma_start3A_393 : memref<1x1x2x128xi32, #tpu.memory_space<hbm>> -> memref<2x128xi32, #tpu.memory_space<hbm>>
      tpu.enqueue_dma source(%dma_start3A_394 : memref<2x128xi32, #tpu.memory_space<hbm>>) target(%arg5 : memref<2x128xi32, #tpu.memory_space<vmem>>) target_semaphore(%arg11 : memref<!tpu.dma_semaphore, #tpu.memory_space<semaphore_mem>>)
      %add3A_395 = arith.constant 3 : i32
      %add3A_396 = arith.addi %add3A_283, %add3A_395 : i32
      %dma_wait3A_397 = arith.constant 0 : i32
      %dma_wait3A_398 = arith.constant 0 : i32
      %dma_wait3A_399 = tpu.memref_slice %arg8[%dma_wait3A_397, %dma_wait3A_398] : memref<2x128xi32, #tpu.memory_space<vmem>> -> memref<1x128xi32, #tpu.memory_space<vmem>>
      %dma_wait3A_400 = tpu.memref_squeeze %dma_wait3A_399 : memref<1x128xi32, #tpu.memory_space<vmem>> -> memref<128xi32, #tpu.memory_space<vmem>>
      %dma_wait3A_401 = arith.constant 0 : i32
      %dma_wait3A_402 = arith.constant 0 : i32
      %dma_wait3A_403 = tpu.memref_slice %arg2[%dma_wait3A_401, %dma_wait3A_402] : memref<10000x128xf32, #tpu.memory_space<hbm>> -> memref<10000x128xf32, #tpu.memory_space<hbm>>
      tpu.wait_indirect_dma semaphore(%arg16 : memref<!tpu.dma_semaphore, #tpu.memory_space<semaphore_mem>>) src(%dma_wait3A_403 : memref<10000x128xf32, #tpu.memory_space<hbm>>) dst(%arg10 : memref<128x128xf32, #tpu.memory_space<vmem>>)
      %add3A_404 = arith.constant 1 : i32
      %add3A_405 = arith.addi %add3A_396, %add3A_404 : i32
      %dma_wait3A_406 = arith.constant 0 : i32
      %dma_wait3A_407 = arith.constant 0 : i32
      %dma_wait3A_408 = tpu.memref_slice %arg3[%add3A, %add3A_405, %dma_wait3A_406, %dma_wait3A_407] : memref<32x80x2x128xi32, #tpu.memory_space<hbm>> -> memref<1x1x2x128xi32, #tpu.memory_space<hbm>>
      %dma_wait3A_409 = tpu.memref_squeeze %dma_wait3A_408 : memref<1x1x2x128xi32, #tpu.memory_space<hbm>> -> memref<2x128xi32, #tpu.memory_space<hbm>>
      %dma_wait3A_410 = arith.constant 0 : i32
      %dma_wait3A_411 = arith.constant 0 : i32
      %dma_wait3A_412 = tpu.memref_slice %arg3[%add3A, %add3A_405, %dma_wait3A_410, %dma_wait3A_411] : memref<32x80x2x128xi32, #tpu.memory_space<hbm>> -> memref<1x1x2x128xi32, #tpu.memory_space<hbm>>
      %dma_wait3A_413 = tpu.memref_squeeze %dma_wait3A_412 : memref<1x1x2x128xi32, #tpu.memory_space<hbm>> -> memref<2x128xi32, #tpu.memory_space<hbm>>
      tpu.wait_dma2 semaphore(%arg11 : memref<!tpu.dma_semaphore, #tpu.memory_space<semaphore_mem>>) src(%dma_wait3A_413 : memref<2x128xi32, #tpu.memory_space<hbm>>) dst(%arg5 : memref<2x128xi32, #tpu.memory_space<vmem>>)
      %dma_start3A_414 = arith.constant 0 : i32
      %dma_start3A_415 = arith.constant 0 : i32
      %dma_start3A_416 = tpu.memref_slice %arg5[%dma_start3A_414, %dma_start3A_415] : memref<2x128xi32, #tpu.memory_space<vmem>> -> memref<1x128xi32, #tpu.memory_space<vmem>>
      %dma_start3A_417 = tpu.memref_squeeze %dma_start3A_416 : memref<1x128xi32, #tpu.memory_space<vmem>> -> memref<128xi32, #tpu.memory_space<vmem>>
      %dma_start3A_418 = arith.constant 0 : i32
      %dma_start3A_419 = arith.constant 0 : i32
      %dma_start3A_420 = tpu.memref_slice %arg2[%dma_start3A_418, %dma_start3A_419] : memref<10000x128xf32, #tpu.memory_space<hbm>> -> memref<10000x128xf32, #tpu.memory_space<hbm>>
      tpu.enqueue_indirect_dma source(%dma_start3A_420 : memref<10000x128xf32, #tpu.memory_space<hbm>>) target(%arg9 : memref<128x128xf32, #tpu.memory_space<vmem>>) offsets(%dma_start3A_417 : memref<128xi32, #tpu.memory_space<vmem>>) semaphore(%arg15 : memref<!tpu.dma_semaphore, #tpu.memory_space<semaphore_mem>>)
      %run_scoped3A_421 = arith.constant 1 : i32
      "tpu.region"() ({
        %run_scoped3A_432 = tpu.sem_alloc : memref<!tpu.dma_semaphore, #tpu.memory_space<semaphore_mem>>
        %dma_start3A_433 = arith.constant 0 : i32
        %dma_start3A_434 = tpu.memref_slice %arg8[%run_scoped3A_421, %dma_start3A_433] : memref<2x128xi32, #tpu.memory_space<vmem>> -> memref<1x128xi32, #tpu.memory_space<vmem>>
        %dma_start3A_435 = tpu.memref_squeeze %dma_start3A_434 : memref<1x128xi32, #tpu.memory_space<vmem>> -> memref<128xi32, #tpu.memory_space<vmem>>
        %dma_start3A_436 = arith.constant 0 : i32
        %dma_start3A_437 = arith.constant 0 : i32
        %dma_start3A_438 = tpu.memref_slice %arg17[%dma_start3A_436, %dma_start3A_437] : memref<10240x128xf32, #tpu.memory_space<vmem_shared>> -> memref<10240x128xf32, #tpu.memory_space<vmem_shared>>
        tpu.enqueue_indirect_dma source(%arg10 : memref<128x128xf32, #tpu.memory_space<vmem>>) target(%dma_start3A_438 : memref<10240x128xf32, #tpu.memory_space<vmem_shared>>) offsets(%dma_start3A_435 : memref<128xi32, #tpu.memory_space<vmem>>) semaphore(%run_scoped3A_432 : memref<!tpu.dma_semaphore, #tpu.memory_space<semaphore_mem>>) {add = true}
        %dma_wait3A_439 = arith.constant 0 : i32
        %dma_wait3A_440 = tpu.memref_slice %arg8[%run_scoped3A_421, %dma_wait3A_439] : memref<2x128xi32, #tpu.memory_space<vmem>> -> memref<1x128xi32, #tpu.memory_space<vmem>>
        %dma_wait3A_441 = tpu.memref_squeeze %dma_wait3A_440 : memref<1x128xi32, #tpu.memory_space<vmem>> -> memref<128xi32, #tpu.memory_space<vmem>>
        %dma_wait3A_442 = arith.constant 0 : i32
        %dma_wait3A_443 = arith.constant 0 : i32
        %dma_wait3A_444 = tpu.memref_slice %arg17[%dma_wait3A_442, %dma_wait3A_443] : memref<10240x128xf32, #tpu.memory_space<vmem_shared>> -> memref<10240x128xf32, #tpu.memory_space<vmem_shared>>
        tpu.wait_indirect_dma semaphore(%run_scoped3A_432 : memref<!tpu.dma_semaphore, #tpu.memory_space<semaphore_mem>>) src(%arg10 : memref<128x128xf32, #tpu.memory_space<vmem>>) dst(%dma_wait3A_444 : memref<10240x128xf32, #tpu.memory_space<vmem_shared>>)
        tpu.yield
      }) : () -> ()
      %add3A_422 = arith.constant 2 : i32
      %add3A_423 = arith.addi %add3A_396, %add3A_422 : i32
      %dma_start3A_424 = arith.constant 0 : i32
      %dma_start3A_425 = arith.constant 0 : i32
      %dma_start3A_426 = tpu.memref_slice %arg3[%add3A, %add3A_423, %dma_start3A_424, %dma_start3A_425] : memref<32x80x2x128xi32, #tpu.memory_space<hbm>> -> memref<1x1x2x128xi32, #tpu.memory_space<hbm>>
      %dma_start3A_427 = tpu.memref_squeeze %dma_start3A_426 : memref<1x1x2x128xi32, #tpu.memory_space<hbm>> -> memref<2x128xi32, #tpu.memory_space<hbm>>
      %dma_start3A_428 = arith.constant 0 : i32
      %dma_start3A_429 = arith.constant 0 : i32
      %dma_start3A_430 = tpu.memref_slice %arg3[%add3A, %add3A_423, %dma_start3A_428, %dma_start3A_429] : memref<32x80x2x128xi32, #tpu.memory_space<hbm>> -> memref<1x1x2x128xi32, #tpu.memory_space<hbm>>
      %dma_start3A_431 = tpu.memref_squeeze %dma_start3A_430 : memref<1x1x2x128xi32, #tpu.memory_space<hbm>> -> memref<2x128xi32, #tpu.memory_space<hbm>>
      tpu.enqueue_dma source(%dma_start3A_431 : memref<2x128xi32, #tpu.memory_space<hbm>>) target(%arg6 : memref<2x128xi32, #tpu.memory_space<vmem>>) target_semaphore(%arg12 : memref<!tpu.dma_semaphore, #tpu.memory_space<semaphore_mem>>)
    }
    %scan3A_177 = arith.constant 18 : i32
    %dma_wait3A_178 = arith.constant 0 : i32
    %dma_wait3A_179 = arith.constant 0 : i32
    %dma_wait3A_180 = tpu.memref_slice %arg5[%dma_wait3A_178, %dma_wait3A_179] : memref<2x128xi32, #tpu.memory_space<vmem>> -> memref<1x128xi32, #tpu.memory_space<vmem>>
    %dma_wait3A_181 = tpu.memref_squeeze %dma_wait3A_180 : memref<1x128xi32, #tpu.memory_space<vmem>> -> memref<128xi32, #tpu.memory_space<vmem>>
    %dma_wait3A_182 = arith.constant 0 : i32
    %dma_wait3A_183 = arith.constant 0 : i32
    %dma_wait3A_184 = tpu.memref_slice %arg2[%dma_wait3A_182, %dma_wait3A_183] : memref<10000x128xf32, #tpu.memory_space<hbm>> -> memref<10000x128xf32, #tpu.memory_space<hbm>>
    tpu.wait_indirect_dma semaphore(%arg15 : memref<!tpu.dma_semaphore, #tpu.memory_space<semaphore_mem>>) src(%dma_wait3A_184 : memref<10000x128xf32, #tpu.memory_space<hbm>>) dst(%arg9 : memref<128x128xf32, #tpu.memory_space<vmem>>)
    %dma_wait3A_185 = arith.constant 77 : i32
    %dma_wait3A_186 = arith.constant 0 : i32
    %dma_wait3A_187 = arith.constant 0 : i32
    %dma_wait3A_188 = tpu.memref_slice %arg3[%add3A, %dma_wait3A_185, %dma_wait3A_186, %dma_wait3A_187] : memref<32x80x2x128xi32, #tpu.memory_space<hbm>> -> memref<1x1x2x128xi32, #tpu.memory_space<hbm>>
    %dma_wait3A_189 = tpu.memref_squeeze %dma_wait3A_188 : memref<1x1x2x128xi32, #tpu.memory_space<hbm>> -> memref<2x128xi32, #tpu.memory_space<hbm>>
    %dma_wait3A_190 = arith.constant 0 : i32
    %dma_wait3A_191 = arith.constant 0 : i32
    %dma_wait3A_192 = tpu.memref_slice %arg3[%add3A, %dma_wait3A_185, %dma_wait3A_190, %dma_wait3A_191] : memref<32x80x2x128xi32, #tpu.memory_space<hbm>> -> memref<1x1x2x128xi32, #tpu.memory_space<hbm>>
    %dma_wait3A_193 = tpu.memref_squeeze %dma_wait3A_192 : memref<1x1x2x128xi32, #tpu.memory_space<hbm>> -> memref<2x128xi32, #tpu.memory_space<hbm>>
    tpu.wait_dma2 semaphore(%arg12 : memref<!tpu.dma_semaphore, #tpu.memory_space<semaphore_mem>>) src(%dma_wait3A_193 : memref<2x128xi32, #tpu.memory_space<hbm>>) dst(%arg6 : memref<2x128xi32, #tpu.memory_space<vmem>>)
    %dma_start3A_194 = arith.constant 0 : i32
    %dma_start3A_195 = arith.constant 0 : i32
    %dma_start3A_196 = tpu.memref_slice %arg6[%dma_start3A_194, %dma_start3A_195] : memref<2x128xi32, #tpu.memory_space<vmem>> -> memref<1x128xi32, #tpu.memory_space<vmem>>
    %dma_start3A_197 = tpu.memref_squeeze %dma_start3A_196 : memref<1x128xi32, #tpu.memory_space<vmem>> -> memref<128xi32, #tpu.memory_space<vmem>>
    %dma_start3A_198 = arith.constant 0 : i32
    %dma_start3A_199 = arith.constant 0 : i32
    %dma_start3A_200 = tpu.memref_slice %arg2[%dma_start3A_198, %dma_start3A_199] : memref<10000x128xf32, #tpu.memory_space<hbm>> -> memref<10000x128xf32, #tpu.memory_space<hbm>>
    tpu.enqueue_indirect_dma source(%dma_start3A_200 : memref<10000x128xf32, #tpu.memory_space<hbm>>) target(%arg10 : memref<128x128xf32, #tpu.memory_space<vmem>>) offsets(%dma_start3A_197 : memref<128xi32, #tpu.memory_space<vmem>>) semaphore(%arg16 : memref<!tpu.dma_semaphore, #tpu.memory_space<semaphore_mem>>)
    %run_scoped3A_201 = arith.constant 1 : i32
    "tpu.region"() ({
      %run_scoped3A_279 = tpu.sem_alloc : memref<!tpu.dma_semaphore, #tpu.memory_space<semaphore_mem>>
      %dma_start3A_280 = arith.constant 0 : i32
      %dma_start3A_281 = tpu.memref_slice %arg5[%run_scoped3A_201, %dma_start3A_280] : memref<2x128xi32, #tpu.memory_space<vmem>> -> memref<1x128xi32, #tpu.memory_space<vmem>>
      %dma_start3A_282 = tpu.memref_squeeze %dma_start3A_281 : memref<1x128xi32, #tpu.memory_space<vmem>> -> memref<128xi32, #tpu.memory_space<vmem>>
      %dma_start3A_283 = arith.constant 0 : i32
      %dma_start3A_284 = arith.constant 0 : i32
      %dma_start3A_285 = tpu.memref_slice %arg17[%dma_start3A_283, %dma_start3A_284] : memref<10240x128xf32, #tpu.memory_space<vmem_shared>> -> memref<10240x128xf32, #tpu.memory_space<vmem_shared>>
      tpu.enqueue_indirect_dma source(%arg9 : memref<128x128xf32, #tpu.memory_space<vmem>>) target(%dma_start3A_285 : memref<10240x128xf32, #tpu.memory_space<vmem_shared>>) offsets(%dma_start3A_282 : memref<128xi32, #tpu.memory_space<vmem>>) semaphore(%run_scoped3A_279 : memref<!tpu.dma_semaphore, #tpu.memory_space<semaphore_mem>>) {add = true}
      %dma_wait3A_286 = arith.constant 0 : i32
      %dma_wait3A_287 = tpu.memref_slice %arg5[%run_scoped3A_201, %dma_wait3A_286] : memref<2x128xi32, #tpu.memory_space<vmem>> -> memref<1x128xi32, #tpu.memory_space<vmem>>
      %dma_wait3A_288 = tpu.memref_squeeze %dma_wait3A_287 : memref<1x128xi32, #tpu.memory_space<vmem>> -> memref<128xi32, #tpu.memory_space<vmem>>
      %dma_wait3A_289 = arith.constant 0 : i32
      %dma_wait3A_290 = arith.constant 0 : i32
      %dma_wait3A_291 = tpu.memref_slice %arg17[%dma_wait3A_289, %dma_wait3A_290] : memref<10240x128xf32, #tpu.memory_space<vmem_shared>> -> memref<10240x128xf32, #tpu.memory_space<vmem_shared>>
      tpu.wait_indirect_dma semaphore(%run_scoped3A_279 : memref<!tpu.dma_semaphore, #tpu.memory_space<semaphore_mem>>) src(%arg9 : memref<128x128xf32, #tpu.memory_space<vmem>>) dst(%dma_wait3A_291 : memref<10240x128xf32, #tpu.memory_space<vmem_shared>>)
      tpu.yield
    }) : () -> ()
    %dma_start3A_202 = arith.constant 78 : i32
    %dma_start3A_203 = arith.constant 0 : i32
    %dma_start3A_204 = arith.constant 0 : i32
    %dma_start3A_205 = tpu.memref_slice %arg3[%add3A, %dma_start3A_202, %dma_start3A_203, %dma_start3A_204] : memref<32x80x2x128xi32, #tpu.memory_space<hbm>> -> memref<1x1x2x128xi32, #tpu.memory_space<hbm>>
    %dma_start3A_206 = tpu.memref_squeeze %dma_start3A_205 : memref<1x1x2x128xi32, #tpu.memory_space<hbm>> -> memref<2x128xi32, #tpu.memory_space<hbm>>
    %dma_start3A_207 = arith.constant 0 : i32
    %dma_start3A_208 = arith.constant 0 : i32
    %dma_start3A_209 = tpu.memref_slice %arg3[%add3A, %dma_start3A_202, %dma_start3A_207, %dma_start3A_208] : memref<32x80x2x128xi32, #tpu.memory_space<hbm>> -> memref<1x1x2x128xi32, #tpu.memory_space<hbm>>
    %dma_start3A_210 = tpu.memref_squeeze %dma_start3A_209 : memref<1x1x2x128xi32, #tpu.memory_space<hbm>> -> memref<2x128xi32, #tpu.memory_space<hbm>>
    tpu.enqueue_dma source(%dma_start3A_210 : memref<2x128xi32, #tpu.memory_space<hbm>>) target(%arg7 : memref<2x128xi32, #tpu.memory_space<vmem>>) target_semaphore(%arg13 : memref<!tpu.dma_semaphore, #tpu.memory_space<semaphore_mem>>)
    %dma_wait3A_211 = arith.constant 0 : i32
    %dma_wait3A_212 = arith.constant 0 : i32
    %dma_wait3A_213 = tpu.memref_slice %arg6[%dma_wait3A_211, %dma_wait3A_212] : memref<2x128xi32, #tpu.memory_space<vmem>> -> memref<1x128xi32, #tpu.memory_space<vmem>>
    %dma_wait3A_214 = tpu.memref_squeeze %dma_wait3A_213 : memref<1x128xi32, #tpu.memory_space<vmem>> -> memref<128xi32, #tpu.memory_space<vmem>>
    %dma_wait3A_215 = arith.constant 0 : i32
    %dma_wait3A_216 = arith.constant 0 : i32
    %dma_wait3A_217 = tpu.memref_slice %arg2[%dma_wait3A_215, %dma_wait3A_216] : memref<10000x128xf32, #tpu.memory_space<hbm>> -> memref<10000x128xf32, #tpu.memory_space<hbm>>
    tpu.wait_indirect_dma semaphore(%arg16 : memref<!tpu.dma_semaphore, #tpu.memory_space<semaphore_mem>>) src(%dma_wait3A_217 : memref<10000x128xf32, #tpu.memory_space<hbm>>) dst(%arg10 : memref<128x128xf32, #tpu.memory_space<vmem>>)
    %dma_wait3A_218 = arith.constant 78 : i32
    %dma_wait3A_219 = arith.constant 0 : i32
    %dma_wait3A_220 = arith.constant 0 : i32
    %dma_wait3A_221 = tpu.memref_slice %arg3[%add3A, %dma_wait3A_218, %dma_wait3A_219, %dma_wait3A_220] : memref<32x80x2x128xi32, #tpu.memory_space<hbm>> -> memref<1x1x2x128xi32, #tpu.memory_space<hbm>>
    %dma_wait3A_222 = tpu.memref_squeeze %dma_wait3A_221 : memref<1x1x2x128xi32, #tpu.memory_space<hbm>> -> memref<2x128xi32, #tpu.memory_space<hbm>>
    %dma_wait3A_223 = arith.constant 0 : i32
    %dma_wait3A_224 = arith.constant 0 : i32
    %dma_wait3A_225 = tpu.memref_slice %arg3[%add3A, %dma_wait3A_218, %dma_wait3A_223, %dma_wait3A_224] : memref<32x80x2x128xi32, #tpu.memory_space<hbm>> -> memref<1x1x2x128xi32, #tpu.memory_space<hbm>>
    %dma_wait3A_226 = tpu.memref_squeeze %dma_wait3A_225 : memref<1x1x2x128xi32, #tpu.memory_space<hbm>> -> memref<2x128xi32, #tpu.memory_space<hbm>>
    tpu.wait_dma2 semaphore(%arg13 : memref<!tpu.dma_semaphore, #tpu.memory_space<semaphore_mem>>) src(%dma_wait3A_226 : memref<2x128xi32, #tpu.memory_space<hbm>>) dst(%arg7 : memref<2x128xi32, #tpu.memory_space<vmem>>)
    %dma_start3A_227 = arith.constant 0 : i32
    %dma_start3A_228 = arith.constant 0 : i32
    %dma_start3A_229 = tpu.memref_slice %arg7[%dma_start3A_227, %dma_start3A_228] : memref<2x128xi32, #tpu.memory_space<vmem>> -> memref<1x128xi32, #tpu.memory_space<vmem>>
    %dma_start3A_230 = tpu.memref_squeeze %dma_start3A_229 : memref<1x128xi32, #tpu.memory_space<vmem>> -> memref<128xi32, #tpu.memory_space<vmem>>
    %dma_start3A_231 = arith.constant 0 : i32
    %dma_start3A_232 = arith.constant 0 : i32
    %dma_start3A_233 = tpu.memref_slice %arg2[%dma_start3A_231, %dma_start3A_232] : memref<10000x128xf32, #tpu.memory_space<hbm>> -> memref<10000x128xf32, #tpu.memory_space<hbm>>
    tpu.enqueue_indirect_dma source(%dma_start3A_233 : memref<10000x128xf32, #tpu.memory_space<hbm>>) target(%arg9 : memref<128x128xf32, #tpu.memory_space<vmem>>) offsets(%dma_start3A_230 : memref<128xi32, #tpu.memory_space<vmem>>) semaphore(%arg15 : memref<!tpu.dma_semaphore, #tpu.memory_space<semaphore_mem>>)
    %run_scoped3A_234 = arith.constant 1 : i32
    "tpu.region"() ({
      %run_scoped3A_279 = tpu.sem_alloc : memref<!tpu.dma_semaphore, #tpu.memory_space<semaphore_mem>>
      %dma_start3A_280 = arith.constant 0 : i32
      %dma_start3A_281 = tpu.memref_slice %arg6[%run_scoped3A_234, %dma_start3A_280] : memref<2x128xi32, #tpu.memory_space<vmem>> -> memref<1x128xi32, #tpu.memory_space<vmem>>
      %dma_start3A_282 = tpu.memref_squeeze %dma_start3A_281 : memref<1x128xi32, #tpu.memory_space<vmem>> -> memref<128xi32, #tpu.memory_space<vmem>>
      %dma_start3A_283 = arith.constant 0 : i32
      %dma_start3A_284 = arith.constant 0 : i32
      %dma_start3A_285 = tpu.memref_slice %arg17[%dma_start3A_283, %dma_start3A_284] : memref<10240x128xf32, #tpu.memory_space<vmem_shared>> -> memref<10240x128xf32, #tpu.memory_space<vmem_shared>>
      tpu.enqueue_indirect_dma source(%arg10 : memref<128x128xf32, #tpu.memory_space<vmem>>) target(%dma_start3A_285 : memref<10240x128xf32, #tpu.memory_space<vmem_shared>>) offsets(%dma_start3A_282 : memref<128xi32, #tpu.memory_space<vmem>>) semaphore(%run_scoped3A_279 : memref<!tpu.dma_semaphore, #tpu.memory_space<semaphore_mem>>) {add = true}
      %dma_wait3A_286 = arith.constant 0 : i32
      %dma_wait3A_287 = tpu.memref_slice %arg6[%run_scoped3A_234, %dma_wait3A_286] : memref<2x128xi32, #tpu.memory_space<vmem>> -> memref<1x128xi32, #tpu.memory_space<vmem>>
      %dma_wait3A_288 = tpu.memref_squeeze %dma_wait3A_287 : memref<1x128xi32, #tpu.memory_space<vmem>> -> memref<128xi32, #tpu.memory_space<vmem>>
      %dma_wait3A_289 = arith.constant 0 : i32
      %dma_wait3A_290 = arith.constant 0 : i32
      %dma_wait3A_291 = tpu.memref_slice %arg17[%dma_wait3A_289, %dma_wait3A_290] : memref<10240x128xf32, #tpu.memory_space<vmem_shared>> -> memref<10240x128xf32, #tpu.memory_space<vmem_shared>>
      tpu.wait_indirect_dma semaphore(%run_scoped3A_279 : memref<!tpu.dma_semaphore, #tpu.memory_space<semaphore_mem>>) src(%arg10 : memref<128x128xf32, #tpu.memory_space<vmem>>) dst(%dma_wait3A_291 : memref<10240x128xf32, #tpu.memory_space<vmem_shared>>)
      tpu.yield
    }) : () -> ()
    %dma_start3A_235 = arith.constant 79 : i32
    %dma_start3A_236 = arith.constant 0 : i32
    %dma_start3A_237 = arith.constant 0 : i32
    %dma_start3A_238 = tpu.memref_slice %arg3[%add3A, %dma_start3A_235, %dma_start3A_236, %dma_start3A_237] : memref<32x80x2x128xi32, #tpu.memory_space<hbm>> -> memref<1x1x2x128xi32, #tpu.memory_space<hbm>>
    %dma_start3A_239 = tpu.memref_squeeze %dma_start3A_238 : memref<1x1x2x128xi32, #tpu.memory_space<hbm>> -> memref<2x128xi32, #tpu.memory_space<hbm>>
    %dma_start3A_240 = arith.constant 0 : i32
    %dma_start3A_241 = arith.constant 0 : i32
    %dma_start3A_242 = tpu.memref_slice %arg3[%add3A, %dma_start3A_235, %dma_start3A_240, %dma_start3A_241] : memref<32x80x2x128xi32, #tpu.memory_space<hbm>> -> memref<1x1x2x128xi32, #tpu.memory_space<hbm>>
    %dma_start3A_243 = tpu.memref_squeeze %dma_start3A_242 : memref<1x1x2x128xi32, #tpu.memory_space<hbm>> -> memref<2x128xi32, #tpu.memory_space<hbm>>
    tpu.enqueue_dma source(%dma_start3A_243 : memref<2x128xi32, #tpu.memory_space<hbm>>) target(%arg8 : memref<2x128xi32, #tpu.memory_space<vmem>>) target_semaphore(%arg14 : memref<!tpu.dma_semaphore, #tpu.memory_space<semaphore_mem>>)
    %dma_wait3A_244 = arith.constant 0 : i32
    %dma_wait3A_245 = arith.constant 0 : i32
    %dma_wait3A_246 = tpu.memref_slice %arg7[%dma_wait3A_244, %dma_wait3A_245] : memref<2x128xi32, #tpu.memory_space<vmem>> -> memref<1x128xi32, #tpu.memory_space<vmem>>
    %dma_wait3A_247 = tpu.memref_squeeze %dma_wait3A_246 : memref<1x128xi32, #tpu.memory_space<vmem>> -> memref<128xi32, #tpu.memory_space<vmem>>
    %dma_wait3A_248 = arith.constant 0 : i32
    %dma_wait3A_249 = arith.constant 0 : i32
    %dma_wait3A_250 = tpu.memref_slice %arg2[%dma_wait3A_248, %dma_wait3A_249] : memref<10000x128xf32, #tpu.memory_space<hbm>> -> memref<10000x128xf32, #tpu.memory_space<hbm>>
    tpu.wait_indirect_dma semaphore(%arg15 : memref<!tpu.dma_semaphore, #tpu.memory_space<semaphore_mem>>) src(%dma_wait3A_250 : memref<10000x128xf32, #tpu.memory_space<hbm>>) dst(%arg9 : memref<128x128xf32, #tpu.memory_space<vmem>>)
    %dma_wait3A_251 = arith.constant 79 : i32
    %dma_wait3A_252 = arith.constant 0 : i32
    %dma_wait3A_253 = arith.constant 0 : i32
    %dma_wait3A_254 = tpu.memref_slice %arg3[%add3A, %dma_wait3A_251, %dma_wait3A_252, %dma_wait3A_253] : memref<32x80x2x128xi32, #tpu.memory_space<hbm>> -> memref<1x1x2x128xi32, #tpu.memory_space<hbm>>
    %dma_wait3A_255 = tpu.memref_squeeze %dma_wait3A_254 : memref<1x1x2x128xi32, #tpu.memory_space<hbm>> -> memref<2x128xi32, #tpu.memory_space<hbm>>
    %dma_wait3A_256 = arith.constant 0 : i32
    %dma_wait3A_257 = arith.constant 0 : i32
    %dma_wait3A_258 = tpu.memref_slice %arg3[%add3A, %dma_wait3A_251, %dma_wait3A_256, %dma_wait3A_257] : memref<32x80x2x128xi32, #tpu.memory_space<hbm>> -> memref<1x1x2x128xi32, #tpu.memory_space<hbm>>
    %dma_wait3A_259 = tpu.memref_squeeze %dma_wait3A_258 : memref<1x1x2x128xi32, #tpu.memory_space<hbm>> -> memref<2x128xi32, #tpu.memory_space<hbm>>
    tpu.wait_dma2 semaphore(%arg14 : memref<!tpu.dma_semaphore, #tpu.memory_space<semaphore_mem>>) src(%dma_wait3A_259 : memref<2x128xi32, #tpu.memory_space<hbm>>) dst(%arg8 : memref<2x128xi32, #tpu.memory_space<vmem>>)
    %dma_start3A_260 = arith.constant 0 : i32
    %dma_start3A_261 = arith.constant 0 : i32
    %dma_start3A_262 = tpu.memref_slice %arg8[%dma_start3A_260, %dma_start3A_261] : memref<2x128xi32, #tpu.memory_space<vmem>> -> memref<1x128xi32, #tpu.memory_space<vmem>>
    %dma_start3A_263 = tpu.memref_squeeze %dma_start3A_262 : memref<1x128xi32, #tpu.memory_space<vmem>> -> memref<128xi32, #tpu.memory_space<vmem>>
    %dma_start3A_264 = arith.constant 0 : i32
    %dma_start3A_265 = arith.constant 0 : i32
    %dma_start3A_266 = tpu.memref_slice %arg2[%dma_start3A_264, %dma_start3A_265] : memref<10000x128xf32, #tpu.memory_space<hbm>> -> memref<10000x128xf32, #tpu.memory_space<hbm>>
    tpu.enqueue_indirect_dma source(%dma_start3A_266 : memref<10000x128xf32, #tpu.memory_space<hbm>>) target(%arg10 : memref<128x128xf32, #tpu.memory_space<vmem>>) offsets(%dma_start3A_263 : memref<128xi32, #tpu.memory_space<vmem>>) semaphore(%arg16 : memref<!tpu.dma_semaphore, #tpu.memory_space<semaphore_mem>>)
    %run_scoped3A_267 = arith.constant 1 : i32
    "tpu.region"() ({
      %run_scoped3A_279 = tpu.sem_alloc : memref<!tpu.dma_semaphore, #tpu.memory_space<semaphore_mem>>
      %dma_start3A_280 = arith.constant 0 : i32
      %dma_start3A_281 = tpu.memref_slice %arg7[%run_scoped3A_267, %dma_start3A_280] : memref<2x128xi32, #tpu.memory_space<vmem>> -> memref<1x128xi32, #tpu.memory_space<vmem>>
      %dma_start3A_282 = tpu.memref_squeeze %dma_start3A_281 : memref<1x128xi32, #tpu.memory_space<vmem>> -> memref<128xi32, #tpu.memory_space<vmem>>
      %dma_start3A_283 = arith.constant 0 : i32
      %dma_start3A_284 = arith.constant 0 : i32
      %dma_start3A_285 = tpu.memref_slice %arg17[%dma_start3A_283, %dma_start3A_284] : memref<10240x128xf32, #tpu.memory_space<vmem_shared>> -> memref<10240x128xf32, #tpu.memory_space<vmem_shared>>
      tpu.enqueue_indirect_dma source(%arg9 : memref<128x128xf32, #tpu.memory_space<vmem>>) target(%dma_start3A_285 : memref<10240x128xf32, #tpu.memory_space<vmem_shared>>) offsets(%dma_start3A_282 : memref<128xi32, #tpu.memory_space<vmem>>) semaphore(%run_scoped3A_279 : memref<!tpu.dma_semaphore, #tpu.memory_space<semaphore_mem>>) {add = true}
      %dma_wait3A_286 = arith.constant 0 : i32
      %dma_wait3A_287 = tpu.memref_slice %arg7[%run_scoped3A_267, %dma_wait3A_286] : memref<2x128xi32, #tpu.memory_space<vmem>> -> memref<1x128xi32, #tpu.memory_space<vmem>>
      %dma_wait3A_288 = tpu.memref_squeeze %dma_wait3A_287 : memref<1x128xi32, #tpu.memory_space<vmem>> -> memref<128xi32, #tpu.memory_space<vmem>>
      %dma_wait3A_289 = arith.constant 0 : i32
      %dma_wait3A_290 = arith.constant 0 : i32
      %dma_wait3A_291 = tpu.memref_slice %arg17[%dma_wait3A_289, %dma_wait3A_290] : memref<10240x128xf32, #tpu.memory_space<vmem_shared>> -> memref<10240x128xf32, #tpu.memory_space<vmem_shared>>
      tpu.wait_indirect_dma semaphore(%run_scoped3A_279 : memref<!tpu.dma_semaphore, #tpu.memory_space<semaphore_mem>>) src(%arg9 : memref<128x128xf32, #tpu.memory_space<vmem>>) dst(%dma_wait3A_291 : memref<10240x128xf32, #tpu.memory_space<vmem_shared>>)
      tpu.yield
    }) : () -> ()
    %dma_wait3A_268 = arith.constant 0 : i32
    %dma_wait3A_269 = arith.constant 0 : i32
    %dma_wait3A_270 = tpu.memref_slice %arg8[%dma_wait3A_268, %dma_wait3A_269] : memref<2x128xi32, #tpu.memory_space<vmem>> -> memref<1x128xi32, #tpu.memory_space<vmem>>
    %dma_wait3A_271 = tpu.memref_squeeze %dma_wait3A_270 : memref<1x128xi32, #tpu.memory_space<vmem>> -> memref<128xi32, #tpu.memory_space<vmem>>
    %dma_wait3A_272 = arith.constant 0 : i32
    %dma_wait3A_273 = arith.constant 0 : i32
    %dma_wait3A_274 = tpu.memref_slice %arg2[%dma_wait3A_272, %dma_wait3A_273] : memref<10000x128xf32, #tpu.memory_space<hbm>> -> memref<10000x128xf32, #tpu.memory_space<hbm>>
    tpu.wait_indirect_dma semaphore(%arg16 : memref<!tpu.dma_semaphore, #tpu.memory_space<semaphore_mem>>) src(%dma_wait3A_274 : memref<10000x128xf32, #tpu.memory_space<hbm>>) dst(%arg10 : memref<128x128xf32, #tpu.memory_space<vmem>>)
    %run_scoped3A_275 = arith.constant 1 : i32
    "tpu.region"() ({
      %run_scoped3A_279 = tpu.sem_alloc : memref<!tpu.dma_semaphore, #tpu.memory_space<semaphore_mem>>
      %dma_start3A_280 = arith.constant 0 : i32
      %dma_start3A_281 = tpu.memref_slice %arg8[%run_scoped3A_275, %dma_start3A_280] : memref<2x128xi32, #tpu.memory_space<vmem>> -> memref<1x128xi32, #tpu.memory_space<vmem>>
      %dma_start3A_282 = tpu.memref_squeeze %dma_start3A_281 : memref<1x128xi32, #tpu.memory_space<vmem>> -> memref<128xi32, #tpu.memory_space<vmem>>
      %dma_start3A_283 = arith.constant 0 : i32
      %dma_start3A_284 = arith.constant 0 : i32
      %dma_start3A_285 = tpu.memref_slice %arg17[%dma_start3A_283, %dma_start3A_284] : memref<10240x128xf32, #tpu.memory_space<vmem_shared>> -> memref<10240x128xf32, #tpu.memory_space<vmem_shared>>
      tpu.enqueue_indirect_dma source(%arg10 : memref<128x128xf32, #tpu.memory_space<vmem>>) target(%dma_start3A_285 : memref<10240x128xf32, #tpu.memory_space<vmem_shared>>) offsets(%dma_start3A_282 : memref<128xi32, #tpu.memory_space<vmem>>) semaphore(%run_scoped3A_279 : memref<!tpu.dma_semaphore, #tpu.memory_space<semaphore_mem>>) {add = true}
      %dma_wait3A_286 = arith.constant 0 : i32
      %dma_wait3A_287 = tpu.memref_slice %arg8[%run_scoped3A_275, %dma_wait3A_286] : memref<2x128xi32, #tpu.memory_space<vmem>> -> memref<1x128xi32, #tpu.memory_space<vmem>>
      %dma_wait3A_288 = tpu.memref_squeeze %dma_wait3A_287 : memref<1x128xi32, #tpu.memory_space<vmem>> -> memref<128xi32, #tpu.memory_space<vmem>>
      %dma_wait3A_289 = arith.constant 0 : i32
      %dma_wait3A_290 = arith.constant 0 : i32
      %dma_wait3A_291 = tpu.memref_slice %arg17[%dma_wait3A_289, %dma_wait3A_290] : memref<10240x128xf32, #tpu.memory_space<vmem_shared>> -> memref<10240x128xf32, #tpu.memory_space<vmem_shared>>
      tpu.wait_indirect_dma semaphore(%run_scoped3A_279 : memref<!tpu.dma_semaphore, #tpu.memory_space<semaphore_mem>>) src(%arg10 : memref<128x128xf32, #tpu.memory_space<vmem>>) dst(%dma_wait3A_291 : memref<10240x128xf32, #tpu.memory_space<vmem_shared>>)
      tpu.yield
    }) : () -> ()
    %barrier3A_276 = arith.constant 0 : index
    tpu.barrier barrier_id(%barrier3A_276)
    %mul3A_277 = arith.constant 632 : i32
    %mul3A_278 = arith.muli %arg1, %mul3A_277 : i32
    %multiple_of3A = tpu.assume_multiple %mul3A_278, 8 : i32
    "tpu.region"() ({
      %run_scoped3A_279 = tpu.sem_alloc : memref<!tpu.dma_semaphore, #tpu.memory_space<semaphore_mem>>
      %dma_start3A_280 = arith.constant 0 : i32
      %dma_start3A_281 = tpu.memref_slice %arg4[%arg0, %multiple_of3A, %dma_start3A_280] : memref<2x10112x128xf32, #tpu.memory_space<hbm>> -> memref<1x632x128xf32, #tpu.memory_space<hbm>>
      %dma_start3A_282 = tpu.memref_squeeze %dma_start3A_281 : memref<1x632x128xf32, #tpu.memory_space<hbm>> -> memref<632x128xf32, #tpu.memory_space<hbm>>
      %dma_start3A_283 = arith.constant 0 : i32
      %dma_start3A_284 = tpu.memref_slice %arg17[%multiple_of3A, %dma_start3A_283] : memref<10240x128xf32, #tpu.memory_space<vmem_shared>> -> memref<632x128xf32, #tpu.memory_space<vmem_shared>>
      tpu.enqueue_dma source(%dma_start3A_284 : memref<632x128xf32, #tpu.memory_space<vmem_shared>>) target(%dma_start3A_282 : memref<632x128xf32, #tpu.memory_space<hbm>>) target_semaphore(%run_scoped3A_279 : memref<!tpu.dma_semaphore, #tpu.memory_space<semaphore_mem>>)
      %dma_wait3A_285 = arith.constant 0 : i32
      %dma_wait3A_286 = tpu.memref_slice %arg4[%arg0, %multiple_of3A, %dma_wait3A_285] : memref<2x10112x128xf32, #tpu.memory_space<hbm>> -> memref<1x632x128xf32, #tpu.memory_space<hbm>>
      %dma_wait3A_287 = tpu.memref_squeeze %dma_wait3A_286 : memref<1x632x128xf32, #tpu.memory_space<hbm>> -> memref<632x128xf32, #tpu.memory_space<hbm>>
      %dma_wait3A_288 = arith.constant 0 : i32
      %dma_wait3A_289 = tpu.memref_slice %arg17[%multiple_of3A, %dma_wait3A_288] : memref<10240x128xf32, #tpu.memory_space<vmem_shared>> -> memref<632x128xf32, #tpu.memory_space<vmem_shared>>
      tpu.wait_dma2 semaphore(%run_scoped3A_279 : memref<!tpu.dma_semaphore, #tpu.memory_space<semaphore_mem>>) src(%dma_wait3A_289 : memref<632x128xf32, #tpu.memory_space<vmem_shared>>) dst(%dma_wait3A_287 : memref<632x128xf32, #tpu.memory_space<hbm>>)
      tpu.yield
    }) : () -> ()
    return
  }
}

module attributes {stable_mosaic.version = 14 : i64} {
  func.func @_tc_front_a_body(%arg0: i32, %arg1: memref<1000x78xf32, #tpu.memory_space<vmem>>, %arg2: memref<44x64xf32, #tpu.memory_space<vmem>>, %arg3: memref<98x128xf32, #tpu.memory_space<vmem>>, %arg4: memref<1x128xf32, #tpu.memory_space<vmem>>, %arg5: memref<128x128xf32, #tpu.memory_space<vmem>>, %arg6: memref<1000x128xf32, #tpu.memory_space<vmem>>) attributes {dimension_semantics = [#tpu.dimension_semantics<arbitrary>], iteration_bounds = array<i64: 10>, scalar_prefetch = 0 : i64, scratch_operands = 0 : i64, tpu.core_type = #tpu.core_type<tc>, window_params = [{transform_indices = @transform_0, window_bounds = array<i64: 1000, 78>}, {pipeline_mode = #tpu.pipeline_mode<synchronous>, transform_indices = @transform_1, window_bounds = array<i64: 44, 64>}, {pipeline_mode = #tpu.pipeline_mode<synchronous>, transform_indices = @transform_2, window_bounds = array<i64: 98, 128>}, {pipeline_mode = #tpu.pipeline_mode<synchronous>, transform_indices = @transform_3, window_bounds = array<i64: 1, 128>}, {pipeline_mode = #tpu.pipeline_mode<synchronous>, transform_indices = @transform_4, window_bounds = array<i64: 128, 128>}, {transform_indices = @transform_5, window_bounds = array<i64: 1000, 128>}]} {
    %get3A = arith.constant 0 : index
    %get3A_0 = arith.constant 0 : index
    %get3A_1 = vector.load %arg1[%get3A, %get3A_0] : memref<1000x78xf32, #tpu.memory_space<vmem>>, vector<1000x78xf32>
    %slice3A = vector.extract_strided_slice %get3A_1 {offsets = [0, 0], sizes = [1000, 44], strides = [1, 1]} : vector<1000x78xf32> to vector<1000x44xf32>
    %reduce_max3A = arith.constant dense<0xFF800000> : vector<1000xf32>
    %reduce_max3A_2 = vector.multi_reduction <maximumf>, %slice3A, %reduce_max3A [1] : vector<1000x44xf32> to vector<1000xf32>
    %broadcast_in_dim3A = vector.shape_cast %reduce_max3A_2 : vector<1000xf32> to vector<1000x1xf32>
    %iota3A = tpu.iota {dimensions = array<i32: 1>} : vector<1000x44xi32>
    %eq3A = vector.broadcast %broadcast_in_dim3A : vector<1000x1xf32> to vector<1000x44xf32>
    %eq3A_3 = arith.cmpf oeq, %slice3A, %eq3A : vector<1000x44xf32>
    %jit3A = arith.constant 44 : i32
    %broadcast_in_dim3A_4 = vector.broadcast %jit3A : i32 to vector<1000x44xi32>
    %select_n3A = arith.select %eq3A_3, %iota3A, %broadcast_in_dim3A_4 : vector<1000x44xi1>, vector<1000x44xi32>
    %reduce_min3A = arith.constant dense<2147483647> : vector<1000xi32>
    %reduce_min3A_5 = vector.multi_reduction <minsi>, %select_n3A, %reduce_min3A [1] : vector<1000x44xi32> to vector<1000xi32>
    %broadcast_in_dim3A_6 = vector.shape_cast %reduce_min3A_5 : vector<1000xi32> to vector<1000x1xi32>
    %eq3A_7 = vector.broadcast %broadcast_in_dim3A_6 : vector<1000x1xi32> to vector<1000x44xi32>
    %eq3A_8 = arith.cmpi eq, %iota3A, %eq3A_7 : vector<1000x44xi32>
    %convert_element_type3A = arith.extui %eq3A_8 : vector<1000x44xi1> to vector<1000x44xi32>
    %convert_element_type3A_9 = arith.sitofp %convert_element_type3A : vector<1000x44xi32> to vector<1000x44xf32>
    %get3A_10 = arith.constant 0 : index
    %get3A_11 = arith.constant 0 : index
    %get3A_12 = vector.load %arg2[%get3A_10, %get3A_11] : memref<44x64xf32, #tpu.memory_space<vmem>>, vector<44x64xf32>
    %get3A_13 = arith.constant 0 : index
    %get3A_14 = arith.constant 0 : index
    %get3A_15 = vector.load %arg3[%get3A_13, %get3A_14] : memref<98x128xf32, #tpu.memory_space<vmem>>, vector<64x128xf32>
    %dot_general3A = arith.constant dense<0.000000e+00> : vector<44x128xf32>
    %dot_general3A_16 = tpu.matmul %get3A_12, %get3A_15, %dot_general3A {dimension_numbers = #tpu.dot_dimension_numbers<[1], [0], [0], [1], [0, 0, 1, 1], [], []>, transpose_lhs_hint = false} : vector<44x64xf32>, vector<64x128xf32>, vector<44x128xf32> -> vector<44x128xf32>
    %dot_general3A_17 = arith.constant dense<0.000000e+00> : vector<1000x128xf32>
    %dot_general3A_18 = tpu.matmul %convert_element_type3A_9, %dot_general3A_16, %dot_general3A_17 {dimension_numbers = #tpu.dot_dimension_numbers<[1], [0], [0], [1], [0, 0, 1, 1], [], []>, transpose_lhs_hint = false} : vector<1000x44xf32>, vector<44x128xf32>, vector<1000x128xf32> -> vector<1000x128xf32>
    %slice3A_19 = vector.extract_strided_slice %get3A_1 {offsets = [0, 44], sizes = [1000, 34], strides = [1, 1]} : vector<1000x78xf32> to vector<1000x34xf32>
    %get3A_20 = arith.constant 64 : index
    %get3A_21 = arith.constant 0 : index
    %get3A_22 = vector.load %arg3[%get3A_20, %get3A_21] : memref<98x128xf32, #tpu.memory_space<vmem>>, vector<34x128xf32>
    %dot_general3A_23 = arith.constant dense<0.000000e+00> : vector<1000x128xf32>
    %dot_general3A_24 = tpu.matmul %slice3A_19, %get3A_22, %dot_general3A_23 {dimension_numbers = #tpu.dot_dimension_numbers<[1], [0], [0], [1], [0, 0, 1, 1], [], []>, transpose_lhs_hint = false} : vector<1000x34xf32>, vector<34x128xf32>, vector<1000x128xf32> -> vector<1000x128xf32>
    %add3A = arith.addf %dot_general3A_18, %dot_general3A_24 : vector<1000x128xf32>
    %get3A_25 = arith.constant 0 : index
    %get3A_26 = arith.constant 0 : index
    %get3A_27 = vector.load %arg4[%get3A_25, %get3A_26] : memref<1x128xf32, #tpu.memory_space<vmem>>, vector<1x128xf32>
    %add3A_28 = vector.broadcast %get3A_27 : vector<1x128xf32> to vector<1000x128xf32>
    %add3A_29 = arith.addf %add3A, %add3A_28 : vector<1000x128xf32>
    %max3A = arith.constant 0.000000e+00 : f32
    %max3A_30 = vector.broadcast %max3A : f32 to vector<1000x128xf32>
    %max3A_31 = arith.maximumf %add3A_29, %max3A_30 : vector<1000x128xf32>
    %get3A_32 = arith.constant 0 : index
    %get3A_33 = arith.constant 0 : index
    %get3A_34 = vector.load %arg5[%get3A_32, %get3A_33] : memref<128x128xf32, #tpu.memory_space<vmem>>, vector<128x128xf32>
    %dot_general3A_35 = arith.constant dense<0.000000e+00> : vector<1000x128xf32>
    %dot_general3A_36 = tpu.matmul %max3A_31, %get3A_34, %dot_general3A_35 {dimension_numbers = #tpu.dot_dimension_numbers<[1], [0], [0], [1], [0, 0, 1, 1], [], []>, transpose_lhs_hint = false} : vector<1000x128xf32>, vector<128x128xf32>, vector<1000x128xf32> -> vector<1000x128xf32>
    %swap3A = arith.constant 0 : index
    %swap3A_37 = arith.constant 0 : index
    %swap3A_38 = vector.load %arg6[%swap3A, %swap3A_37] : memref<1000x128xf32, #tpu.memory_space<vmem>>, vector<1000x128xf32>
    tpu.vector_store %arg6[%swap3A, %swap3A_37], %dot_general3A_36 {strides = array<i32>} : memref<1000x128xf32, #tpu.memory_space<vmem>>, vector<1000x128xf32>,
    return
  }
  func.func @transform_0(%arg0: i32) -> (i32, i32) {
    %c0_i32 = arith.constant 0 : i32
    %c0_i32_0 = arith.constant 0 : i32
    return %arg0, %c0_i32 : i32, i32
  }
  func.func @transform_1(%arg0: i32) -> (i32, i32) {
    %c0_i32 = arith.constant 0 : i32
    %c0_i32_0 = arith.constant 0 : i32
    %c0_i32_1 = arith.constant 0 : i32
    return %c0_i32, %c0_i32_0 : i32, i32
  }
  func.func @transform_2(%arg0: i32) -> (i32, i32) {
    %c0_i32 = arith.constant 0 : i32
    %c0_i32_0 = arith.constant 0 : i32
    %c0_i32_1 = arith.constant 0 : i32
    return %c0_i32, %c0_i32_0 : i32, i32
  }
  func.func @transform_3(%arg0: i32) -> (i32, i32) {
    %c0_i32 = arith.constant 0 : i32
    %c0_i32_0 = arith.constant 0 : i32
    %c0_i32_1 = arith.constant 0 : i32
    return %c0_i32, %c0_i32_0 : i32, i32
  }
  func.func @transform_4(%arg0: i32) -> (i32, i32) {
    %c0_i32 = arith.constant 0 : i32
    %c0_i32_0 = arith.constant 0 : i32
    %c0_i32_1 = arith.constant 0 : i32
    return %c0_i32, %c0_i32_0 : i32, i32
  }
  func.func @transform_5(%arg0: i32) -> (i32, i32) {
    %c0_i32 = arith.constant 0 : i32
    %c0_i32_0 = arith.constant 0 : i32
    return %arg0, %c0_i32 : i32, i32
  }
}

module attributes {stable_mosaic.version = 14 : i64} {
  func.func @_tc_front_b_body(%arg0: i32, %arg1: memref<2x1000x16xf32, #tpu.memory_space<vmem>>, %arg2: memref<1000x128xf32, #tpu.memory_space<vmem>>, %arg3: memref<1000x128xf32, #tpu.memory_space<vmem>>, %arg4: memref<1000x1xf32, #tpu.memory_space<vmem>>) attributes {dimension_semantics = [#tpu.dimension_semantics<arbitrary>], iteration_bounds = array<i64: 10>, scalar_prefetch = 0 : i64, scratch_operands = 0 : i64, tpu.core_type = #tpu.core_type<tc>, window_params = [{transform_indices = @transform_0, window_bounds = array<i64: 2, 1000, 16>}, {transform_indices = @transform_1, window_bounds = array<i64: 1000, 128>}, {transform_indices = @transform_2, window_bounds = array<i64: 1000, 128>}, {transform_indices = @transform_3, window_bounds = array<i64: 1000, 1>}]} {
    %get3A = arith.constant 0 : index
    %get3A_0 = arith.constant 0 : index
    %get3A_1 = arith.constant 0 : index
    %get3A_2 = vector.load %arg1[%get3A, %get3A_0, %get3A_1] : memref<2x1000x16xf32, #tpu.memory_space<vmem>>, vector<1x1000x1xf32>
    %get3A_3 = vector.shape_cast %get3A_2 : vector<1x1000x1xf32> to vector<1000x1xf32>
    %get3A_4 = arith.constant 1 : index
    %get3A_5 = arith.constant 0 : index
    %get3A_6 = arith.constant 0 : index
    %get3A_7 = vector.load %arg1[%get3A_4, %get3A_5, %get3A_6] : memref<2x1000x16xf32, #tpu.memory_space<vmem>>, vector<1x1000x1xf32>
    %get3A_8 = vector.shape_cast %get3A_7 : vector<1x1000x1xf32> to vector<1000x1xf32>
    %add3A = arith.addf %get3A_3, %get3A_8 : vector<1000x1xf32>
    %add3A_9 = arith.constant 1.000000e+00 : f32
    %add3A_10 = vector.broadcast %add3A_9 : f32 to vector<1000x1xf32>
    %add3A_11 = arith.addf %add3A, %add3A_10 : vector<1000x1xf32>
    %rsqrt3A = math.rsqrt %add3A_11 : vector<1000x1xf32>
    %get3A_12 = arith.constant 0 : index
    %get3A_13 = arith.constant 0 : index
    %get3A_14 = vector.load %arg2[%get3A_12, %get3A_13] : memref<1000x128xf32, #tpu.memory_space<vmem>>, vector<1000x128xf32>
    %mul3A = vector.broadcast %rsqrt3A : vector<1000x1xf32> to vector<1000x128xf32>
    %mul3A_15 = arith.mulf %get3A_14, %mul3A : vector<1000x128xf32>
    %swap3A = arith.constant 0 : index
    %swap3A_16 = arith.constant 0 : index
    %swap3A_17 = vector.load %arg3[%swap3A, %swap3A_16] : memref<1000x128xf32, #tpu.memory_space<vmem>>, vector<1000x128xf32>
    tpu.vector_store %arg3[%swap3A, %swap3A_16], %mul3A_15 {strides = array<i32>} : memref<1000x128xf32, #tpu.memory_space<vmem>>, vector<1000x128xf32>,
    %swap3A_18 = arith.constant 0 : index
    %swap3A_19 = arith.constant 0 : index
    %swap3A_20 = vector.load %arg4[%swap3A_18, %swap3A_19] : memref<1000x1xf32, #tpu.memory_space<vmem>>, vector<1000x1xf32>
    tpu.vector_store %arg4[%swap3A_18, %swap3A_19], %rsqrt3A {strides = array<i32>} : memref<1000x1xf32, #tpu.memory_space<vmem>>, vector<1000x1xf32>,
    return
  }
  func.func @transform_0(%arg0: i32) -> (i32, i32, i32) {
    %c0_i32 = arith.constant 0 : i32
    %c0_i32_0 = arith.constant 0 : i32
    %c0_i32_1 = arith.constant 0 : i32
    return %c0_i32, %arg0, %c0_i32_0 : i32, i32, i32
  }
  func.func @transform_1(%arg0: i32) -> (i32, i32) {
    %c0_i32 = arith.constant 0 : i32
    %c0_i32_0 = arith.constant 0 : i32
    return %arg0, %c0_i32 : i32, i32
  }
  func.func @transform_2(%arg0: i32) -> (i32, i32) {
    %c0_i32 = arith.constant 0 : i32
    %c0_i32_0 = arith.constant 0 : i32
    return %arg0, %c0_i32 : i32, i32
  }
  func.func @transform_3(%arg0: i32) -> (i32, i32) {
    %c0_i32 = arith.constant 0 : i32
    %c0_i32_0 = arith.constant 0 : i32
    return %arg0, %c0_i32 : i32, i32
  }
}

module attributes {stable_mosaic.version = 14 : i64} {
  func.func @_tc_mid_body(%arg0: i32, %arg1: memref<2x1000x128xf32, #tpu.memory_space<vmem>>, %arg2: memref<1000x128xf32, #tpu.memory_space<vmem>>, %arg3: memref<1000x1xf32, #tpu.memory_space<vmem>>, %arg4: memref<1x128xf32, #tpu.memory_space<vmem>>, %arg5: memref<128x128xf32, #tpu.memory_space<vmem>>, %arg6: memref<1000x128xf32, #tpu.memory_space<vmem>>) attributes {dimension_semantics = [#tpu.dimension_semantics<arbitrary>], iteration_bounds = array<i64: 10>, scalar_prefetch = 0 : i64, scratch_operands = 0 : i64, tpu.core_type = #tpu.core_type<tc>, window_params = [{transform_indices = @transform_0, window_bounds = array<i64: 2, 1000, 128>}, {transform_indices = @transform_1, window_bounds = array<i64: 1000, 128>}, {transform_indices = @transform_2, window_bounds = array<i64: 1000, 1>}, {pipeline_mode = #tpu.pipeline_mode<synchronous>, transform_indices = @transform_3, window_bounds = array<i64: 1, 128>}, {pipeline_mode = #tpu.pipeline_mode<synchronous>, transform_indices = @transform_4, window_bounds = array<i64: 128, 128>}, {transform_indices = @transform_5, window_bounds = array<i64: 1000, 128>}]} {
    %get3A = arith.constant 0 : index
    %get3A_0 = arith.constant 0 : index
    %get3A_1 = vector.load %arg3[%get3A, %get3A_0] : memref<1000x1xf32, #tpu.memory_space<vmem>>, vector<1000x1xf32>
    %get3A_2 = arith.constant 0 : index
    %get3A_3 = arith.constant 0 : index
    %get3A_4 = arith.constant 0 : index
    %get3A_5 = vector.load %arg1[%get3A_2, %get3A_3, %get3A_4] : memref<2x1000x128xf32, #tpu.memory_space<vmem>>, vector<1x1000x128xf32>
    %get3A_6 = vector.shape_cast %get3A_5 : vector<1x1000x128xf32> to vector<1000x128xf32>
    %get3A_7 = arith.constant 1 : index
    %get3A_8 = arith.constant 0 : index
    %get3A_9 = arith.constant 0 : index
    %get3A_10 = vector.load %arg1[%get3A_7, %get3A_8, %get3A_9] : memref<2x1000x128xf32, #tpu.memory_space<vmem>>, vector<1x1000x128xf32>
    %get3A_11 = vector.shape_cast %get3A_10 : vector<1x1000x128xf32> to vector<1000x128xf32>
    %add3A = arith.addf %get3A_6, %get3A_11 : vector<1000x128xf32>
    %get3A_12 = arith.constant 0 : index
    %get3A_13 = arith.constant 0 : index
    %get3A_14 = vector.load %arg2[%get3A_12, %get3A_13] : memref<1000x128xf32, #tpu.memory_space<vmem>>, vector<1000x128xf32>
    %add3A_15 = arith.addf %add3A, %get3A_14 : vector<1000x128xf32>
    %mul3A = vector.broadcast %get3A_1 : vector<1000x1xf32> to vector<1000x128xf32>
    %mul3A_16 = arith.mulf %mul3A, %add3A_15 : vector<1000x128xf32>
    %get3A_17 = arith.constant 0 : index
    %get3A_18 = arith.constant 0 : index
    %get3A_19 = vector.load %arg4[%get3A_17, %get3A_18] : memref<1x128xf32, #tpu.memory_space<vmem>>, vector<1x128xf32>
    %add3A_20 = vector.broadcast %get3A_19 : vector<1x128xf32> to vector<1000x128xf32>
    %add3A_21 = arith.addf %mul3A_16, %add3A_20 : vector<1000x128xf32>
    %max3A = arith.constant 0.000000e+00 : f32
    %max3A_22 = vector.broadcast %max3A : f32 to vector<1000x128xf32>
    %max3A_23 = arith.maximumf %add3A_21, %max3A_22 : vector<1000x128xf32>
    %get3A_24 = arith.constant 0 : index
    %get3A_25 = arith.constant 0 : index
    %get3A_26 = vector.load %arg5[%get3A_24, %get3A_25] : memref<128x128xf32, #tpu.memory_space<vmem>>, vector<128x128xf32>
    %dot_general3A = arith.constant dense<0.000000e+00> : vector<1000x128xf32>
    %dot_general3A_27 = tpu.matmul %max3A_23, %get3A_26, %dot_general3A {dimension_numbers = #tpu.dot_dimension_numbers<[1], [0], [0], [1], [0, 0, 1, 1], [], []>, transpose_lhs_hint = false} : vector<1000x128xf32>, vector<128x128xf32>, vector<1000x128xf32> -> vector<1000x128xf32>
    %mul3A_28 = vector.broadcast %get3A_1 : vector<1000x1xf32> to vector<1000x128xf32>
    %mul3A_29 = arith.mulf %dot_general3A_27, %mul3A_28 : vector<1000x128xf32>
    %swap3A = arith.constant 0 : index
    %swap3A_30 = arith.constant 0 : index
    %swap3A_31 = vector.load %arg6[%swap3A, %swap3A_30] : memref<1000x128xf32, #tpu.memory_space<vmem>>, vector<1000x128xf32>
    tpu.vector_store %arg6[%swap3A, %swap3A_30], %mul3A_29 {strides = array<i32>} : memref<1000x128xf32, #tpu.memory_space<vmem>>, vector<1000x128xf32>,
    return
  }
  func.func @transform_0(%arg0: i32) -> (i32, i32, i32) {
    %c0_i32 = arith.constant 0 : i32
    %c0_i32_0 = arith.constant 0 : i32
    %c0_i32_1 = arith.constant 0 : i32
    return %c0_i32, %arg0, %c0_i32_0 : i32, i32, i32
  }
  func.func @transform_1(%arg0: i32) -> (i32, i32) {
    %c0_i32 = arith.constant 0 : i32
    %c0_i32_0 = arith.constant 0 : i32
    return %arg0, %c0_i32 : i32, i32
  }
  func.func @transform_2(%arg0: i32) -> (i32, i32) {
    %c0_i32 = arith.constant 0 : i32
    %c0_i32_0 = arith.constant 0 : i32
    return %arg0, %c0_i32 : i32, i32
  }
  func.func @transform_3(%arg0: i32) -> (i32, i32) {
    %c0_i32 = arith.constant 0 : i32
    %c0_i32_0 = arith.constant 0 : i32
    %c0_i32_1 = arith.constant 0 : i32
    return %c0_i32, %c0_i32_0 : i32, i32
  }
  func.func @transform_4(%arg0: i32) -> (i32, i32) {
    %c0_i32 = arith.constant 0 : i32
    %c0_i32_0 = arith.constant 0 : i32
    %c0_i32_1 = arith.constant 0 : i32
    return %c0_i32, %c0_i32_0 : i32, i32
  }
  func.func @transform_5(%arg0: i32) -> (i32, i32) {
    %c0_i32 = arith.constant 0 : i32
    %c0_i32_0 = arith.constant 0 : i32
    return %arg0, %c0_i32 : i32, i32
  }
}

module attributes {stable_mosaic.version = 14 : i64} {
  func.func @_tc_final_body(%arg0: i32, %arg1: memref<2x1000x128xf32, #tpu.memory_space<vmem>>, %arg2: memref<1000x128xf32, #tpu.memory_space<vmem>>, %arg3: memref<1000x1xf32, #tpu.memory_space<vmem>>, %arg4: memref<1x128xf32, #tpu.memory_space<vmem>>, %arg5: memref<1000x128xf32, #tpu.memory_space<vmem>>) attributes {dimension_semantics = [#tpu.dimension_semantics<arbitrary>], iteration_bounds = array<i64: 10>, scalar_prefetch = 0 : i64, scratch_operands = 0 : i64, tpu.core_type = #tpu.core_type<tc>, window_params = [{transform_indices = @transform_0, window_bounds = array<i64: 2, 1000, 128>}, {transform_indices = @transform_1, window_bounds = array<i64: 1000, 128>}, {transform_indices = @transform_2, window_bounds = array<i64: 1000, 1>}, {pipeline_mode = #tpu.pipeline_mode<synchronous>, transform_indices = @transform_3, window_bounds = array<i64: 1, 128>}, {transform_indices = @transform_4, window_bounds = array<i64: 1000, 128>}]} {
    %get3A = arith.constant 0 : index
    %get3A_0 = arith.constant 0 : index
    %get3A_1 = vector.load %arg3[%get3A, %get3A_0] : memref<1000x1xf32, #tpu.memory_space<vmem>>, vector<1000x1xf32>
    %get3A_2 = arith.constant 0 : index
    %get3A_3 = arith.constant 0 : index
    %get3A_4 = arith.constant 0 : index
    %get3A_5 = vector.load %arg1[%get3A_2, %get3A_3, %get3A_4] : memref<2x1000x128xf32, #tpu.memory_space<vmem>>, vector<1x1000x128xf32>
    %get3A_6 = vector.shape_cast %get3A_5 : vector<1x1000x128xf32> to vector<1000x128xf32>
    %get3A_7 = arith.constant 1 : index
    %get3A_8 = arith.constant 0 : index
    %get3A_9 = arith.constant 0 : index
    %get3A_10 = vector.load %arg1[%get3A_7, %get3A_8, %get3A_9] : memref<2x1000x128xf32, #tpu.memory_space<vmem>>, vector<1x1000x128xf32>
    %get3A_11 = vector.shape_cast %get3A_10 : vector<1x1000x128xf32> to vector<1000x128xf32>
    %add3A = arith.addf %get3A_6, %get3A_11 : vector<1000x128xf32>
    %get3A_12 = arith.constant 0 : index
    %get3A_13 = arith.constant 0 : index
    %get3A_14 = vector.load %arg2[%get3A_12, %get3A_13] : memref<1000x128xf32, #tpu.memory_space<vmem>>, vector<1000x128xf32>
    %add3A_15 = arith.addf %add3A, %get3A_14 : vector<1000x128xf32>
    %mul3A = vector.broadcast %get3A_1 : vector<1000x1xf32> to vector<1000x128xf32>
    %mul3A_16 = arith.mulf %mul3A, %add3A_15 : vector<1000x128xf32>
    %get3A_17 = arith.constant 0 : index
    %get3A_18 = arith.constant 0 : index
    %get3A_19 = vector.load %arg4[%get3A_17, %get3A_18] : memref<1x128xf32, #tpu.memory_space<vmem>>, vector<1x128xf32>
    %add3A_20 = vector.broadcast %get3A_19 : vector<1x128xf32> to vector<1000x128xf32>
    %add3A_21 = arith.addf %mul3A_16, %add3A_20 : vector<1000x128xf32>
    %max3A = arith.constant 0.000000e+00 : f32
    %max3A_22 = vector.broadcast %max3A : f32 to vector<1000x128xf32>
    %max3A_23 = arith.maximumf %add3A_21, %max3A_22 : vector<1000x128xf32>
    %swap3A = arith.constant 0 : index
    %swap3A_24 = arith.constant 0 : index
    %swap3A_25 = vector.load %arg5[%swap3A, %swap3A_24] : memref<1000x128xf32, #tpu.memory_space<vmem>>, vector<1000x128xf32>
    tpu.vector_store %arg5[%swap3A, %swap3A_24], %max3A_23 {strides = array<i32>} : memref<1000x128xf32, #tpu.memory_space<vmem>>, vector<1000x128xf32>,
    return
  }
  func.func @transform_0(%arg0: i32) -> (i32, i32, i32) {
    %c0_i32 = arith.constant 0 : i32
    %c0_i32_0 = arith.constant 0 : i32
    %c0_i32_1 = arith.constant 0 : i32
    return %c0_i32, %arg0, %c0_i32_0 : i32, i32, i32
  }
  func.func @transform_1(%arg0: i32) -> (i32, i32) {
    %c0_i32 = arith.constant 0 : i32
    %c0_i32_0 = arith.constant 0 : i32
    return %arg0, %c0_i32 : i32, i32
  }
  func.func @transform_2(%arg0: i32) -> (i32, i32) {
    %c0_i32 = arith.constant 0 : i32
    %c0_i32_0 = arith.constant 0 : i32
    return %arg0, %c0_i32 : i32, i32
  }
  func.func @transform_3(%arg0: i32) -> (i32, i32) {
    %c0_i32 = arith.constant 0 : i32
    %c0_i32_0 = arith.constant 0 : i32
    %c0_i32_1 = arith.constant 0 : i32
    return %c0_i32, %c0_i32_0 : i32, i32
  }
  func.func @transform_4(%arg0: i32) -> (i32, i32) {
    %c0_i32 = arith.constant 0 : i32
    %c0_i32_0 = arith.constant 0 : i32
    return %arg0, %c0_i32 : i32, i32
  }
}

</mosaic_0001>

<sc_bundles>
// kernel: kernel.12.cloned.1.call-start
scs
__scs_entry_jumppad:
0x0: {  	(pc) =	sbr.rel $0x88, $3  }
0x1: {  	(tag) =	ssettag $0x0;
	lr =	simm.s32 $0x1  }
0x2: {  	[smem:$0x3F98] =	sst lr;
	_ =	strace $0xD0000000  }
0x3: {  	_ = 	snop  }
0x4: {  	_ = 	snop  }
0x5: {  	_ = 	snop  }
0x6: {  	_ = 	snop  }
0x7: {  	_ = 	snop  }
__scs_overlays_trampoline_lowered:
0x8: {  	[smem:$0x3FA7] =	sst s0  }
0x9: {  	[smem:$0x3FA8] =	sst s1  }
0xa: {  	[smem:$0x3FA9] =	sst s2  }
0xb: {  	[smem:$0x3FAA] =	sst s3  }
0xc: {  	[smem:$0x3FAB] =	sst s4  }
0xd: {  	[smem:$0x3FAC] =	sst s5  }
0xe: {  	[smem:$0x3FAD] =	sst s6  }
0xf: {  	[smem:$0x3FAE] =	sst s7  }
0x10: {  	[smem:$0x3FAF] =	sst s8  }
0x11: {  	[smem:$0x3FB0] =	sst s9;
	s0 =	simm.s32 @!p0 $0x0  }
0x12: {  	s1 =	sld [smem:$0x3F96];
	s0 =	simm.s32 @p0 $0x1  }
0x13: {  	[smem:$0x3FB1] =	sst s0;
	s0 =	simm.s32 @!p1 $0x0  }
0x14: {  	s2 =	sld [smem:$0x3F95];
	s0 =	simm.s32 @p1 $0x1  }
0x15: {  	[smem:$0x3FB2] =	sst s0;
	s0 =	simm.s32 @!p2 $0x0  }
0x16: {  	s3 =	sld [smem:$0x3FDB];
	s0 =	simm.s32 @p2 $0x1  }
0x17: {  	s4 =	simm.s32 $0x1BF5;
	[smem:$0x3FB4] =	sst s0  }
0x18: {  	s0 =	sld [smem:$0x3F97];
	_ =	swait.ge [sflag:s4], $0x0  }
0x19: {  	s7 =	sld [smem:$0x3F98]  }
0x1a: {  	s8 =	sadd.s32 $0xFFFFE003, lr  }
0x1b: {  	s9 =	sadd.s32 $0xFFFFFEF7, lr;
	s5 =	simm.s32 $0xFFFFFFFF;
	p2 =	slt.u32 s8, $0xFFFFF086  }
0x1c: {  	p1 =	slt.u32 s9, $0xF7A;
	s5 =	simm.s32 @!p2 $0x0  }
0x1d: {  	s5 =	simm.s32 @p1 $0x1;
	p0 =	seq.s32 s7, s2  }
0x1e: {  	s7 =	smul.u32 @!p0 $0xF7A, s2;
	p2 =	seq.s32 @!p0 s5, $0x0  }
0x1f: {  	s9 =	smul.u32 $0xF7A, s1;
	s8 =	simm.s32 @!p0 $0x1BF5;
	p2 =	por !p2, p0  }
0x20: {  	[sflag:s8] =	ssyncset.s32 @!p0 $0xFFFFF086;
	s6 =	sadd.s32 @!p0 s3, s7;
	s7 =	simm.s32 @!p0 $0x108  }
0x21: {  	s3 =	sadd.s32 s3, s9;
	s6 =	sadd.s32 @!p0 $0x88, s6;
	s7 =	simm.s32 @p2 $0x1082  }
0x22: {  	[simem:s7], [sflag:s8] =	dma.local @!p0 [hbm:s6], $0xF7A  }
0x23: {  	s9 =	sor.u32 $0xD0000000, s2;
	s6 =	simm.s32 $0x108;
	_ =	swait.ge @!p0 [sflag:s8], $0x0  }
0x24: {  	s3 =	sadd.s32 $0x88, s3;
	s6 =	simm.s32 @!p1 $0x1082;
	[sflag:s4] =	ssyncset.s32 $0xFFFFF086  }
0x25: {  	[simem:s6], [sflag:s4] =	dma.local [hbm:s3], $0xF7A  }
0x26: {  	[smem:$0x3F98] =	sst s1;
	(tag) =	ssettag s2;
	_ =	strace s9  }
0x27: {  	s1 =	sld [smem:$0x3FA8]  }
0x28: {  	s2 =	sld [smem:$0x3FA9]  }
0x29: {  	s4 =	sld [smem:$0x3FAB]  }
0x2a: {  	p0 =	seq.s32 s5, $0x0;
	s5 =	sld [smem:$0x3FAC]  }
0x2b: {  	s6 =	sld [smem:$0x3FAD]  }
0x2c: {  	s7 =	sld [smem:$0x3FAE]  }
0x2d: {  	s3 =	simm.s32 $0x108;
	s8 =	sld [smem:$0x3FAF]  }
0x2e: {  	s3 =	simm.s32 @!p0 $0x1082;
	s9 =	sld [smem:$0x3FB0]  }
0x2f: {  	lr =	sadd.s32 s0, s3;
	s0 =	sld [smem:$0x3FA7]  }
0x30: {  	s3 =	sld [smem:$0x3FAA]  }
0x31: {  	[smem:$0x3FB3] =	sst s10  }
0x32: {  	s10 =	sld [smem:$0x3FB1];
	_ =	sdelay $0x3  }
0x33: {  	p0 =	seq.s32 s10, $0x1;
	s10 =	sld [smem:$0x3FB3];
	_ =	sdelay $0x3  }
0x34: {  	[smem:$0x3FB3] =	sst s10  }
0x35: {  	s10 =	sld [smem:$0x3FB2];
	_ =	sdelay $0x3  }
0x36: {  	p1 =	seq.s32 s10, $0x1;
	s10 =	sld [smem:$0x3FB3];
	_ =	sdelay $0x3  }
0x37: {  	[smem:$0x3FB3] =	sst s10  }
0x38: {  	s10 =	sld [smem:$0x3FB4]  }
0x39: {  	_ = 	snop;
	(pc) =	sbr.ind lr, $3  }
0x3a: {  	_ = 	snop  }
0x3b: {  	_ = 	snop  }
0x3c: {  	p2 =	seq.s32 s10, $0x1;
	s10 =	sld [smem:$0x3FB3]  }
0x3d: {  	_ =	shalt  }
0x3e: {  	_ =	shalt  }
0x3f: {  	_ =	shalt  }
0x40: {  	_ =	shalt  }
0x41: {  	_ =	shalt  }
0x42: {  	_ =	shalt  }
0x43: {  	_ =	shalt  }
0x44: {  	_ =	shalt  }
0x45: {  	_ =	shalt  }
0x46: {  	_ =	shalt  }
0x47: {  	_ =	shalt  }
0x48: {  	_ =	shalt  }
0x49: {  	_ =	shalt  }
0x4a: {  	_ =	shalt  }
0x4b: {  	_ =	shalt  }
0x4c: {  	_ =	shalt  }
0x4d: {  	_ =	shalt  }
0x4e: {  	_ =	shalt  }
0x4f: {  	_ =	shalt  }
0x50: {  	_ =	shalt  }
0x51: {  	_ =	shalt  }
0x52: {  	_ =	shalt  }
0x53: {  	_ =	shalt  }
0x54: {  	_ =	shalt  }
0x55: {  	_ =	shalt  }
0x56: {  	_ =	shalt  }
0x57: {  	_ =	shalt  }
0x58: {  	_ =	shalt  }
0x59: {  	_ =	shalt  }
0x5a: {  	_ =	shalt  }
0x5b: {  	_ =	shalt  }
0x5c: {  	_ =	shalt  }
0x5d: {  	_ =	shalt  }
0x5e: {  	_ =	shalt  }
0x5f: {  	_ =	shalt  }
0x60: {  	_ =	shalt  }
0x61: {  	_ =	shalt  }
0x62: {  	_ =	shalt  }
0x63: {  	_ =	shalt  }
0x64: {  	_ =	shalt  }
0x65: {  	_ =	shalt  }
0x66: {  	_ =	shalt  }
0x67: {  	_ =	shalt  }
0x68: {  	_ =	shalt  }
0x69: {  	_ =	shalt  }
0x6a: {  	_ =	shalt  }
0x6b: {  	_ =	shalt  }
0x6c: {  	_ =	shalt  }
0x6d: {  	_ =	shalt  }
0x6e: {  	_ =	shalt  }
0x6f: {  	_ =	shalt  }
0x70: {  	_ =	shalt  }
0x71: {  	_ =	shalt  }
0x72: {  	_ =	shalt  }
0x73: {  	_ =	shalt  }
0x74: {  	_ =	shalt  }
0x75: {  	_ =	shalt  }
0x76: {  	_ =	shalt  }
0x77: {  	_ =	shalt  }
0x78: {  	_ =	shalt  }
0x79: {  	_ =	shalt  }
0x7a: {  	_ =	shalt  }
0x7b: {  	_ =	shalt  }
0x7c: {  	_ =	shalt  }
0x7d: {  	_ =	shalt  }
0x7e: {  	_ =	shalt  }
0x7f: {  	_ =	shalt  }
0x80: {  	_ =	shalt  }
0x81: {  	_ =	shalt  }
0x82: {  	_ =	shalt  }
0x83: {  	_ =	shalt  }
0x84: {  	_ =	shalt  }
0x85: {  	_ =	shalt  }
0x86: {  	_ =	shalt  }
0x87: {  	_ =	shalt  }
.Lfunc_end0:
.L_simem_size_0:
called_computation.1_lowered:
.L_overlay_start_0:
0x88: {  	s2 =	sld [smem:$0x3FD9]  }
0x89: {  	s3 =	sld [smem:$0x3FFE];
	_ =	sdelay $0x1  }
0x8a: {  	s1 =	srdreg.scid  }
0x8b: {  	s0 =	sand.u32 $0x1, s1  }
0x8c: {  	s17 =	sshll.u32 s0, $0xA;
	s2 =	sadd.s32 s3, s2  }
0x8d: {  	s2 =	sadd.s32 s2, s17  }
0x8e: {  	[smem:$0x3FBF] =	sst s2  }
0x8f: {  	_ = 	snop  }
0x90: {  	s2 =	sld [smem:$0x3FD0];
	(tm) =	ssettm $0x1  }
0x91: {  	s18 =	sld [smem:$0x3FFB];
	_ =	sdelay $0x3  }
0x92: {  	_ =	strace s18  }
0x93: {  	s3 =	sld [smem:$0x3FFC];
	_ =	sdelay $0x3  }
0x94: {  	_ =	strace s3  }
0x95: {  	s3 =	sld [smem:$0x3FFD];
	_ =	sdelay $0x3  }
0x96: {  	_ =	strace s3  }
0x97: {  	_ =	strace $0x8FFFFFFF  }
0x98: {  	s19 =	sld [smem:$0x3FDB];
	_ =	sdelay $0x1  }
0x99: {  	s4 =	simm.s32 $_scs_section_size  }
0x9a: {  	s5 =	simm.s32 $_size__tile_overlayer_lowered;
	s6 =	simm.s32 $_tile_overlayer_lowered  }
0x9b: {  	s22 =	simm.s32 $0x1BFF;
	s21 =	sshll.u32 s6, $0x1;
	s3 =	sadd.s32 s4, s19  }
0x9c: {  	s7 =	simm.s32 $0x0;
	s20 =	sshll.u32 s5, $0x1;
	s5 =	sadd.s32 s21, s3  }
0x9d: {  	[timem:s7], [sflag:s22] =	dma.local [hbm:s5], s20  }
0x9e: {  	_ =	swait.ge [sflag:s22], s20  }
0x9f: {  	s4 =	ssub.s32 $0x0, s20;
	[sflag:s22] =	ssyncset.done $0x0  }
0xa0: {  	[sflag:s22] =	ssyncadd.s32 s4;
	_ =	sdelay $0x1  }
0xa1: {  	s23 =	simm.s32 $0x1B8B  }
0xa2: {  	_ =	swait.ge [sflag:s23], $0x1  }
0xa3: {  	[sflag:s23] =	ssyncset.done $0x0  }
0xa4: {  	s25 =	simm.s32 $0x1B8E;
	s24 =	sld [smem:$0x3FFE];
	[sflag:s23] =	ssyncadd.s32 $0xFFFFFFFF  }
0xa5: {  	s26 =	simm.s32 $execute0_lowered;
	[smem:$0x3FD2] =	sst s25  }
0xa6: {  	s5 =	sshll.u32 s26, $0x1;
	_ =	strace $0x80000049;
	[dreg:$0x1] =	wrdreg $0xFFFFFFFF  }
0xa7: {  	s28 =	simm.s32 $_size_execute0_lowered;
	s3 =	sadd.s32 s3, s5;
	[dreg:$0x0] =	wrdreg $0x0  }
0xa8: {  	s5 =	sshll.u32 s28, $0x1;
	[dreg:$0x2] =	wrdreg s3  }
0xa9: {  	[dreg:$0x3] =	wrdreg s5  }
0xaa: {  	[dreg:$0x4] =	wrdreg $0xC0  }
0xab: {  	_ =	task [dreg:s7], $0x5FFFF  }
0xac: {  	[dreg:$0x1] =	wrdreg $0xFFFFFFFF  }
0xad: {  	[dreg:$0x0] =	wrdreg $0x60  }
0xae: {  	[dreg:$0x2] =	wrdreg s2  }
0xaf: {  	[dreg:$0x3] =	wrdreg s24  }
0xb0: {  	[dreg:$0x4] =	wrdreg $0x84000  }
0xb1: {  	[dreg:$0x5] =	wrdreg $0x9  }
0xb2: {  	_ =	task.clear_ibuf [dreg:s7], $0x6FFFF;
	_ =	strace $0x90000049  }
0xb3: {  	s29 =	simm.s32 $0x9;
	_ =	strace $0x8000004B  }
0xb4: {  	_ =	swait.ge [sflag:s29], $0x1  }
0xb5: {  	[sflag:s29] =	ssyncadd.s32 $0xFFFFFFFF  }
0xb6: {  	_ =	strace $0x9000004B  }
0xb7: {  	_ =	sfence  }
0xb8: {  	s30 =	sld [smem:$0x0];
	_ =	sdelay $0x2  }
0xb9: {  	s31 =	sshll.u32 s1, $0xD;
	s1 =	sshrl.u32 s1, $0x2  }
0xba: {  	s3 =	sand.u32 $0x4000, s31;
	s1 =	sadd.s32 s1, s30  }
0xbb: {  	s0 =	sor.u32 s3, s0;
	s1 =	sshll.u32 s1, $0x11  }
0xbc: {  	s0 =	sor.u32 s1, s0  }
0xbd: {  	s0 =	sadd.s32 $0x8F2B, s0  }
0xbe: {  	[sflag:s0] =	ssyncadd.remote.s32 $0x1  }
0xbf: {  	_ =	sfence.sel $0xFFFF  }
0xc0: {  	[dreg:$0x0] =	wrdreg $0xFFFFFFFF;
	(pc) =	sbr.abs _section_cstart, $3  }
0xc1: {  	[dreg:$0x1] =	wrdreg $0xFFFFFFFF  }
0xc2: {  	_ =	task.clear_ibuf [dreg:s7], $0x2FFFF;
	_ =	strace $0x9FFFFFFF  }
0xc3: {  	(tm) =	ssettm $0x7FFFFFFF  }
tec
execute0_lowered:
.L_overlay_start_1:
0x0: {  	(tag) =	ssettag $0x1  }
0x1: {  	s1 =	rddreg [dreg:$0x0]  }
0x2: {  	s0 =	rddreg [dreg:$0x1]  }
0x3: {  	s3 =	rddreg [dreg:$0x2];
	s11 =	stileid.u32  }
0x4: {  	s2 =	srdreg.scid;
	s6 =	smul.u32 $0x13C00, s11  }
0x5: {  	s4 =	simm.s32 $0x0;
	s28 =	simm.s32 $0x80;
	s10 =	smul.u32 $0x50000, s11  }
0x6: {  	s29 =	simm.s32 $0x400;
	s30 =	simm.s32 $0x4400;
	s26 =	smul.u32 $0x4F000, s11  }
0x7: {  	s31 =	simm.s32 $0x7;
	s2 =	sand.u32 $0x1, s2;
	s15 =	smul.u32 $0x5000, s11  }
0x8: {  	[smem:$0x7FF] =	sst s4;
	s8 =	sadd.s32 $0x2800, s0;
	s5 =	smul.u32 $0x13C000, s2  }
0x9: {  	s7 =	sshll.u32 s2, $0x4;
	_ =	strace $0x8000004A;
	s24 =	ssub.s32 $0x2, s2  }
0xa: {  	s2 =	smul.u32 $0x50000, s2;
	s7 =	sor.u32 s11, s7;
	s9 =	sshrl.u32 s24, $0x1  }
0xb: {  	s25 =	sshrl.u32 s10, $0x2;
	s19 =	sshrl.u32 s26, $0x2;
	s10 =	simm.s32 $0x180  }
0xc: {  	s11 =	simm.s32 $0x300;
	s5 =	sadd.s32 s6, s5;
	s23 =	smul.u32 $0x5000, s7  }
0xd: {  	s9 =	ssub.s32 s24, s9;
	s7 =	sadd.s32 s25, s3;
	s2 =	sadd.s32 s15, s2  }
0xe: {  	s15 =	simm.s32 $0x0;
	s5 =	sshrl.u32 s5, $0x3;
	s20 =	smax.u32 s9, $0x1  }
0xf: {  	s21 =	sor.u32 $0x900, s2;
	s22 =	sadd.s32 $0x4000, s7;
	s24 =	sadd.s32 $0xC000, s7  }
0x10: {  	s25 =	sor.u32 $0x800, s2;
	s26 =	sor.u32 $0x700, s2;
	[dreg:$0xc] =	wrdreg s20  }
0x11: {  	s2 =	sor.u32 $0x600, s2;
	s6 =	sshrl.u32 s23, $0x3;
	[dreg:$0xd] =	wrdreg s22  }
0x12: {  	s0 =	sadd.s32 s5, s0;
	s23 =	sadd.s32 $0x8000, s7;
	[dreg:$0xf] =	wrdreg s24  }
0x13: {  	s9 =	sshrl.u32 s26, $0x3;
	s2 =	sshrl.u32 s2, $0x3;
	s24 =	simm.s32 $0x100  }
0x14: {  	s5 =	sadd.s32 s8, s6;
	s0 =	sadd.s32 $0x16800, s0;
	[dreg:$0xe] =	wrdreg s23  }
0x15: {  	s26 =	simm.s32 $0x1;
	s6 =	sadd.s32 $0x20, s5;
	[dreg:$0xb] =	wrdreg s0  }
0x16: {  	s22 =	sadd.s32 s9, s8;
	s12 =	sadd.s32 $0x40, s5;
	[dreg:$0x4] =	wrdreg s6  }
0x17: {  	s23 =	sadd.s32 s2, s8;
	s13 =	sadd.s32 $0x60, s5;
	[dreg:$0x5] =	wrdreg s12  }
0x18: {  	s2 =	simm.s32 $0x2;
	s14 =	sadd.s32 $0x80, s5;
	[dreg:$0x6] =	wrdreg s13  }
0x19: {  	s9 =	simm.s32 $0x3;
	s16 =	sadd.s32 $0xA0, s5;
	[dreg:$0x7] =	wrdreg s14  }
0x1a: {  	s17 =	sadd.s32 $0x9C0, s5;
	s18 =	sadd.s32 $0x9E0, s5;
	[dreg:$0x8] =	wrdreg s16  }
0x1b: {  	s0 =	sadd.s32 s19, s3;
	s19 =	sadd.s32 $0x10000, s7;
	[dreg:$0x9] =	wrdreg s17  }
0x1c: {  	[dreg:$0xa] =	wrdreg s18;
	s6 =	sshrl.u32 s21, $0x3;
	s12 =	simm.s32 $0x4  }
0x1d: {  	s13 =	simm.s32 $0x280;
	s14 =	simm.s32 $0x380;
	s20 =	sadd.s32 s6, s8  }
0x1e: {  	s6 =	sshrl.u32 s25, $0x3;
	s25 =	sshrl.u32 s0, $0x3;
	s0 =	simm.s32 $0x5  }
0x1f: {  	v0 =	vimm.f32 $0.0e+00;
	s21 =	sadd.s32 s6, s8;
	s6 =	simm.s32 $0x200;
	s8 =	simm.s32 $0x6  }
.LBB2_1:
0x20: {  	[tilespmem:s4], [sflag:$0x1] =	stream.linear.gather [hbm4b:s5+s4], $0x100, $0x38;
	[tilespmem:$0x1C400] =	vst v63  }
0x21: {  	s16 =	rddreg [dreg:$0x4]  }
0x22: {  	[tilespmem:s24], [sflag:$0x2] =	stream.linear.gather [hbm4b:s16+s4], $0x100, $0x38;
	[tilespmem:$0x1C400] =	vst v63  }
0x23: {  	_ =	swait.ge [sflag:s26], $0x100  }
0x24: {  	[sflag:s26] =	ssyncset.done $0x0  }
0x25: {  	s17 =	simm.s32 $0x200;
	s16 =	simm.s32 $0x0;
	[sflag:s26] =	ssyncadd.s32 $0xFFFFFF00  }
0x26: {  	[tilespmem:s29], [sflag:$0x5] =	stream.indirect.gather [hbm4b:s1+s28], $0x80, s4, s28, $0xb8;
	[tilespmem:$0x1C400] =	vst v63  }
.LBB2_2:
0x27: {  	p0 =	seq.s32 s17, $0xFE00;
	[tilespmem:s16+$0x4470] =	vst v0  }
0x28: {  	[tilespmem:s16+$0x4400] =	vst v0  }
0x29: {  	[tilespmem:s16+$0x4410] =	vst v0  }
.Ltmp0:
0x2a: {  	[tilespmem:s16+$0x4420] =	vst v0;
	(pc) =	sbr.rel @!p0 .LBB2_2-.Ltmp0, $4  }
0x2b: {  	[tilespmem:s16+$0x4430] =	vst v0  }
0x2c: {  	[tilespmem:s16+$0x4440] =	vst v0  }
0x2d: {  	[tilespmem:s16+$0x4450] =	vst v0  }
0x2e: {  	[tilespmem:s16+$0x4460] =	vst v0;
	s16 =	sshra.s32 s17, $0x2;
	s17 =	sadd.s32 $0x200, s17  }
0x2f: {  	[tilespmem:s16+$0x4470] =	vst v0  }
0x30: {  	[tilespmem:s16+$0x4400] =	vst v0  }
0x31: {  	[tilespmem:s16+$0x4410] =	vst v0  }
0x32: {  	[tilespmem:s16+$0x4420] =	vst v0  }
0x33: {  	[tilespmem:s16+$0x4430] =	vst v0  }
0x34: {  	[tilespmem:s16+$0x4440] =	vst v0  }
0x35: {  	[tilespmem:s16+$0x4450] =	vst v0  }
0x36: {  	[tilespmem:s16+$0x4460] =	vst v0  }
0x37: {  	[spmem:s7] =	stream.linear.scatter [tilespmem:s30], [sflag:$0x7], $0x4000, $0x38;
	[tilespmem:$0x1C400] =	vst v63  }
0x38: {  	_ =	swait.ge [sflag:s31], $0x4000  }
0x39: {  	[sflag:s31] =	ssyncset.done $0x0  }
0x3a: {  	s17 =	rddreg [dreg:$0xd];
	[sflag:s31] =	ssyncadd.s32 $0xFFFFC000  }
0x3b: {  	[spmem:s17] =	stream.linear.scatter [tilespmem:s30], [sflag:$0x7], $0x4000, $0x38;
	[tilespmem:$0x1C400] =	vst v63  }
0x3c: {  	_ =	swait.ge [sflag:s31], $0x4000  }
0x3d: {  	[sflag:s31] =	ssyncset.done $0x0  }
0x3e: {  	s18 =	rddreg [dreg:$0xe];
	[sflag:s31] =	ssyncadd.s32 $0xFFFFC000  }
0x3f: {  	[spmem:s18] =	stream.linear.scatter [tilespmem:s30], [sflag:$0x7], $0x4000, $0x38;
	[tilespmem:$0x1C400] =	vst v63  }
0x40: {  	_ =	swait.ge [sflag:s31], $0x4000  }
0x41: {  	[sflag:s31] =	ssyncset.done $0x0  }
0x42: {  	s17 =	rddreg [dreg:$0xf];
	[sflag:s31] =	ssyncadd.s32 $0xFFFFC000  }
0x43: {  	[spmem:s17] =	stream.linear.scatter [tilespmem:s30], [sflag:$0x7], $0x4000, $0x38;
	[tilespmem:$0x1C400] =	vst v63  }
0x44: {  	_ =	swait.ge [sflag:s31], $0x4000  }
0x45: {  	[sflag:s31] =	ssyncset.done $0x0  }
0x46: {  	[sflag:s31] =	ssyncadd.s32 $0xFFFFC000  }
0x47: {  	[spmem:s19] =	stream.linear.scatter [tilespmem:s30], [sflag:$0x7], $0x4000, $0x38;
	[tilespmem:$0x1C400] =	vst v63  }
0x48: {  	_ =	swait.ge [sflag:s31], $0x4000  }
0x49: {  	[sflag:s31] =	ssyncset.done $0x0  }
0x4a: {  	[sflag:s31] =	ssyncadd.s32 $0xFFFFC000  }
0x4b: {  	[bflag:$0x0] =	sbarrier.arrive $0xFFFF  }
0x4c: {  	_ =	swait.ge [sflag:s0], $0x4000  }
0x4d: {  	[sflag:s0] =	ssyncset.done $0x0  }
0x4e: {  	[sflag:s0] =	ssyncadd.s32 $0xFFFFC000  }
0x4f: {  	_ =	swait.ge [sflag:s2], $0x100  }
0x50: {  	[sflag:s2] =	ssyncset.done $0x0  }
0x51: {  	[sflag:s2] =	ssyncadd.s32 $0xFFFFFF00  }
0x52: {  	[tilespmem:s30], [sflag:$0x6] =	stream.indirect.gather [hbm4b:s1+s28], $0x80, s24, s28, $0xb8;
	[tilespmem:$0x1C400] =	vst v63  }
0x53: {  	_ = 	snop  }
0x54: {  	[spmem:s3] =	stream.indirect.scatter.add.f32 [tilespmem:s29], [sflag:$0x7], $0x80, s28, s28, $0xb8;
	[tilespmem:$0x1C400] =	vst v63  }
0x55: {  	_ =	swait.ge [sflag:s31], $0x4000  }
0x56: {  	[sflag:s31] =	ssyncset.done $0x0  }
0x57: {  	s16 =	simm.s32 $0x0;
	s17 =	rddreg [dreg:$0x5];
	[sflag:s31] =	ssyncadd.s32 $0xFFFFC000  }
0x58: {  	[tilespmem:s6], [sflag:$0x3] =	stream.linear.gather [hbm4b:s17+s16], $0x100, $0x38;
	[tilespmem:$0x1C400] =	vst v63  }
0x59: {  	_ =	swait.ge [sflag:s8], $0x4000  }
0x5a: {  	[sflag:s8] =	ssyncset.done $0x0  }
0x5b: {  	[sflag:s8] =	ssyncadd.s32 $0xFFFFC000  }
0x5c: {  	_ =	swait.ge [sflag:s9], $0x100  }
0x5d: {  	[sflag:s9] =	ssyncset.done $0x0  }
0x5e: {  	[sflag:s9] =	ssyncadd.s32 $0xFFFFFF00  }
0x5f: {  	[tilespmem:s29], [sflag:$0x5] =	stream.indirect.gather [hbm4b:s1+s28], $0x80, s6, s28, $0xb8;
	[tilespmem:$0x1C400] =	vst v63  }
0x60: {  	_ = 	snop  }
0x61: {  	[spmem:s3] =	stream.indirect.scatter.add.f32 [tilespmem:s30], [sflag:$0x7], $0x80, s10, s28, $0xb8;
	[tilespmem:$0x1C400] =	vst v63  }
0x62: {  	_ =	swait.ge [sflag:s31], $0x4000  }
0x63: {  	[sflag:s31] =	ssyncset.done $0x0  }
0x64: {  	s18 =	rddreg [dreg:$0x6];
	[sflag:s31] =	ssyncadd.s32 $0xFFFFC000  }
0x65: {  	[tilespmem:s11], [sflag:$0x4] =	stream.linear.gather [hbm4b:s18+s16], $0x100, $0x38;
	[tilespmem:$0x1C400] =	vst v63  }
0x66: {  	_ =	swait.ge [sflag:s0], $0x4000  }
0x67: {  	[sflag:s0] =	ssyncset.done $0x0  }
0x68: {  	[sflag:s0] =	ssyncadd.s32 $0xFFFFC000  }
0x69: {  	_ =	swait.ge [sflag:s12], $0x100  }
0x6a: {  	[sflag:s12] =	ssyncset.done $0x0  }
0x6b: {  	[sflag:s12] =	ssyncadd.s32 $0xFFFFFF00  }
0x6c: {  	[tilespmem:s30], [sflag:$0x6] =	stream.indirect.gather [hbm4b:s1+s28], $0x80, s11, s28, $0xb8;
	[tilespmem:$0x1C400] =	vst v63  }
0x6d: {  	_ = 	snop  }
0x6e: {  	[spmem:s3] =	stream.indirect.scatter.add.f32 [tilespmem:s29], [sflag:$0x7], $0x80, s13, s28, $0xb8;
	[tilespmem:$0x1C400] =	vst v63  }
0x6f: {  	_ =	swait.ge [sflag:s31], $0x4000  }
0x70: {  	[sflag:s31] =	ssyncset.done $0x0  }
0x71: {  	s18 =	rddreg [dreg:$0x7];
	[sflag:s31] =	ssyncadd.s32 $0xFFFFC000  }
0x72: {  	[tilespmem:s16], [sflag:$0x1] =	stream.linear.gather [hbm4b:s18+s16], $0x100, $0x38;
	[tilespmem:$0x1C400] =	vst v63  }
0x73: {  	_ =	swait.ge [sflag:s8], $0x4000  }
0x74: {  	[sflag:s8] =	ssyncset.done $0x0  }
0x75: {  	[sflag:s8] =	ssyncadd.s32 $0xFFFFC000  }
0x76: {  	_ =	swait.ge [sflag:s26], $0x100  }
0x77: {  	[sflag:s26] =	ssyncset.done $0x0  }
0x78: {  	[sflag:s26] =	ssyncadd.s32 $0xFFFFFF00  }
0x79: {  	[tilespmem:s29], [sflag:$0x5] =	stream.indirect.gather [hbm4b:s1+s28], $0x80, s16, s28, $0xb8;
	[tilespmem:$0x1C400] =	vst v63  }
0x7a: {  	_ = 	snop  }
0x7b: {  	[spmem:s3] =	stream.indirect.scatter.add.f32 [tilespmem:s30], [sflag:$0x7], $0x80, s14, s28, $0xb8;
	[tilespmem:$0x1C400] =	vst v63  }
0x7c: {  	_ =	swait.ge [sflag:s31], $0x4000  }
0x7d: {  	[sflag:s31] =	ssyncset.done $0x0  }
0x7e: {  	s18 =	rddreg [dreg:$0x8];
	[sflag:s31] =	ssyncadd.s32 $0xFFFFC000  }
0x7f: {  	[tilespmem:s24], [sflag:$0x2] =	stream.linear.gather [hbm4b:s18+s16], $0x100, $0x38;
	[tilespmem:$0x1C400] =	vst v63  }
0x80: {  	_ =	swait.ge [sflag:s0], $0x4000  }
0x81: {  	[sflag:s0] =	ssyncset.done $0x0  }
0x82: {  	[sflag:s0] =	ssyncadd.s32 $0xFFFFC000  }
0x83: {  	_ =	swait.ge [sflag:s2], $0x100  }
0x84: {  	[sflag:s2] =	ssyncset.done $0x0  }
0x85: {  	[sflag:s2] =	ssyncadd.s32 $0xFFFFFF00  }
0x86: {  	[tilespmem:s30], [sflag:$0x6] =	stream.indirect.gather [hbm4b:s1+s28], $0x80, s24, s28, $0xb8;
	[tilespmem:$0x1C400] =	vst v63  }
0x87: {  	_ = 	snop  }
0x88: {  	[spmem:s3] =	stream.indirect.scatter.add.f32 [tilespmem:s29], [sflag:$0x7], $0x80, s28, s28, $0xb8;
	[tilespmem:$0x1C400] =	vst v63  }
0x89: {  	_ =	swait.ge [sflag:s31], $0x4000  }
0x8a: {  	[sflag:s31] =	ssyncset.done $0x0  }
0x8b: {  	s18 =	sadd.s32 $0x0, s23;
	[sflag:s31] =	ssyncadd.s32 $0xFFFFC000  }
0x8c: {  	[tilespmem:s6], [sflag:$0x3] =	stream.linear.gather [hbm4b:s18+s4], $0x100, $0x38;
	[tilespmem:$0x1C400] =	vst v63  }
0x8d: {  	_ =	swait.ge [sflag:s8], $0x4000  }
0x8e: {  	[sflag:s8] =	ssyncset.done $0x0  }
0x8f: {  	[sflag:s8] =	ssyncadd.s32 $0xFFFFC000  }
0x90: {  	_ =	swait.ge [sflag:s9], $0x100  }
0x91: {  	[sflag:s9] =	ssyncset.done $0x0  }
0x92: {  	[sflag:s9] =	ssyncadd.s32 $0xFFFFFF00  }
0x93: {  	[tilespmem:s29], [sflag:$0x5] =	stream.indirect.gather [hbm4b:s1+s28], $0x80, s6, s28, $0xb8;
	[tilespmem:$0x1C400] =	vst v63  }
0x94: {  	_ = 	snop  }
0x95: {  	[spmem:s3] =	stream.indirect.scatter.add.f32 [tilespmem:s30], [sflag:$0x7], $0x80, s10, s28, $0xb8;
	[tilespmem:$0x1C400] =	vst v63  }
0x96: {  	_ =	swait.ge [sflag:s31], $0x4000  }
0x97: {  	[sflag:s31] =	ssyncset.done $0x0  }
0x98: {  	s17 =	sadd.s32 $0x0, s22;
	[sflag:s31] =	ssyncadd.s32 $0xFFFFC000  }
0x99: {  	[tilespmem:s11], [sflag:$0x4] =	stream.linear.gather [hbm4b:s17+s4], $0x100, $0x38;
	[tilespmem:$0x1C400] =	vst v63  }
0x9a: {  	_ =	swait.ge [sflag:s0], $0x4000  }
0x9b: {  	[sflag:s0] =	ssyncset.done $0x0  }
0x9c: {  	[sflag:s0] =	ssyncadd.s32 $0xFFFFC000  }
0x9d: {  	_ =	swait.ge [sflag:s12], $0x100  }
0x9e: {  	[sflag:s12] =	ssyncset.done $0x0  }
0x9f: {  	[sflag:s12] =	ssyncadd.s32 $0xFFFFFF00  }
0xa0: {  	[tilespmem:s30], [sflag:$0x6] =	stream.indirect.gather [hbm4b:s1+s28], $0x80, s11, s28, $0xb8;
	[tilespmem:$0x1C400] =	vst v63  }
0xa1: {  	_ = 	snop  }
0xa2: {  	[spmem:s3] =	stream.indirect.scatter.add.f32 [tilespmem:s29], [sflag:$0x7], $0x80, s13, s28, $0xb8;
	[tilespmem:$0x1C400] =	vst v63  }
0xa3: {  	_ =	swait.ge [sflag:s31], $0x4000  }
0xa4: {  	[sflag:s31] =	ssyncset.done $0x0  }
0xa5: {  	s18 =	sadd.s32 $0x0, s21;
	[sflag:s31] =	ssyncadd.s32 $0xFFFFC000  }
0xa6: {  	[tilespmem:s4], [sflag:$0x1] =	stream.linear.gather [hbm4b:s18+s4], $0x100, $0x38;
	[tilespmem:$0x1C400] =	vst v63  }
0xa7: {  	_ =	swait.ge [sflag:s8], $0x4000  }
0xa8: {  	[sflag:s8] =	ssyncset.done $0x0  }
0xa9: {  	[sflag:s8] =	ssyncadd.s32 $0xFFFFC000  }
0xaa: {  	_ =	swait.ge [sflag:s26], $0x100  }
0xab: {  	[sflag:s26] =	ssyncset.done $0x0  }
0xac: {  	[sflag:s26] =	ssyncadd.s32 $0xFFFFFF00  }
0xad: {  	[tilespmem:s29], [sflag:$0x5] =	stream.indirect.gather [hbm4b:s1+s28], $0x80, s4, s28, $0xb8;
	[tilespmem:$0x1C400] =	vst v63  }
0xae: {  	_ = 	snop  }
0xaf: {  	[spmem:s3] =	stream.indirect.scatter.add.f32 [tilespmem:s30], [sflag:$0x7], $0x80, s14, s28, $0xb8;
	[tilespmem:$0x1C400] =	vst v63  }
0xb0: {  	_ =	swait.ge [sflag:s31], $0x4000  }
0xb1: {  	[sflag:s31] =	ssyncset.done $0x0  }
0xb2: {  	s16 =	simm.s32 $0x80;
	s17 =	sadd.s32 $0x0, s20;
	[sflag:s31] =	ssyncadd.s32 $0xFFFFC000  }
.LBB2_4:
0xb3: {  	[tilespmem:s24], [sflag:$0x2] =	stream.linear.gather [hbm4b:s17+s4], $0x100, $0x38;
	[tilespmem:$0x1C400] =	vst v63  }
0xb4: {  	s17 =	smov.u32 s16  }
0xb5: {  	p0 =	sne.s32 s16, $0x880;
	s16 =	sadd.s32 $0x80, s16;
	_ =	swait.ge [sflag:s0], $0x4000  }
0xb6: {  	[sflag:s0] =	ssyncset.done $0x0  }
0xb7: {  	[sflag:s0] =	ssyncadd.s32 $0xFFFFC000  }
0xb8: {  	_ =	swait.ge [sflag:s2], $0x100  }
0xb9: {  	[sflag:s2] =	ssyncset.done $0x0  }
0xba: {  	[sflag:s2] =	ssyncadd.s32 $0xFFFFFF00  }
0xbb: {  	[tilespmem:s30], [sflag:$0x6] =	stream.indirect.gather [hbm4b:s1+s28], $0x80, s24, s28, $0xb8;
	[tilespmem:$0x1C400] =	vst v63  }
0xbc: {  	_ = 	snop  }
0xbd: {  	[spmem:s3] =	stream.indirect.scatter.add.f32 [tilespmem:s29], [sflag:$0x7], $0x80, s28, s28, $0xb8;
	[tilespmem:$0x1C400] =	vst v63  }
0xbe: {  	_ =	swait.ge [sflag:s31], $0x4000  }
0xbf: {  	[sflag:s31] =	ssyncset.done $0x0  }
0xc0: {  	s18 =	sadd.s32 s17, s23;
	[sflag:s31] =	ssyncadd.s32 $0xFFFFC000  }
0xc1: {  	[tilespmem:s6], [sflag:$0x3] =	stream.linear.gather [hbm4b:s18+s4], $0x100, $0x38;
	[tilespmem:$0x1C400] =	vst v63  }
0xc2: {  	_ =	swait.ge [sflag:s8], $0x4000  }
0xc3: {  	[sflag:s8] =	ssyncset.done $0x0  }
0xc4: {  	[sflag:s8] =	ssyncadd.s32 $0xFFFFC000  }
0xc5: {  	_ =	swait.ge [sflag:s9], $0x100  }
0xc6: {  	[sflag:s9] =	ssyncset.done $0x0  }
0xc7: {  	[sflag:s9] =	ssyncadd.s32 $0xFFFFFF00  }
0xc8: {  	[tilespmem:s29], [sflag:$0x5] =	stream.indirect.gather [hbm4b:s1+s28], $0x80, s6, s28, $0xb8;
	[tilespmem:$0x1C400] =	vst v63  }
0xc9: {  	_ = 	snop  }
0xca: {  	[spmem:s3] =	stream.indirect.scatter.add.f32 [tilespmem:s30], [sflag:$0x7], $0x80, s10, s28, $0xb8;
	[tilespmem:$0x1C400] =	vst v63  }
0xcb: {  	_ =	swait.ge [sflag:s31], $0x4000  }
0xcc: {  	[sflag:s31] =	ssyncset.done $0x0  }
0xcd: {  	s18 =	sadd.s32 s17, s22;
	[sflag:s31] =	ssyncadd.s32 $0xFFFFC000  }
0xce: {  	[tilespmem:s11], [sflag:$0x4] =	stream.linear.gather [hbm4b:s18+s4], $0x100, $0x38;
	[tilespmem:$0x1C400] =	vst v63  }
0xcf: {  	_ =	swait.ge [sflag:s0], $0x4000  }
0xd0: {  	[sflag:s0] =	ssyncset.done $0x0  }
0xd1: {  	[sflag:s0] =	ssyncadd.s32 $0xFFFFC000  }
0xd2: {  	_ =	swait.ge [sflag:s12], $0x100  }
0xd3: {  	[sflag:s12] =	ssyncset.done $0x0  }
0xd4: {  	[sflag:s12] =	ssyncadd.s32 $0xFFFFFF00  }
0xd5: {  	[tilespmem:s30], [sflag:$0x6] =	stream.indirect.gather [hbm4b:s1+s28], $0x80, s11, s28, $0xb8;
	[tilespmem:$0x1C400] =	vst v63  }
0xd6: {  	_ = 	snop  }
0xd7: {  	[spmem:s3] =	stream.indirect.scatter.add.f32 [tilespmem:s29], [sflag:$0x7], $0x80, s13, s28, $0xb8;
	[tilespmem:$0x1C400] =	vst v63  }
0xd8: {  	_ =	swait.ge [sflag:s31], $0x4000  }
0xd9: {  	[sflag:s31] =	ssyncset.done $0x0  }
0xda: {  	s18 =	sadd.s32 s17, s21;
	[sflag:s31] =	ssyncadd.s32 $0xFFFFC000  }
0xdb: {  	[tilespmem:s4], [sflag:$0x1] =	stream.linear.gather [hbm4b:s18+s4], $0x100, $0x38;
	[tilespmem:$0x1C400] =	vst v63  }
0xdc: {  	_ =	swait.ge [sflag:s8], $0x4000  }
0xdd: {  	[sflag:s8] =	ssyncset.done $0x0  }
0xde: {  	[sflag:s8] =	ssyncadd.s32 $0xFFFFC000  }
0xdf: {  	_ =	swait.ge [sflag:s26], $0x100  }
0xe0: {  	[sflag:s26] =	ssyncset.done $0x0  }
0xe1: {  	[sflag:s26] =	ssyncadd.s32 $0xFFFFFF00  }
0xe2: {  	[tilespmem:s29], [sflag:$0x5] =	stream.indirect.gather [hbm4b:s1+s28], $0x80, s4, s28, $0xb8;
	[tilespmem:$0x1C400] =	vst v63  }
.Ltmp1:
0xe3: {  	(pc) =	sbr.rel @p0 .LBB2_4-.Ltmp1, $4  }
0xe4: {  	[spmem:s3] =	stream.indirect.scatter.add.f32 [tilespmem:s30], [sflag:$0x7], $0x80, s14, s28, $0xb8;
	[tilespmem:$0x1C400] =	vst v63  }
0xe5: {  	_ =	swait.ge [sflag:s31], $0x4000  }
0xe6: {  	[sflag:s31] =	ssyncset.done $0x0  }
0xe7: {  	s17 =	sadd.s32 s17, s20;
	[sflag:s31] =	ssyncadd.s32 $0xFFFFC000  }
0xe8: {  	[tilespmem:s24], [sflag:$0x2] =	stream.linear.gather [hbm4b:s17+s4], $0x100, $0x38;
	[tilespmem:$0x1C400] =	vst v63  }
0xe9: {  	_ =	swait.ge [sflag:s0], $0x4000  }
0xea: {  	[sflag:s0] =	ssyncset.done $0x0  }
0xeb: {  	[sflag:s0] =	ssyncadd.s32 $0xFFFFC000  }
0xec: {  	_ =	swait.ge [sflag:s2], $0x100  }
0xed: {  	[sflag:s2] =	ssyncset.done $0x0  }
0xee: {  	[sflag:s2] =	ssyncadd.s32 $0xFFFFFF00  }
0xef: {  	[tilespmem:s30], [sflag:$0x6] =	stream.indirect.gather [hbm4b:s1+s28], $0x80, s24, s28, $0xb8;
	[tilespmem:$0x1C400] =	vst v63  }
0xf0: {  	_ = 	snop  }
0xf1: {  	[spmem:s3] =	stream.indirect.scatter.add.f32 [tilespmem:s29], [sflag:$0x7], $0x80, s28, s28, $0xb8;
	[tilespmem:$0x1C400] =	vst v63  }
0xf2: {  	_ =	swait.ge [sflag:s31], $0x4000  }
0xf3: {  	[sflag:s31] =	ssyncset.done $0x0  }
0xf4: {  	s16 =	rddreg [dreg:$0x9];
	[sflag:s31] =	ssyncadd.s32 $0xFFFFC000  }
0xf5: {  	[tilespmem:s6], [sflag:$0x3] =	stream.linear.gather [hbm4b:s16+s4], $0x100, $0x38;
	[tilespmem:$0x1C400] =	vst v63  }
0xf6: {  	_ =	swait.ge [sflag:s8], $0x4000  }
0xf7: {  	[sflag:s8] =	ssyncset.done $0x0  }
0xf8: {  	[sflag:s8] =	ssyncadd.s32 $0xFFFFC000  }
0xf9: {  	_ =	swait.ge [sflag:s9], $0x100  }
0xfa: {  	[sflag:s9] =	ssyncset.done $0x0  }
0xfb: {  	[sflag:s9] =	ssyncadd.s32 $0xFFFFFF00  }
0xfc: {  	[tilespmem:s29], [sflag:$0x5] =	stream.indirect.gather [hbm4b:s1+s28], $0x80, s6, s28, $0xb8;
	[tilespmem:$0x1C400] =	vst v63  }
0xfd: {  	_ = 	snop  }
0xfe: {  	[spmem:s3] =	stream.indirect.scatter.add.f32 [tilespmem:s30], [sflag:$0x7], $0x80, s10, s28, $0xb8;
	[tilespmem:$0x1C400] =	vst v63  }
0xff: {  	_ =	swait.ge [sflag:s31], $0x4000  }
0x100: {  	[sflag:s31] =	ssyncset.done $0x0  }
0x101: {  	s18 =	rddreg [dreg:$0xa];
	[sflag:s31] =	ssyncadd.s32 $0xFFFFC000  }
0x102: {  	[tilespmem:s11], [sflag:$0x4] =	stream.linear.gather [hbm4b:s18+s4], $0x100, $0x38;
	[tilespmem:$0x1C400] =	vst v63  }
0x103: {  	_ =	swait.ge [sflag:s0], $0x4000  }
0x104: {  	[sflag:s0] =	ssyncset.done $0x0  }
0x105: {  	[sflag:s0] =	ssyncadd.s32 $0xFFFFC000  }
0x106: {  	_ =	swait.ge [sflag:s12], $0x100  }
0x107: {  	[sflag:s12] =	ssyncset.done $0x0  }
0x108: {  	[sflag:s12] =	ssyncadd.s32 $0xFFFFFF00  }
0x109: {  	[tilespmem:s30], [sflag:$0x6] =	stream.indirect.gather [hbm4b:s1+s28], $0x80, s11, s28, $0xb8;
	[tilespmem:$0x1C400] =	vst v63  }
0x10a: {  	_ = 	snop  }
0x10b: {  	[spmem:s3] =	stream.indirect.scatter.add.f32 [tilespmem:s29], [sflag:$0x7], $0x80, s13, s28, $0xb8;
	[tilespmem:$0x1C400] =	vst v63  }
0x10c: {  	_ =	swait.ge [sflag:s31], $0x4000  }
0x10d: {  	[sflag:s31] =	ssyncset.done $0x0  }
0x10e: {  	[sflag:s31] =	ssyncadd.s32 $0xFFFFC000  }
0x10f: {  	_ =	swait.ge [sflag:s8], $0x4000  }
0x110: {  	[sflag:s8] =	ssyncset.done $0x0  }
0x111: {  	[sflag:s8] =	ssyncadd.s32 $0xFFFFC000  }
0x112: {  	[spmem:s3] =	stream.indirect.scatter.add.f32 [tilespmem:s30], [sflag:$0x7], $0x80, s14, s28, $0xb8;
	[tilespmem:$0x1C400] =	vst v63  }
0x113: {  	_ =	swait.ge [sflag:s31], $0x4000  }
0x114: {  	[sflag:s31] =	ssyncset.done $0x0  }
0x115: {  	s17 =	stileid.u32;
	[sflag:s31] =	ssyncadd.s32 $0xFFFFC000  }
0x116: {  	s16 =	sshll.u32 s17, $0x6;
	[bflag:$0x0] =	sbarrier.arrive $0xFFFF  }
0x117: {  	s16 =	sor.u32 $0x1C07, s16;
	s18 =	rddreg [dreg:$0xb]  }
0x118: {  	[hbm:s18], [sflag:s16] =	dma.local [spmem:s25], $0x2780  }
0x119: {  	_ =	swait.ge [sflag:s31], $0x2780  }
0x11a: {  	s15 =	sadd.s32 $0x1, s15;
	s18 =	rddreg [dreg:$0xc]  }
0x11b: {  	p0 =	sne.s32 s15, s18  }
.Ltmp2:
0x11c: {  	_ = 	snop;
	(pc) =	sbr.rel @p0 .LBB2_1-.Ltmp2, $3  }
0x11d: {  	_ =	sdelay $0x1  }
0x11e: {  	[sflag:s31] =	ssyncset.done $0x0  }
0x11f: {  	[sflag:s31] =	ssyncadd.s32 $0xFFFFD880  }
0x120: {  	_ =	sfence.sel $0x180000  }
0x121: {  	[bflag:$0x0] =	sbarrier.arrive $0xFFFF  }
0x122: {  	_ =	strace $0x9000004A  }
0x123: {  	s0 =	stileid.u32;
	[bflag:$0x2] =	sbarrier.arrive $0xFFFF  }
0x124: {  	p0 =	sne.s32 s0, $0x0;
	s0 =	rddreg [dreg:$0x3]  }
0x125: {  	s0 =	sadd.s32 @!p0 $0x100000, s0  }
0x126: {  	[sflag:s0] =	ssyncadd.tile.s32 @!p0 $0x1;
	_ =	shalt  }
.Lfunc_end2:
_tile_overlayer_lowered:
.L_overlay_start_2:
0x127: {  	(tag) =	ssettag $0x2  }
0x128: {  	s0 =	rddreg [dreg:$0x0];
	s2 =	stileid.u32  }
0x129: {  	s1 =	rddreg [dreg:$0x1];
	p0 =	sne.s32 s2, $0x0  }
0x12a: {  	s3 =	rddreg [dreg:$0x2];
	[bflag:$0x3] =	sbarrier.arrive $0xFFFF;
	s2 =	simm.s32 @!p0 $0x1C07  }
0x12b: {  	[timem:s3], [sflag:s2] =	dma.local @!p0 [hbm:s0], s1  }
0x12c: {  	s0 =	simm.s32 @!p0 $0x7  }
0x12d: {  	_ =	swait.ge @!p0 [sflag:s0], s1  }
0x12e: {  	s1 =	ssub.s32 @!p0 $0x0, s1;
	[sflag:s0] =	ssyncset.done @!p0 $0x0  }
0x12f: {  	[sflag:s0] =	ssyncadd.s32 @!p0 s1  }
0x130: {  	[bflag:$0x3] =	sbarrier.arrive $0xFFFF  }
0x131: {  	_ =	shalt  }

// kernel: kernel.15.cloned.1.call-start
scs
__scs_entry_jumppad:
0x0: {  	(pc) =	sbr.rel $0x88, $3  }
0x1: {  	(tag) =	ssettag $0x0;
	lr =	simm.s32 $0x1  }
0x2: {  	[smem:$0x3F98] =	sst lr;
	_ =	strace $0xD0000000  }
0x3: {  	_ = 	snop  }
0x4: {  	_ = 	snop  }
0x5: {  	_ = 	snop  }
0x6: {  	_ = 	snop  }
0x7: {  	_ = 	snop  }
__scs_overlays_trampoline_lowered:
0x8: {  	[smem:$0x3FA7] =	sst s0  }
0x9: {  	[smem:$0x3FA8] =	sst s1  }
0xa: {  	[smem:$0x3FA9] =	sst s2  }
0xb: {  	[smem:$0x3FAA] =	sst s3  }
0xc: {  	[smem:$0x3FAB] =	sst s4  }
0xd: {  	[smem:$0x3FAC] =	sst s5  }
0xe: {  	[smem:$0x3FAD] =	sst s6  }
0xf: {  	[smem:$0x3FAE] =	sst s7  }
0x10: {  	[smem:$0x3FAF] =	sst s8  }
0x11: {  	[smem:$0x3FB0] =	sst s9;
	s0 =	simm.s32 @!p0 $0x0  }
0x12: {  	s1 =	sld [smem:$0x3F96];
	s0 =	simm.s32 @p0 $0x1  }
0x13: {  	[smem:$0x3FB1] =	sst s0;
	s0 =	simm.s32 @!p1 $0x0  }
0x14: {  	s2 =	sld [smem:$0x3F95];
	s0 =	simm.s32 @p1 $0x1  }
0x15: {  	[smem:$0x3FB2] =	sst s0;
	s0 =	simm.s32 @!p2 $0x0  }
0x16: {  	s3 =	sld [smem:$0x3FDB];
	s0 =	simm.s32 @p2 $0x1  }
0x17: {  	s4 =	simm.s32 $0x1BF5;
	[smem:$0x3FB4] =	sst s0  }
0x18: {  	s0 =	sld [smem:$0x3F97];
	_ =	swait.ge [sflag:s4], $0x0  }
0x19: {  	s7 =	sld [smem:$0x3F98]  }
0x1a: {  	s8 =	sadd.s32 $0xFFFFE003, lr  }
0x1b: {  	s9 =	sadd.s32 $0xFFFFFEF7, lr;
	s5 =	simm.s32 $0xFFFFFFFF;
	p2 =	slt.u32 s8, $0xFFFFF086  }
0x1c: {  	p1 =	slt.u32 s9, $0xF7A;
	s5 =	simm.s32 @!p2 $0x0  }
0x1d: {  	s5 =	simm.s32 @p1 $0x1;
	p0 =	seq.s32 s7, s2  }
0x1e: {  	s7 =	smul.u32 @!p0 $0xF7A, s2;
	p2 =	seq.s32 @!p0 s5, $0x0  }
0x1f: {  	s9 =	smul.u32 $0xF7A, s1;
	s8 =	simm.s32 @!p0 $0x1BF5;
	p2 =	por !p2, p0  }
0x20: {  	[sflag:s8] =	ssyncset.s32 @!p0 $0xFFFFF086;
	s6 =	sadd.s32 @!p0 s3, s7;
	s7 =	simm.s32 @!p0 $0x108  }
0x21: {  	s3 =	sadd.s32 s3, s9;
	s6 =	sadd.s32 @!p0 $0x88, s6;
	s7 =	simm.s32 @p2 $0x1082  }
0x22: {  	[simem:s7], [sflag:s8] =	dma.local @!p0 [hbm:s6], $0xF7A  }
0x23: {  	s9 =	sor.u32 $0xD0000000, s2;
	s6 =	simm.s32 $0x108;
	_ =	swait.ge @!p0 [sflag:s8], $0x0  }
0x24: {  	s3 =	sadd.s32 $0x88, s3;
	s6 =	simm.s32 @!p1 $0x1082;
	[sflag:s4] =	ssyncset.s32 $0xFFFFF086  }
0x25: {  	[simem:s6], [sflag:s4] =	dma.local [hbm:s3], $0xF7A  }
0x26: {  	[smem:$0x3F98] =	sst s1;
	(tag) =	ssettag s2;
	_ =	strace s9  }
0x27: {  	s1 =	sld [smem:$0x3FA8]  }
0x28: {  	s2 =	sld [smem:$0x3FA9]  }
0x29: {  	s4 =	sld [smem:$0x3FAB]  }
0x2a: {  	p0 =	seq.s32 s5, $0x0;
	s5 =	sld [smem:$0x3FAC]  }
0x2b: {  	s6 =	sld [smem:$0x3FAD]  }
0x2c: {  	s7 =	sld [smem:$0x3FAE]  }
0x2d: {  	s3 =	simm.s32 $0x108;
	s8 =	sld [smem:$0x3FAF]  }
0x2e: {  	s3 =	simm.s32 @!p0 $0x1082;
	s9 =	sld [smem:$0x3FB0]  }
0x2f: {  	lr =	sadd.s32 s0, s3;
	s0 =	sld [smem:$0x3FA7]  }
0x30: {  	s3 =	sld [smem:$0x3FAA]  }
0x31: {  	[smem:$0x3FB3] =	sst s10  }
0x32: {  	s10 =	sld [smem:$0x3FB1];
	_ =	sdelay $0x3  }
0x33: {  	p0 =	seq.s32 s10, $0x1;
	s10 =	sld [smem:$0x3FB3];
	_ =	sdelay $0x3  }
0x34: {  	[smem:$0x3FB3] =	sst s10  }
0x35: {  	s10 =	sld [smem:$0x3FB2];
	_ =	sdelay $0x3  }
0x36: {  	p1 =	seq.s32 s10, $0x1;
	s10 =	sld [smem:$0x3FB3];
	_ =	sdelay $0x3  }
0x37: {  	[smem:$0x3FB3] =	sst s10  }
0x38: {  	s10 =	sld [smem:$0x3FB4]  }
0x39: {  	_ = 	snop;
	(pc) =	sbr.ind lr, $3  }
0x3a: {  	_ = 	snop  }
0x3b: {  	_ = 	snop  }
0x3c: {  	p2 =	seq.s32 s10, $0x1;
	s10 =	sld [smem:$0x3FB3]  }
0x3d: {  	_ =	shalt  }
0x3e: {  	_ =	shalt  }
0x3f: {  	_ =	shalt  }
0x40: {  	_ =	shalt  }
0x41: {  	_ =	shalt  }
0x42: {  	_ =	shalt  }
0x43: {  	_ =	shalt  }
0x44: {  	_ =	shalt  }
0x45: {  	_ =	shalt  }
0x46: {  	_ =	shalt  }
0x47: {  	_ =	shalt  }
0x48: {  	_ =	shalt  }
0x49: {  	_ =	shalt  }
0x4a: {  	_ =	shalt  }
0x4b: {  	_ =	shalt  }
0x4c: {  	_ =	shalt  }
0x4d: {  	_ =	shalt  }
0x4e: {  	_ =	shalt  }
0x4f: {  	_ =	shalt  }
0x50: {  	_ =	shalt  }
0x51: {  	_ =	shalt  }
0x52: {  	_ =	shalt  }
0x53: {  	_ =	shalt  }
0x54: {  	_ =	shalt  }
0x55: {  	_ =	shalt  }
0x56: {  	_ =	shalt  }
0x57: {  	_ =	shalt  }
0x58: {  	_ =	shalt  }
0x59: {  	_ =	shalt  }
0x5a: {  	_ =	shalt  }
0x5b: {  	_ =	shalt  }
0x5c: {  	_ =	shalt  }
0x5d: {  	_ =	shalt  }
0x5e: {  	_ =	shalt  }
0x5f: {  	_ =	shalt  }
0x60: {  	_ =	shalt  }
0x61: {  	_ =	shalt  }
0x62: {  	_ =	shalt  }
0x63: {  	_ =	shalt  }
0x64: {  	_ =	shalt  }
0x65: {  	_ =	shalt  }
0x66: {  	_ =	shalt  }
0x67: {  	_ =	shalt  }
0x68: {  	_ =	shalt  }
0x69: {  	_ =	shalt  }
0x6a: {  	_ =	shalt  }
0x6b: {  	_ =	shalt  }
0x6c: {  	_ =	shalt  }
0x6d: {  	_ =	shalt  }
0x6e: {  	_ =	shalt  }
0x6f: {  	_ =	shalt  }
0x70: {  	_ =	shalt  }
0x71: {  	_ =	shalt  }
0x72: {  	_ =	shalt  }
0x73: {  	_ =	shalt  }
0x74: {  	_ =	shalt  }
0x75: {  	_ =	shalt  }
0x76: {  	_ =	shalt  }
0x77: {  	_ =	shalt  }
0x78: {  	_ =	shalt  }
0x79: {  	_ =	shalt  }
0x7a: {  	_ =	shalt  }
0x7b: {  	_ =	shalt  }
0x7c: {  	_ =	shalt  }
0x7d: {  	_ =	shalt  }
0x7e: {  	_ =	shalt  }
0x7f: {  	_ =	shalt  }
0x80: {  	_ =	shalt  }
0x81: {  	_ =	shalt  }
0x82: {  	_ =	shalt  }
0x83: {  	_ =	shalt  }
0x84: {  	_ =	shalt  }
0x85: {  	_ =	shalt  }
0x86: {  	_ =	shalt  }
0x87: {  	_ =	shalt  }
.Lfunc_end0:
.L_simem_size_0:
called_computation.2_lowered:
.L_overlay_start_0:
0x88: {  	s2 =	sld [smem:$0x3FD9]  }
0x89: {  	s3 =	sld [smem:$0x3FFE];
	_ =	sdelay $0x1  }
0x8a: {  	s1 =	srdreg.scid  }
0x8b: {  	s0 =	sand.u32 $0x1, s1  }
0x8c: {  	s17 =	sshll.u32 s0, $0xA;
	s2 =	sadd.s32 s3, s2  }
0x8d: {  	s2 =	sadd.s32 s2, s17  }
0x8e: {  	[smem:$0x3FBF] =	sst s2  }
0x8f: {  	_ = 	snop  }
0x90: {  	s2 =	sld [smem:$0x3FD0];
	(tm) =	ssettm $0x1  }
0x91: {  	s18 =	sld [smem:$0x3FFB];
	_ =	sdelay $0x3  }
0x92: {  	_ =	strace s18  }
0x93: {  	s3 =	sld [smem:$0x3FFC];
	_ =	sdelay $0x3  }
0x94: {  	_ =	strace s3  }
0x95: {  	s3 =	sld [smem:$0x3FFD];
	_ =	sdelay $0x3  }
0x96: {  	_ =	strace s3  }
0x97: {  	_ =	strace $0x8FFFFFFF  }
0x98: {  	s19 =	sld [smem:$0x3FDB];
	_ =	sdelay $0x1  }
0x99: {  	s4 =	simm.s32 $_scs_section_size  }
0x9a: {  	s5 =	simm.s32 $_size__tile_overlayer_lowered;
	s6 =	simm.s32 $_tile_overlayer_lowered  }
0x9b: {  	s22 =	simm.s32 $0x1BFF;
	s21 =	sshll.u32 s6, $0x1;
	s3 =	sadd.s32 s4, s19  }
0x9c: {  	s7 =	simm.s32 $0x0;
	s20 =	sshll.u32 s5, $0x1;
	s5 =	sadd.s32 s21, s3  }
0x9d: {  	[timem:s7], [sflag:s22] =	dma.local [hbm:s5], s20  }
0x9e: {  	_ =	swait.ge [sflag:s22], s20  }
0x9f: {  	s4 =	ssub.s32 $0x0, s20;
	[sflag:s22] =	ssyncset.done $0x0  }
0xa0: {  	[sflag:s22] =	ssyncadd.s32 s4;
	_ =	sdelay $0x1  }
0xa1: {  	s23 =	simm.s32 $0x1B8B  }
0xa2: {  	_ =	swait.ge [sflag:s23], $0x1  }
0xa3: {  	[sflag:s23] =	ssyncset.done $0x0  }
0xa4: {  	s25 =	simm.s32 $0x1B8E;
	s24 =	sld [smem:$0x3FFE];
	[sflag:s23] =	ssyncadd.s32 $0xFFFFFFFF  }
0xa5: {  	s26 =	simm.s32 $execute0_lowered;
	[smem:$0x3FD2] =	sst s25  }
0xa6: {  	s5 =	sshll.u32 s26, $0x1;
	_ =	strace $0x8000004C;
	[dreg:$0x1] =	wrdreg $0xFFFFFFFF  }
0xa7: {  	s28 =	simm.s32 $_size_execute0_lowered;
	s3 =	sadd.s32 s3, s5;
	[dreg:$0x0] =	wrdreg $0x0  }
0xa8: {  	s5 =	sshll.u32 s28, $0x1;
	[dreg:$0x2] =	wrdreg s3  }
0xa9: {  	[dreg:$0x3] =	wrdreg s5  }
0xaa: {  	[dreg:$0x4] =	wrdreg $0xC0  }
0xab: {  	_ =	task [dreg:s7], $0x5FFFF  }
0xac: {  	[dreg:$0x1] =	wrdreg $0xFFFFFFFF  }
0xad: {  	[dreg:$0x0] =	wrdreg $0x60  }
0xae: {  	[dreg:$0x2] =	wrdreg s2  }
0xaf: {  	[dreg:$0x3] =	wrdreg s24  }
0xb0: {  	[dreg:$0x4] =	wrdreg $0x84000  }
0xb1: {  	[dreg:$0x5] =	wrdreg $0x9  }
0xb2: {  	_ =	task.clear_ibuf [dreg:s7], $0x6FFFF;
	_ =	strace $0x9000004C  }
0xb3: {  	s29 =	simm.s32 $0x9;
	_ =	strace $0x8000004E  }
0xb4: {  	_ =	swait.ge [sflag:s29], $0x1  }
0xb5: {  	[sflag:s29] =	ssyncadd.s32 $0xFFFFFFFF  }
0xb6: {  	_ =	strace $0x9000004E  }
0xb7: {  	_ =	sfence  }
0xb8: {  	s30 =	sld [smem:$0x0];
	_ =	sdelay $0x2  }
0xb9: {  	s31 =	sshll.u32 s1, $0xD;
	s1 =	sshrl.u32 s1, $0x2  }
0xba: {  	s3 =	sand.u32 $0x4000, s31;
	s1 =	sadd.s32 s1, s30  }
0xbb: {  	s0 =	sor.u32 s3, s0;
	s1 =	sshll.u32 s1, $0x11  }
0xbc: {  	s0 =	sor.u32 s1, s0  }
0xbd: {  	s0 =	sadd.s32 $0x8F2B, s0  }
0xbe: {  	[sflag:s0] =	ssyncadd.remote.s32 $0x1  }
0xbf: {  	_ =	sfence.sel $0xFFFF  }
0xc0: {  	[dreg:$0x0] =	wrdreg $0xFFFFFFFF;
	(pc) =	sbr.abs _section_cstart, $3  }
0xc1: {  	[dreg:$0x1] =	wrdreg $0xFFFFFFFF  }
0xc2: {  	_ =	task.clear_ibuf [dreg:s7], $0x2FFFF;
	_ =	strace $0x9FFFFFFF  }
0xc3: {  	(tm) =	ssettm $0x7FFFFFFF  }
tec
execute0_lowered:
.L_overlay_start_1:
0x0: {  	(tag) =	ssettag $0x1  }
0x1: {  	s1 =	rddreg [dreg:$0x0]  }
0x2: {  	s0 =	rddreg [dreg:$0x1]  }
0x3: {  	s3 =	rddreg [dreg:$0x2];
	s11 =	stileid.u32  }
0x4: {  	s2 =	srdreg.scid;
	s6 =	smul.u32 $0x13C00, s11  }
0x5: {  	s4 =	simm.s32 $0x0;
	s28 =	simm.s32 $0x80;
	s10 =	smul.u32 $0x50000, s11  }
0x6: {  	s29 =	simm.s32 $0x400;
	s30 =	simm.s32 $0x4400;
	s26 =	smul.u32 $0x4F000, s11  }
0x7: {  	s31 =	simm.s32 $0x7;
	s2 =	sand.u32 $0x1, s2;
	s15 =	smul.u32 $0x5000, s11  }
0x8: {  	[smem:$0x7FF] =	sst s4;
	s8 =	sadd.s32 $0x2800, s0;
	s5 =	smul.u32 $0x13C000, s2  }
0x9: {  	s7 =	sshll.u32 s2, $0x4;
	_ =	strace $0x8000004D;
	s24 =	ssub.s32 $0x2, s2  }
0xa: {  	s2 =	smul.u32 $0x50000, s2;
	s7 =	sor.u32 s11, s7;
	s9 =	sshrl.u32 s24, $0x1  }
0xb: {  	s25 =	sshrl.u32 s10, $0x2;
	s19 =	sshrl.u32 s26, $0x2;
	s10 =	simm.s32 $0x180  }
0xc: {  	s11 =	simm.s32 $0x300;
	s5 =	sadd.s32 s6, s5;
	s23 =	smul.u32 $0x5000, s7  }
0xd: {  	s9 =	ssub.s32 s24, s9;
	s7 =	sadd.s32 s25, s3;
	s2 =	sadd.s32 s15, s2  }
0xe: {  	s15 =	simm.s32 $0x0;
	s5 =	sshrl.u32 s5, $0x3;
	s20 =	smax.u32 s9, $0x1  }
0xf: {  	s21 =	sor.u32 $0x900, s2;
	s22 =	sadd.s32 $0x4000, s7;
	s24 =	sadd.s32 $0xC000, s7  }
0x10: {  	s25 =	sor.u32 $0x800, s2;
	s26 =	sor.u32 $0x700, s2;
	[dreg:$0xc] =	wrdreg s20  }
0x11: {  	s2 =	sor.u32 $0x600, s2;
	s6 =	sshrl.u32 s23, $0x3;
	[dreg:$0xd] =	wrdreg s22  }
0x12: {  	s0 =	sadd.s32 s5, s0;
	s23 =	sadd.s32 $0x8000, s7;
	[dreg:$0xf] =	wrdreg s24  }
0x13: {  	s9 =	sshrl.u32 s26, $0x3;
	s2 =	sshrl.u32 s2, $0x3;
	s24 =	simm.s32 $0x100  }
0x14: {  	s5 =	sadd.s32 s8, s6;
	s0 =	sadd.s32 $0x16800, s0;
	[dreg:$0xe] =	wrdreg s23  }
0x15: {  	s26 =	simm.s32 $0x1;
	s6 =	sadd.s32 $0x20, s5;
	[dreg:$0xb] =	wrdreg s0  }
0x16: {  	s22 =	sadd.s32 s9, s8;
	s12 =	sadd.s32 $0x40, s5;
	[dreg:$0x4] =	wrdreg s6  }
0x17: {  	s23 =	sadd.s32 s2, s8;
	s13 =	sadd.s32 $0x60, s5;
	[dreg:$0x5] =	wrdreg s12  }
0x18: {  	s2 =	simm.s32 $0x2;
	s14 =	sadd.s32 $0x80, s5;
	[dreg:$0x6] =	wrdreg s13  }
0x19: {  	s9 =	simm.s32 $0x3;
	s16 =	sadd.s32 $0xA0, s5;
	[dreg:$0x7] =	wrdreg s14  }
0x1a: {  	s17 =	sadd.s32 $0x9C0, s5;
	s18 =	sadd.s32 $0x9E0, s5;
	[dreg:$0x8] =	wrdreg s16  }
0x1b: {  	s0 =	sadd.s32 s19, s3;
	s19 =	sadd.s32 $0x10000, s7;
	[dreg:$0x9] =	wrdreg s17  }
0x1c: {  	[dreg:$0xa] =	wrdreg s18;
	s6 =	sshrl.u32 s21, $0x3;
	s12 =	simm.s32 $0x4  }
0x1d: {  	s13 =	simm.s32 $0x280;
	s14 =	simm.s32 $0x380;
	s20 =	sadd.s32 s6, s8  }
0x1e: {  	s6 =	sshrl.u32 s25, $0x3;
	s25 =	sshrl.u32 s0, $0x3;
	s0 =	simm.s32 $0x5  }
0x1f: {  	v0 =	vimm.f32 $0.0e+00;
	s21 =	sadd.s32 s6, s8;
	s6 =	simm.s32 $0x200;
	s8 =	simm.s32 $0x6  }
.LBB2_1:
0x20: {  	[tilespmem:s4], [sflag:$0x1] =	stream.linear.gather [hbm4b:s5+s4], $0x100, $0x38;
	[tilespmem:$0x1C400] =	vst v63  }
0x21: {  	s16 =	rddreg [dreg:$0x4]  }
0x22: {  	[tilespmem:s24], [sflag:$0x2] =	stream.linear.gather [hbm4b:s16+s4], $0x100, $0x38;
	[tilespmem:$0x1C400] =	vst v63  }
0x23: {  	_ =	swait.ge [sflag:s26], $0x100  }
0x24: {  	[sflag:s26] =	ssyncset.done $0x0  }
0x25: {  	s17 =	simm.s32 $0x200;
	s16 =	simm.s32 $0x0;
	[sflag:s26] =	ssyncadd.s32 $0xFFFFFF00  }
0x26: {  	[tilespmem:s29], [sflag:$0x5] =	stream.indirect.gather [hbm4b:s1+s28], $0x80, s4, s28, $0xb8;
	[tilespmem:$0x1C400] =	vst v63  }
.LBB2_2:
0x27: {  	p0 =	seq.s32 s17, $0xFE00;
	[tilespmem:s16+$0x4470] =	vst v0  }
0x28: {  	[tilespmem:s16+$0x4400] =	vst v0  }
0x29: {  	[tilespmem:s16+$0x4410] =	vst v0  }
.Ltmp0:
0x2a: {  	[tilespmem:s16+$0x4420] =	vst v0;
	(pc) =	sbr.rel @!p0 .LBB2_2-.Ltmp0, $4  }
0x2b: {  	[tilespmem:s16+$0x4430] =	vst v0  }
0x2c: {  	[tilespmem:s16+$0x4440] =	vst v0  }
0x2d: {  	[tilespmem:s16+$0x4450] =	vst v0  }
0x2e: {  	[tilespmem:s16+$0x4460] =	vst v0;
	s16 =	sshra.s32 s17, $0x2;
	s17 =	sadd.s32 $0x200, s17  }
0x2f: {  	[tilespmem:s16+$0x4470] =	vst v0  }
0x30: {  	[tilespmem:s16+$0x4400] =	vst v0  }
0x31: {  	[tilespmem:s16+$0x4410] =	vst v0  }
0x32: {  	[tilespmem:s16+$0x4420] =	vst v0  }
0x33: {  	[tilespmem:s16+$0x4430] =	vst v0  }
0x34: {  	[tilespmem:s16+$0x4440] =	vst v0  }
0x35: {  	[tilespmem:s16+$0x4450] =	vst v0  }
0x36: {  	[tilespmem:s16+$0x4460] =	vst v0  }
0x37: {  	[spmem:s7] =	stream.linear.scatter [tilespmem:s30], [sflag:$0x7], $0x4000, $0x38;
	[tilespmem:$0x1C400] =	vst v63  }
0x38: {  	_ =	swait.ge [sflag:s31], $0x4000  }
0x39: {  	[sflag:s31] =	ssyncset.done $0x0  }
0x3a: {  	s17 =	rddreg [dreg:$0xd];
	[sflag:s31] =	ssyncadd.s32 $0xFFFFC000  }
0x3b: {  	[spmem:s17] =	stream.linear.scatter [tilespmem:s30], [sflag:$0x7], $0x4000, $0x38;
	[tilespmem:$0x1C400] =	vst v63  }
0x3c: {  	_ =	swait.ge [sflag:s31], $0x4000  }
0x3d: {  	[sflag:s31] =	ssyncset.done $0x0  }
0x3e: {  	s18 =	rddreg [dreg:$0xe];
	[sflag:s31] =	ssyncadd.s32 $0xFFFFC000  }
0x3f: {  	[spmem:s18] =	stream.linear.scatter [tilespmem:s30], [sflag:$0x7], $0x4000, $0x38;
	[tilespmem:$0x1C400] =	vst v63  }
0x40: {  	_ =	swait.ge [sflag:s31], $0x4000  }
0x41: {  	[sflag:s31] =	ssyncset.done $0x0  }
0x42: {  	s17 =	rddreg [dreg:$0xf];
	[sflag:s31] =	ssyncadd.s32 $0xFFFFC000  }
0x43: {  	[spmem:s17] =	stream.linear.scatter [tilespmem:s30], [sflag:$0x7], $0x4000, $0x38;
	[tilespmem:$0x1C400] =	vst v63  }
0x44: {  	_ =	swait.ge [sflag:s31], $0x4000  }
0x45: {  	[sflag:s31] =	ssyncset.done $0x0  }
0x46: {  	[sflag:s31] =	ssyncadd.s32 $0xFFFFC000  }
0x47: {  	[spmem:s19] =	stream.linear.scatter [tilespmem:s30], [sflag:$0x7], $0x4000, $0x38;
	[tilespmem:$0x1C400] =	vst v63  }
0x48: {  	_ =	swait.ge [sflag:s31], $0x4000  }
0x49: {  	[sflag:s31] =	ssyncset.done $0x0  }
0x4a: {  	[sflag:s31] =	ssyncadd.s32 $0xFFFFC000  }
0x4b: {  	[bflag:$0x0] =	sbarrier.arrive $0xFFFF  }
0x4c: {  	_ =	swait.ge [sflag:s0], $0x4000  }
0x4d: {  	[sflag:s0] =	ssyncset.done $0x0  }
0x4e: {  	[sflag:s0] =	ssyncadd.s32 $0xFFFFC000  }
0x4f: {  	_ =	swait.ge [sflag:s2], $0x100  }
0x50: {  	[sflag:s2] =	ssyncset.done $0x0  }
0x51: {  	[sflag:s2] =	ssyncadd.s32 $0xFFFFFF00  }
0x52: {  	[tilespmem:s30], [sflag:$0x6] =	stream.indirect.gather [hbm4b:s1+s28], $0x80, s24, s28, $0xb8;
	[tilespmem:$0x1C400] =	vst v63  }
0x53: {  	_ = 	snop  }
0x54: {  	[spmem:s3] =	stream.indirect.scatter.add.f32 [tilespmem:s29], [sflag:$0x7], $0x80, s28, s28, $0xb8;
	[tilespmem:$0x1C400] =	vst v63  }
0x55: {  	_ =	swait.ge [sflag:s31], $0x4000  }
0x56: {  	[sflag:s31] =	ssyncset.done $0x0  }
0x57: {  	s16 =	simm.s32 $0x0;
	s17 =	rddreg [dreg:$0x5];
	[sflag:s31] =	ssyncadd.s32 $0xFFFFC000  }
0x58: {  	[tilespmem:s6], [sflag:$0x3] =	stream.linear.gather [hbm4b:s17+s16], $0x100, $0x38;
	[tilespmem:$0x1C400] =	vst v63  }
0x59: {  	_ =	swait.ge [sflag:s8], $0x4000  }
0x5a: {  	[sflag:s8] =	ssyncset.done $0x0  }
0x5b: {  	[sflag:s8] =	ssyncadd.s32 $0xFFFFC000  }
0x5c: {  	_ =	swait.ge [sflag:s9], $0x100  }
0x5d: {  	[sflag:s9] =	ssyncset.done $0x0  }
0x5e: {  	[sflag:s9] =	ssyncadd.s32 $0xFFFFFF00  }
0x5f: {  	[tilespmem:s29], [sflag:$0x5] =	stream.indirect.gather [hbm4b:s1+s28], $0x80, s6, s28, $0xb8;
	[tilespmem:$0x1C400] =	vst v63  }
0x60: {  	_ = 	snop  }
0x61: {  	[spmem:s3] =	stream.indirect.scatter.add.f32 [tilespmem:s30], [sflag:$0x7], $0x80, s10, s28, $0xb8;
	[tilespmem:$0x1C400] =	vst v63  }
0x62: {  	_ =	swait.ge [sflag:s31], $0x4000  }
0x63: {  	[sflag:s31] =	ssyncset.done $0x0  }
0x64: {  	s18 =	rddreg [dreg:$0x6];
	[sflag:s31] =	ssyncadd.s32 $0xFFFFC000  }
0x65: {  	[tilespmem:s11], [sflag:$0x4] =	stream.linear.gather [hbm4b:s18+s16], $0x100, $0x38;
	[tilespmem:$0x1C400] =	vst v63  }
0x66: {  	_ =	swait.ge [sflag:s0], $0x4000  }
0x67: {  	[sflag:s0] =	ssyncset.done $0x0  }
0x68: {  	[sflag:s0] =	ssyncadd.s32 $0xFFFFC000  }
0x69: {  	_ =	swait.ge [sflag:s12], $0x100  }
0x6a: {  	[sflag:s12] =	ssyncset.done $0x0  }
0x6b: {  	[sflag:s12] =	ssyncadd.s32 $0xFFFFFF00  }
0x6c: {  	[tilespmem:s30], [sflag:$0x6] =	stream.indirect.gather [hbm4b:s1+s28], $0x80, s11, s28, $0xb8;
	[tilespmem:$0x1C400] =	vst v63  }
0x6d: {  	_ = 	snop  }
0x6e: {  	[spmem:s3] =	stream.indirect.scatter.add.f32 [tilespmem:s29], [sflag:$0x7], $0x80, s13, s28, $0xb8;
	[tilespmem:$0x1C400] =	vst v63  }
0x6f: {  	_ =	swait.ge [sflag:s31], $0x4000  }
0x70: {  	[sflag:s31] =	ssyncset.done $0x0  }
0x71: {  	s18 =	rddreg [dreg:$0x7];
	[sflag:s31] =	ssyncadd.s32 $0xFFFFC000  }
0x72: {  	[tilespmem:s16], [sflag:$0x1] =	stream.linear.gather [hbm4b:s18+s16], $0x100, $0x38;
	[tilespmem:$0x1C400] =	vst v63  }
0x73: {  	_ =	swait.ge [sflag:s8], $0x4000  }
0x74: {  	[sflag:s8] =	ssyncset.done $0x0  }
0x75: {  	[sflag:s8] =	ssyncadd.s32 $0xFFFFC000  }
0x76: {  	_ =	swait.ge [sflag:s26], $0x100  }
0x77: {  	[sflag:s26] =	ssyncset.done $0x0  }
0x78: {  	[sflag:s26] =	ssyncadd.s32 $0xFFFFFF00  }
0x79: {  	[tilespmem:s29], [sflag:$0x5] =	stream.indirect.gather [hbm4b:s1+s28], $0x80, s16, s28, $0xb8;
	[tilespmem:$0x1C400] =	vst v63  }
0x7a: {  	_ = 	snop  }
0x7b: {  	[spmem:s3] =	stream.indirect.scatter.add.f32 [tilespmem:s30], [sflag:$0x7], $0x80, s14, s28, $0xb8;
	[tilespmem:$0x1C400] =	vst v63  }
0x7c: {  	_ =	swait.ge [sflag:s31], $0x4000  }
0x7d: {  	[sflag:s31] =	ssyncset.done $0x0  }
0x7e: {  	s18 =	rddreg [dreg:$0x8];
	[sflag:s31] =	ssyncadd.s32 $0xFFFFC000  }
0x7f: {  	[tilespmem:s24], [sflag:$0x2] =	stream.linear.gather [hbm4b:s18+s16], $0x100, $0x38;
	[tilespmem:$0x1C400] =	vst v63  }
0x80: {  	_ =	swait.ge [sflag:s0], $0x4000  }
0x81: {  	[sflag:s0] =	ssyncset.done $0x0  }
0x82: {  	[sflag:s0] =	ssyncadd.s32 $0xFFFFC000  }
0x83: {  	_ =	swait.ge [sflag:s2], $0x100  }
0x84: {  	[sflag:s2] =	ssyncset.done $0x0  }
0x85: {  	[sflag:s2] =	ssyncadd.s32 $0xFFFFFF00  }
0x86: {  	[tilespmem:s30], [sflag:$0x6] =	stream.indirect.gather [hbm4b:s1+s28], $0x80, s24, s28, $0xb8;
	[tilespmem:$0x1C400] =	vst v63  }
0x87: {  	_ = 	snop  }
0x88: {  	[spmem:s3] =	stream.indirect.scatter.add.f32 [tilespmem:s29], [sflag:$0x7], $0x80, s28, s28, $0xb8;
	[tilespmem:$0x1C400] =	vst v63  }
0x89: {  	_ =	swait.ge [sflag:s31], $0x4000  }
0x8a: {  	[sflag:s31] =	ssyncset.done $0x0  }
0x8b: {  	s18 =	sadd.s32 $0x0, s23;
	[sflag:s31] =	ssyncadd.s32 $0xFFFFC000  }
0x8c: {  	[tilespmem:s6], [sflag:$0x3] =	stream.linear.gather [hbm4b:s18+s4], $0x100, $0x38;
	[tilespmem:$0x1C400] =	vst v63  }
0x8d: {  	_ =	swait.ge [sflag:s8], $0x4000  }
0x8e: {  	[sflag:s8] =	ssyncset.done $0x0  }
0x8f: {  	[sflag:s8] =	ssyncadd.s32 $0xFFFFC000  }
0x90: {  	_ =	swait.ge [sflag:s9], $0x100  }
0x91: {  	[sflag:s9] =	ssyncset.done $0x0  }
0x92: {  	[sflag:s9] =	ssyncadd.s32 $0xFFFFFF00  }
0x93: {  	[tilespmem:s29], [sflag:$0x5] =	stream.indirect.gather [hbm4b:s1+s28], $0x80, s6, s28, $0xb8;
	[tilespmem:$0x1C400] =	vst v63  }
0x94: {  	_ = 	snop  }
0x95: {  	[spmem:s3] =	stream.indirect.scatter.add.f32 [tilespmem:s30], [sflag:$0x7], $0x80, s10, s28, $0xb8;
	[tilespmem:$0x1C400] =	vst v63  }
0x96: {  	_ =	swait.ge [sflag:s31], $0x4000  }
0x97: {  	[sflag:s31] =	ssyncset.done $0x0  }
0x98: {  	s17 =	sadd.s32 $0x0, s22;
	[sflag:s31] =	ssyncadd.s32 $0xFFFFC000  }
0x99: {  	[tilespmem:s11], [sflag:$0x4] =	stream.linear.gather [hbm4b:s17+s4], $0x100, $0x38;
	[tilespmem:$0x1C400] =	vst v63  }
0x9a: {  	_ =	swait.ge [sflag:s0], $0x4000  }
0x9b: {  	[sflag:s0] =	ssyncset.done $0x0  }
0x9c: {  	[sflag:s0] =	ssyncadd.s32 $0xFFFFC000  }
0x9d: {  	_ =	swait.ge [sflag:s12], $0x100  }
0x9e: {  	[sflag:s12] =	ssyncset.done $0x0  }
0x9f: {  	[sflag:s12] =	ssyncadd.s32 $0xFFFFFF00  }
0xa0: {  	[tilespmem:s30], [sflag:$0x6] =	stream.indirect.gather [hbm4b:s1+s28], $0x80, s11, s28, $0xb8;
	[tilespmem:$0x1C400] =	vst v63  }
0xa1: {  	_ = 	snop  }
0xa2: {  	[spmem:s3] =	stream.indirect.scatter.add.f32 [tilespmem:s29], [sflag:$0x7], $0x80, s13, s28, $0xb8;
	[tilespmem:$0x1C400] =	vst v63  }
0xa3: {  	_ =	swait.ge [sflag:s31], $0x4000  }
0xa4: {  	[sflag:s31] =	ssyncset.done $0x0  }
0xa5: {  	s18 =	sadd.s32 $0x0, s21;
	[sflag:s31] =	ssyncadd.s32 $0xFFFFC000  }
0xa6: {  	[tilespmem:s4], [sflag:$0x1] =	stream.linear.gather [hbm4b:s18+s4], $0x100, $0x38;
	[tilespmem:$0x1C400] =	vst v63  }
0xa7: {  	_ =	swait.ge [sflag:s8], $0x4000  }
0xa8: {  	[sflag:s8] =	ssyncset.done $0x0  }
0xa9: {  	[sflag:s8] =	ssyncadd.s32 $0xFFFFC000  }
0xaa: {  	_ =	swait.ge [sflag:s26], $0x100  }
0xab: {  	[sflag:s26] =	ssyncset.done $0x0  }
0xac: {  	[sflag:s26] =	ssyncadd.s32 $0xFFFFFF00  }
0xad: {  	[tilespmem:s29], [sflag:$0x5] =	stream.indirect.gather [hbm4b:s1+s28], $0x80, s4, s28, $0xb8;
	[tilespmem:$0x1C400] =	vst v63  }
0xae: {  	_ = 	snop  }
0xaf: {  	[spmem:s3] =	stream.indirect.scatter.add.f32 [tilespmem:s30], [sflag:$0x7], $0x80, s14, s28, $0xb8;
	[tilespmem:$0x1C400] =	vst v63  }
0xb0: {  	_ =	swait.ge [sflag:s31], $0x4000  }
0xb1: {  	[sflag:s31] =	ssyncset.done $0x0  }
0xb2: {  	s16 =	simm.s32 $0x80;
	s17 =	sadd.s32 $0x0, s20;
	[sflag:s31] =	ssyncadd.s32 $0xFFFFC000  }
.LBB2_4:
0xb3: {  	[tilespmem:s24], [sflag:$0x2] =	stream.linear.gather [hbm4b:s17+s4], $0x100, $0x38;
	[tilespmem:$0x1C400] =	vst v63  }
0xb4: {  	s17 =	smov.u32 s16  }
0xb5: {  	p0 =	sne.s32 s16, $0x880;
	s16 =	sadd.s32 $0x80, s16;
	_ =	swait.ge [sflag:s0], $0x4000  }
0xb6: {  	[sflag:s0] =	ssyncset.done $0x0  }
0xb7: {  	[sflag:s0] =	ssyncadd.s32 $0xFFFFC000  }
0xb8: {  	_ =	swait.ge [sflag:s2], $0x100  }
0xb9: {  	[sflag:s2] =	ssyncset.done $0x0  }
0xba: {  	[sflag:s2] =	ssyncadd.s32 $0xFFFFFF00  }
0xbb: {  	[tilespmem:s30], [sflag:$0x6] =	stream.indirect.gather [hbm4b:s1+s28], $0x80, s24, s28, $0xb8;
	[tilespmem:$0x1C400] =	vst v63  }
0xbc: {  	_ = 	snop  }
0xbd: {  	[spmem:s3] =	stream.indirect.scatter.add.f32 [tilespmem:s29], [sflag:$0x7], $0x80, s28, s28, $0xb8;
	[tilespmem:$0x1C400] =	vst v63  }
0xbe: {  	_ =	swait.ge [sflag:s31], $0x4000  }
0xbf: {  	[sflag:s31] =	ssyncset.done $0x0  }
0xc0: {  	s18 =	sadd.s32 s17, s23;
	[sflag:s31] =	ssyncadd.s32 $0xFFFFC000  }
0xc1: {  	[tilespmem:s6], [sflag:$0x3] =	stream.linear.gather [hbm4b:s18+s4], $0x100, $0x38;
	[tilespmem:$0x1C400] =	vst v63  }
0xc2: {  	_ =	swait.ge [sflag:s8], $0x4000  }
0xc3: {  	[sflag:s8] =	ssyncset.done $0x0  }
0xc4: {  	[sflag:s8] =	ssyncadd.s32 $0xFFFFC000  }
0xc5: {  	_ =	swait.ge [sflag:s9], $0x100  }
0xc6: {  	[sflag:s9] =	ssyncset.done $0x0  }
0xc7: {  	[sflag:s9] =	ssyncadd.s32 $0xFFFFFF00  }
0xc8: {  	[tilespmem:s29], [sflag:$0x5] =	stream.indirect.gather [hbm4b:s1+s28], $0x80, s6, s28, $0xb8;
	[tilespmem:$0x1C400] =	vst v63  }
0xc9: {  	_ = 	snop  }
0xca: {  	[spmem:s3] =	stream.indirect.scatter.add.f32 [tilespmem:s30], [sflag:$0x7], $0x80, s10, s28, $0xb8;
	[tilespmem:$0x1C400] =	vst v63  }
0xcb: {  	_ =	swait.ge [sflag:s31], $0x4000  }
0xcc: {  	[sflag:s31] =	ssyncset.done $0x0  }
0xcd: {  	s18 =	sadd.s32 s17, s22;
	[sflag:s31] =	ssyncadd.s32 $0xFFFFC000  }
0xce: {  	[tilespmem:s11], [sflag:$0x4] =	stream.linear.gather [hbm4b:s18+s4], $0x100, $0x38;
	[tilespmem:$0x1C400] =	vst v63  }
0xcf: {  	_ =	swait.ge [sflag:s0], $0x4000  }
0xd0: {  	[sflag:s0] =	ssyncset.done $0x0  }
0xd1: {  	[sflag:s0] =	ssyncadd.s32 $0xFFFFC000  }
0xd2: {  	_ =	swait.ge [sflag:s12], $0x100  }
0xd3: {  	[sflag:s12] =	ssyncset.done $0x0  }
0xd4: {  	[sflag:s12] =	ssyncadd.s32 $0xFFFFFF00  }
0xd5: {  	[tilespmem:s30], [sflag:$0x6] =	stream.indirect.gather [hbm4b:s1+s28], $0x80, s11, s28, $0xb8;
	[tilespmem:$0x1C400] =	vst v63  }
0xd6: {  	_ = 	snop  }
0xd7: {  	[spmem:s3] =	stream.indirect.scatter.add.f32 [tilespmem:s29], [sflag:$0x7], $0x80, s13, s28, $0xb8;
	[tilespmem:$0x1C400] =	vst v63  }
0xd8: {  	_ =	swait.ge [sflag:s31], $0x4000  }
0xd9: {  	[sflag:s31] =	ssyncset.done $0x0  }
0xda: {  	s18 =	sadd.s32 s17, s21;
	[sflag:s31] =	ssyncadd.s32 $0xFFFFC000  }
0xdb: {  	[tilespmem:s4], [sflag:$0x1] =	stream.linear.gather [hbm4b:s18+s4], $0x100, $0x38;
	[tilespmem:$0x1C400] =	vst v63  }
0xdc: {  	_ =	swait.ge [sflag:s8], $0x4000  }
0xdd: {  	[sflag:s8] =	ssyncset.done $0x0  }
0xde: {  	[sflag:s8] =	ssyncadd.s32 $0xFFFFC000  }
0xdf: {  	_ =	swait.ge [sflag:s26], $0x100  }
0xe0: {  	[sflag:s26] =	ssyncset.done $0x0  }
0xe1: {  	[sflag:s26] =	ssyncadd.s32 $0xFFFFFF00  }
0xe2: {  	[tilespmem:s29], [sflag:$0x5] =	stream.indirect.gather [hbm4b:s1+s28], $0x80, s4, s28, $0xb8;
	[tilespmem:$0x1C400] =	vst v63  }
.Ltmp1:
0xe3: {  	(pc) =	sbr.rel @p0 .LBB2_4-.Ltmp1, $4  }
0xe4: {  	[spmem:s3] =	stream.indirect.scatter.add.f32 [tilespmem:s30], [sflag:$0x7], $0x80, s14, s28, $0xb8;
	[tilespmem:$0x1C400] =	vst v63  }
0xe5: {  	_ =	swait.ge [sflag:s31], $0x4000  }
0xe6: {  	[sflag:s31] =	ssyncset.done $0x0  }
0xe7: {  	s17 =	sadd.s32 s17, s20;
	[sflag:s31] =	ssyncadd.s32 $0xFFFFC000  }
0xe8: {  	[tilespmem:s24], [sflag:$0x2] =	stream.linear.gather [hbm4b:s17+s4], $0x100, $0x38;
	[tilespmem:$0x1C400] =	vst v63  }
0xe9: {  	_ =	swait.ge [sflag:s0], $0x4000  }
0xea: {  	[sflag:s0] =	ssyncset.done $0x0  }
0xeb: {  	[sflag:s0] =	ssyncadd.s32 $0xFFFFC000  }
0xec: {  	_ =	swait.ge [sflag:s2], $0x100  }
0xed: {  	[sflag:s2] =	ssyncset.done $0x0  }
0xee: {  	[sflag:s2] =	ssyncadd.s32 $0xFFFFFF00  }
0xef: {  	[tilespmem:s30], [sflag:$0x6] =	stream.indirect.gather [hbm4b:s1+s28], $0x80, s24, s28, $0xb8;
	[tilespmem:$0x1C400] =	vst v63  }
0xf0: {  	_ = 	snop  }
0xf1: {  	[spmem:s3] =	stream.indirect.scatter.add.f32 [tilespmem:s29], [sflag:$0x7], $0x80, s28, s28, $0xb8;
	[tilespmem:$0x1C400] =	vst v63  }
0xf2: {  	_ =	swait.ge [sflag:s31], $0x4000  }
0xf3: {  	[sflag:s31] =	ssyncset.done $0x0  }
0xf4: {  	s16 =	rddreg [dreg:$0x9];
	[sflag:s31] =	ssyncadd.s32 $0xFFFFC000  }
0xf5: {  	[tilespmem:s6], [sflag:$0x3] =	stream.linear.gather [hbm4b:s16+s4], $0x100, $0x38;
	[tilespmem:$0x1C400] =	vst v63  }
0xf6: {  	_ =	swait.ge [sflag:s8], $0x4000  }
0xf7: {  	[sflag:s8] =	ssyncset.done $0x0  }
0xf8: {  	[sflag:s8] =	ssyncadd.s32 $0xFFFFC000  }
0xf9: {  	_ =	swait.ge [sflag:s9], $0x100  }
0xfa: {  	[sflag:s9] =	ssyncset.done $0x0  }
0xfb: {  	[sflag:s9] =	ssyncadd.s32 $0xFFFFFF00  }
0xfc: {  	[tilespmem:s29], [sflag:$0x5] =	stream.indirect.gather [hbm4b:s1+s28], $0x80, s6, s28, $0xb8;
	[tilespmem:$0x1C400] =	vst v63  }
0xfd: {  	_ = 	snop  }
0xfe: {  	[spmem:s3] =	stream.indirect.scatter.add.f32 [tilespmem:s30], [sflag:$0x7], $0x80, s10, s28, $0xb8;
	[tilespmem:$0x1C400] =	vst v63  }
0xff: {  	_ =	swait.ge [sflag:s31], $0x4000  }
0x100: {  	[sflag:s31] =	ssyncset.done $0x0  }
0x101: {  	s18 =	rddreg [dreg:$0xa];
	[sflag:s31] =	ssyncadd.s32 $0xFFFFC000  }
0x102: {  	[tilespmem:s11], [sflag:$0x4] =	stream.linear.gather [hbm4b:s18+s4], $0x100, $0x38;
	[tilespmem:$0x1C400] =	vst v63  }
0x103: {  	_ =	swait.ge [sflag:s0], $0x4000  }
0x104: {  	[sflag:s0] =	ssyncset.done $0x0  }
0x105: {  	[sflag:s0] =	ssyncadd.s32 $0xFFFFC000  }
0x106: {  	_ =	swait.ge [sflag:s12], $0x100  }
0x107: {  	[sflag:s12] =	ssyncset.done $0x0  }
0x108: {  	[sflag:s12] =	ssyncadd.s32 $0xFFFFFF00  }
0x109: {  	[tilespmem:s30], [sflag:$0x6] =	stream.indirect.gather [hbm4b:s1+s28], $0x80, s11, s28, $0xb8;
	[tilespmem:$0x1C400] =	vst v63  }
0x10a: {  	_ = 	snop  }
0x10b: {  	[spmem:s3] =	stream.indirect.scatter.add.f32 [tilespmem:s29], [sflag:$0x7], $0x80, s13, s28, $0xb8;
	[tilespmem:$0x1C400] =	vst v63  }
0x10c: {  	_ =	swait.ge [sflag:s31], $0x4000  }
0x10d: {  	[sflag:s31] =	ssyncset.done $0x0  }
0x10e: {  	[sflag:s31] =	ssyncadd.s32 $0xFFFFC000  }
0x10f: {  	_ =	swait.ge [sflag:s8], $0x4000  }
0x110: {  	[sflag:s8] =	ssyncset.done $0x0  }
0x111: {  	[sflag:s8] =	ssyncadd.s32 $0xFFFFC000  }
0x112: {  	[spmem:s3] =	stream.indirect.scatter.add.f32 [tilespmem:s30], [sflag:$0x7], $0x80, s14, s28, $0xb8;
	[tilespmem:$0x1C400] =	vst v63  }
0x113: {  	_ =	swait.ge [sflag:s31], $0x4000  }
0x114: {  	[sflag:s31] =	ssyncset.done $0x0  }
0x115: {  	s17 =	stileid.u32;
	[sflag:s31] =	ssyncadd.s32 $0xFFFFC000  }
0x116: {  	s16 =	sshll.u32 s17, $0x6;
	[bflag:$0x0] =	sbarrier.arrive $0xFFFF  }
0x117: {  	s16 =	sor.u32 $0x1C07, s16;
	s18 =	rddreg [dreg:$0xb]  }
0x118: {  	[hbm:s18], [sflag:s16] =	dma.local [spmem:s25], $0x2780  }
0x119: {  	_ =	swait.ge [sflag:s31], $0x2780  }
0x11a: {  	s15 =	sadd.s32 $0x1, s15;
	s18 =	rddreg [dreg:$0xc]  }
0x11b: {  	p0 =	sne.s32 s15, s18  }
.Ltmp2:
0x11c: {  	_ = 	snop;
	(pc) =	sbr.rel @p0 .LBB2_1-.Ltmp2, $3  }
0x11d: {  	_ =	sdelay $0x1  }
0x11e: {  	[sflag:s31] =	ssyncset.done $0x0  }
0x11f: {  	[sflag:s31] =	ssyncadd.s32 $0xFFFFD880  }
0x120: {  	_ =	sfence.sel $0x180000  }
0x121: {  	[bflag:$0x0] =	sbarrier.arrive $0xFFFF  }
0x122: {  	_ =	strace $0x9000004D  }
0x123: {  	s0 =	stileid.u32;
	[bflag:$0x2] =	sbarrier.arrive $0xFFFF  }
0x124: {  	p0 =	sne.s32 s0, $0x0;
	s0 =	rddreg [dreg:$0x3]  }
0x125: {  	s0 =	sadd.s32 @!p0 $0x100000, s0  }
0x126: {  	[sflag:s0] =	ssyncadd.tile.s32 @!p0 $0x1;
	_ =	shalt  }
.Lfunc_end2:
_tile_overlayer_lowered:
.L_overlay_start_2:
0x127: {  	(tag) =	ssettag $0x2  }
0x128: {  	s0 =	rddreg [dreg:$0x0];
	s2 =	stileid.u32  }
0x129: {  	s1 =	rddreg [dreg:$0x1];
	p0 =	sne.s32 s2, $0x0  }
0x12a: {  	s3 =	rddreg [dreg:$0x2];
	[bflag:$0x3] =	sbarrier.arrive $0xFFFF;
	s2 =	simm.s32 @!p0 $0x1C07  }
0x12b: {  	[timem:s3], [sflag:s2] =	dma.local @!p0 [hbm:s0], s1  }
0x12c: {  	s0 =	simm.s32 @!p0 $0x7  }
0x12d: {  	_ =	swait.ge @!p0 [sflag:s0], s1  }
0x12e: {  	s1 =	ssub.s32 @!p0 $0x0, s1;
	[sflag:s0] =	ssyncset.done @!p0 $0x0  }
0x12f: {  	[sflag:s0] =	ssyncadd.s32 @!p0 s1  }
0x130: {  	[bflag:$0x3] =	sbarrier.arrive $0xFFFF  }
0x131: {  	_ =	shalt  }

// kernel: kernel.9.cloned.1.call-start
scs
__scs_entry_jumppad:
0x0: {  	(pc) =	sbr.rel $0x88, $3  }
0x1: {  	(tag) =	ssettag $0x0;
	lr =	simm.s32 $0x1  }
0x2: {  	[smem:$0x3F98] =	sst lr;
	_ =	strace $0xD0000000  }
0x3: {  	_ = 	snop  }
0x4: {  	_ = 	snop  }
0x5: {  	_ = 	snop  }
0x6: {  	_ = 	snop  }
0x7: {  	_ = 	snop  }
__scs_overlays_trampoline_lowered:
0x8: {  	[smem:$0x3FA7] =	sst s0  }
0x9: {  	[smem:$0x3FA8] =	sst s1  }
0xa: {  	[smem:$0x3FA9] =	sst s2  }
0xb: {  	[smem:$0x3FAA] =	sst s3  }
0xc: {  	[smem:$0x3FAB] =	sst s4  }
0xd: {  	[smem:$0x3FAC] =	sst s5  }
0xe: {  	[smem:$0x3FAD] =	sst s6  }
0xf: {  	[smem:$0x3FAE] =	sst s7  }
0x10: {  	[smem:$0x3FAF] =	sst s8  }
0x11: {  	[smem:$0x3FB0] =	sst s9;
	s0 =	simm.s32 @!p0 $0x0  }
0x12: {  	s1 =	sld [smem:$0x3F96];
	s0 =	simm.s32 @p0 $0x1  }
0x13: {  	[smem:$0x3FB1] =	sst s0;
	s0 =	simm.s32 @!p1 $0x0  }
0x14: {  	s2 =	sld [smem:$0x3F95];
	s0 =	simm.s32 @p1 $0x1  }
0x15: {  	[smem:$0x3FB2] =	sst s0;
	s0 =	simm.s32 @!p2 $0x0  }
0x16: {  	s3 =	sld [smem:$0x3FDB];
	s0 =	simm.s32 @p2 $0x1  }
0x17: {  	s4 =	simm.s32 $0x1BF5;
	[smem:$0x3FB4] =	sst s0  }
0x18: {  	s0 =	sld [smem:$0x3F97];
	_ =	swait.ge [sflag:s4], $0x0  }
0x19: {  	s7 =	sld [smem:$0x3F98]  }
0x1a: {  	s8 =	sadd.s32 $0xFFFFE003, lr  }
0x1b: {  	s9 =	sadd.s32 $0xFFFFFEF7, lr;
	s5 =	simm.s32 $0xFFFFFFFF;
	p2 =	slt.u32 s8, $0xFFFFF086  }
0x1c: {  	p1 =	slt.u32 s9, $0xF7A;
	s5 =	simm.s32 @!p2 $0x0  }
0x1d: {  	s5 =	simm.s32 @p1 $0x1;
	p0 =	seq.s32 s7, s2  }
0x1e: {  	s7 =	smul.u32 @!p0 $0xF7A, s2;
	p2 =	seq.s32 @!p0 s5, $0x0  }
0x1f: {  	s9 =	smul.u32 $0xF7A, s1;
	s8 =	simm.s32 @!p0 $0x1BF5;
	p2 =	por !p2, p0  }
0x20: {  	[sflag:s8] =	ssyncset.s32 @!p0 $0xFFFFF086;
	s6 =	sadd.s32 @!p0 s3, s7;
	s7 =	simm.s32 @!p0 $0x108  }
0x21: {  	s3 =	sadd.s32 s3, s9;
	s6 =	sadd.s32 @!p0 $0x88, s6;
	s7 =	simm.s32 @p2 $0x1082  }
0x22: {  	[simem:s7], [sflag:s8] =	dma.local @!p0 [hbm:s6], $0xF7A  }
0x23: {  	s9 =	sor.u32 $0xD0000000, s2;
	s6 =	simm.s32 $0x108;
	_ =	swait.ge @!p0 [sflag:s8], $0x0  }
0x24: {  	s3 =	sadd.s32 $0x88, s3;
	s6 =	simm.s32 @!p1 $0x1082;
	[sflag:s4] =	ssyncset.s32 $0xFFFFF086  }
0x25: {  	[simem:s6], [sflag:s4] =	dma.local [hbm:s3], $0xF7A  }
0x26: {  	[smem:$0x3F98] =	sst s1;
	(tag) =	ssettag s2;
	_ =	strace s9  }
0x27: {  	s1 =	sld [smem:$0x3FA8]  }
0x28: {  	s2 =	sld [smem:$0x3FA9]  }
0x29: {  	s4 =	sld [smem:$0x3FAB]  }
0x2a: {  	p0 =	seq.s32 s5, $0x0;
	s5 =	sld [smem:$0x3FAC]  }
0x2b: {  	s6 =	sld [smem:$0x3FAD]  }
0x2c: {  	s7 =	sld [smem:$0x3FAE]  }
0x2d: {  	s3 =	simm.s32 $0x108;
	s8 =	sld [smem:$0x3FAF]  }
0x2e: {  	s3 =	simm.s32 @!p0 $0x1082;
	s9 =	sld [smem:$0x3FB0]  }
0x2f: {  	lr =	sadd.s32 s0, s3;
	s0 =	sld [smem:$0x3FA7]  }
0x30: {  	s3 =	sld [smem:$0x3FAA]  }
0x31: {  	[smem:$0x3FB3] =	sst s10  }
0x32: {  	s10 =	sld [smem:$0x3FB1];
	_ =	sdelay $0x3  }
0x33: {  	p0 =	seq.s32 s10, $0x1;
	s10 =	sld [smem:$0x3FB3];
	_ =	sdelay $0x3  }
0x34: {  	[smem:$0x3FB3] =	sst s10  }
0x35: {  	s10 =	sld [smem:$0x3FB2];
	_ =	sdelay $0x3  }
0x36: {  	p1 =	seq.s32 s10, $0x1;
	s10 =	sld [smem:$0x3FB3];
	_ =	sdelay $0x3  }
0x37: {  	[smem:$0x3FB3] =	sst s10  }
0x38: {  	s10 =	sld [smem:$0x3FB4]  }
0x39: {  	_ = 	snop;
	(pc) =	sbr.ind lr, $3  }
0x3a: {  	_ = 	snop  }
0x3b: {  	_ = 	snop  }
0x3c: {  	p2 =	seq.s32 s10, $0x1;
	s10 =	sld [smem:$0x3FB3]  }
0x3d: {  	_ =	shalt  }
0x3e: {  	_ =	shalt  }
0x3f: {  	_ =	shalt  }
0x40: {  	_ =	shalt  }
0x41: {  	_ =	shalt  }
0x42: {  	_ =	shalt  }
0x43: {  	_ =	shalt  }
0x44: {  	_ =	shalt  }
0x45: {  	_ =	shalt  }
0x46: {  	_ =	shalt  }
0x47: {  	_ =	shalt  }
0x48: {  	_ =	shalt  }
0x49: {  	_ =	shalt  }
0x4a: {  	_ =	shalt  }
0x4b: {  	_ =	shalt  }
0x4c: {  	_ =	shalt  }
0x4d: {  	_ =	shalt  }
0x4e: {  	_ =	shalt  }
0x4f: {  	_ =	shalt  }
0x50: {  	_ =	shalt  }
0x51: {  	_ =	shalt  }
0x52: {  	_ =	shalt  }
0x53: {  	_ =	shalt  }
0x54: {  	_ =	shalt  }
0x55: {  	_ =	shalt  }
0x56: {  	_ =	shalt  }
0x57: {  	_ =	shalt  }
0x58: {  	_ =	shalt  }
0x59: {  	_ =	shalt  }
0x5a: {  	_ =	shalt  }
0x5b: {  	_ =	shalt  }
0x5c: {  	_ =	shalt  }
0x5d: {  	_ =	shalt  }
0x5e: {  	_ =	shalt  }
0x5f: {  	_ =	shalt  }
0x60: {  	_ =	shalt  }
0x61: {  	_ =	shalt  }
0x62: {  	_ =	shalt  }
0x63: {  	_ =	shalt  }
0x64: {  	_ =	shalt  }
0x65: {  	_ =	shalt  }
0x66: {  	_ =	shalt  }
0x67: {  	_ =	shalt  }
0x68: {  	_ =	shalt  }
0x69: {  	_ =	shalt  }
0x6a: {  	_ =	shalt  }
0x6b: {  	_ =	shalt  }
0x6c: {  	_ =	shalt  }
0x6d: {  	_ =	shalt  }
0x6e: {  	_ =	shalt  }
0x6f: {  	_ =	shalt  }
0x70: {  	_ =	shalt  }
0x71: {  	_ =	shalt  }
0x72: {  	_ =	shalt  }
0x73: {  	_ =	shalt  }
0x74: {  	_ =	shalt  }
0x75: {  	_ =	shalt  }
0x76: {  	_ =	shalt  }
0x77: {  	_ =	shalt  }
0x78: {  	_ =	shalt  }
0x79: {  	_ =	shalt  }
0x7a: {  	_ =	shalt  }
0x7b: {  	_ =	shalt  }
0x7c: {  	_ =	shalt  }
0x7d: {  	_ =	shalt  }
0x7e: {  	_ =	shalt  }
0x7f: {  	_ =	shalt  }
0x80: {  	_ =	shalt  }
0x81: {  	_ =	shalt  }
0x82: {  	_ =	shalt  }
0x83: {  	_ =	shalt  }
0x84: {  	_ =	shalt  }
0x85: {  	_ =	shalt  }
0x86: {  	_ =	shalt  }
0x87: {  	_ =	shalt  }
.Lfunc_end0:
.L_simem_size_0:
called_computation_lowered:
.L_overlay_start_0:
0x88: {  	s2 =	sld [smem:$0x3FD9]  }
0x89: {  	s3 =	sld [smem:$0x3FFE];
	_ =	sdelay $0x1  }
0x8a: {  	s1 =	srdreg.scid  }
0x8b: {  	s0 =	sand.u32 $0x1, s1  }
0x8c: {  	s16 =	sshll.u32 s0, $0xA;
	s2 =	sadd.s32 s3, s2  }
0x8d: {  	s2 =	sadd.s32 s2, s16  }
0x8e: {  	[smem:$0x3FBF] =	sst s2  }
0x8f: {  	_ = 	snop  }
0x90: {  	(tm) =	ssettm $0x1  }
0x91: {  	s17 =	sld [smem:$0x3FFB];
	_ =	sdelay $0x3  }
0x92: {  	_ =	strace s17  }
0x93: {  	s2 =	sld [smem:$0x3FFC];
	_ =	sdelay $0x3  }
0x94: {  	_ =	strace s2  }
0x95: {  	s2 =	sld [smem:$0x3FFD];
	_ =	sdelay $0x3  }
0x96: {  	_ =	strace s2  }
0x97: {  	_ =	strace $0x8FFFFFFF  }
0x98: {  	s18 =	sld [smem:$0x3FDB];
	_ =	sdelay $0x1  }
0x99: {  	s19 =	simm.s32 $_scs_section_size  }
0x9a: {  	s4 =	simm.s32 $_size__tile_overlayer_lowered;
	s5 =	simm.s32 $_tile_overlayer_lowered  }
0x9b: {  	s22 =	simm.s32 $0x1BFF;
	s21 =	sshll.u32 s5, $0x1;
	s2 =	sadd.s32 s19, s18  }
0x9c: {  	s6 =	simm.s32 $0x0;
	s20 =	sshll.u32 s4, $0x1;
	s4 =	sadd.s32 s21, s2  }
0x9d: {  	[timem:s6], [sflag:s22] =	dma.local [hbm:s4], s20  }
0x9e: {  	_ =	swait.ge [sflag:s22], s20  }
0x9f: {  	s3 =	ssub.s32 $0x0, s20;
	[sflag:s22] =	ssyncset.done $0x0  }
0xa0: {  	[sflag:s22] =	ssyncadd.s32 s3;
	_ =	sdelay $0x1  }
0xa1: {  	s23 =	simm.s32 $0x1B8B  }
0xa2: {  	_ =	swait.ge [sflag:s23], $0x1  }
0xa3: {  	[sflag:s23] =	ssyncset.done $0x0  }
0xa4: {  	s25 =	simm.s32 $0x1B8E;
	s24 =	sld [smem:$0x3FFE];
	[sflag:s23] =	ssyncadd.s32 $0xFFFFFFFF  }
0xa5: {  	s26 =	simm.s32 $execute0_lowered;
	[smem:$0x3FD2] =	sst s25  }
0xa6: {  	s4 =	sshll.u32 s26, $0x1;
	_ =	strace $0x80000046;
	[dreg:$0x1] =	wrdreg $0xFFFFFFFF  }
0xa7: {  	s28 =	simm.s32 $_size_execute0_lowered;
	s2 =	sadd.s32 s2, s4;
	[dreg:$0x0] =	wrdreg $0x0  }
0xa8: {  	s4 =	sshll.u32 s28, $0x1;
	[dreg:$0x2] =	wrdreg s2  }
0xa9: {  	[dreg:$0x3] =	wrdreg s4  }
0xaa: {  	[dreg:$0x4] =	wrdreg $0xC0  }
0xab: {  	_ =	task [dreg:s6], $0x5FFFF  }
0xac: {  	[dreg:$0x1] =	wrdreg $0xFFFFFFFF  }
0xad: {  	[dreg:$0x0] =	wrdreg $0x60  }
0xae: {  	[dreg:$0x2] =	wrdreg s24  }
0xaf: {  	[dreg:$0x3] =	wrdreg $0x90000  }
0xb0: {  	[dreg:$0x4] =	wrdreg $0x9  }
0xb1: {  	_ =	task.clear_ibuf [dreg:s6], $0x5FFFF;
	_ =	strace $0x90000046  }
0xb2: {  	s29 =	simm.s32 $0x9;
	_ =	strace $0x80000048  }
0xb3: {  	_ =	swait.ge [sflag:s29], $0x1  }
0xb4: {  	[sflag:s29] =	ssyncadd.s32 $0xFFFFFFFF  }
0xb5: {  	_ =	strace $0x90000048  }
0xb6: {  	_ =	sfence  }
0xb7: {  	s30 =	sld [smem:$0x0];
	_ =	sdelay $0x2  }
0xb8: {  	s31 =	sshll.u32 s1, $0xD;
	s1 =	sshrl.u32 s1, $0x2  }
0xb9: {  	s3 =	sand.u32 $0x4000, s31;
	s1 =	sadd.s32 s1, s30  }
0xba: {  	s0 =	sor.u32 s3, s0;
	s1 =	sshll.u32 s1, $0x11  }
0xbb: {  	s0 =	sor.u32 s1, s0  }
0xbc: {  	s0 =	sadd.s32 $0x8F2B, s0  }
0xbd: {  	[sflag:s0] =	ssyncadd.remote.s32 $0x1  }
0xbe: {  	_ =	sfence.sel $0xFFFF  }
0xbf: {  	[dreg:$0x0] =	wrdreg $0xFFFFFFFF;
	(pc) =	sbr.abs _section_cstart, $3  }
0xc0: {  	[dreg:$0x1] =	wrdreg $0xFFFFFFFF  }
0xc1: {  	_ =	task.clear_ibuf [dreg:s6], $0x2FFFF;
	_ =	strace $0x9FFFFFFF  }
0xc2: {  	(tm) =	ssettm $0x7FFFFFFF  }
0xc3: {  	_ =	shalt  }
tec
execute0_lowered:
.L_overlay_start_1:
0x0: {  	(tag) =	ssettag $0x1  }
0x1: {  	s4 =	rddreg [dreg:$0x0]  }
0x2: {  	s2 =	rddreg [dreg:$0x1]  }
0x3: {  	s1 =	srdreg.scid;
	s0 =	rddreg [dreg:$0x2]  }
0x4: {  	s3 =	simm.s32 $0x0;
	s12 =	simm.s32 $0x5000;
	s5 =	sand.u32 $0x1, s1  }
0x5: {  	s13 =	simm.s32 $0x1;
	s1 =	stileid.u32;
	s7 =	smul.u32 $0x13C000, s5  }
0x6: {  	s14 =	simm.s32 $0x80;
	[smem:$0x7FF] =	sst s3;
	s8 =	smul.u32 $0x13C00, s1  }
0x7: {  	s6 =	sshll.u32 s5, $0x4;
	_ =	strace $0x80000047;
	s30 =	smul.u32 $0x50000, s1  }
0x8: {  	s5 =	ssub.s32 $0x2, s5;
	s10 =	smul.u32 $0x4F000, s1;
	s15 =	sshll.u32 s1, $0x6  }
0x9: {  	s6 =	sor.u32 s1, s6;
	s9 =	sshrl.u32 s5, $0x1;
	s15 =	sor.u32 $0x1C01, s15  }
0xa: {  	s6 =	smul.u32 $0xA00, s6;
	s7 =	sadd.s32 s8, s7;
	s8 =	sshrl.u32 s30, $0x2  }
0xb: {  	s9 =	ssub.s32 s5, s9;
	s31 =	sshrl.u32 s10, $0x2;
	s7 =	sshrl.u32 s7, $0x3  }
0xc: {  	s16 =	sadd.s32 s31, s2;
	s6 =	sadd.s32 s6, s4;
	s7 =	sadd.s32 s7, s4  }
0xd: {  	s4 =	sadd.s32 s8, s2;
	s16 =	sshrl.u32 s16, $0x3;
	s5 =	sadd.s32 $0x2800, s6  }
0xe: {  	s6 =	sadd.s32 $0x16800, s7;
	s7 =	smax.u32 s9, $0x1;
	s8 =	sadd.s32 $0x4000, s4  }
0xf: {  	v0 =	vimm.f32 $0.0e+00;
	v1 =	vimm.f32 $1.000000000e+00;
	s9 =	sadd.s32 $0x8000, s4;
	s10 =	sadd.s32 $0xC000, s4;
	s11 =	sadd.s32 $0x10000, s4  }
.LBB2_1:
0x10: {  	s17 =	simm.s32 $0x200;
	s18 =	simm.s32 $0x0  }
.LBB2_2:
0x11: {  	p0 =	sne.s32 s17, $0xFE00;
	[tilespmem:s18+$0x5000] =	vst v0;
	s18 =	smov.u32 s17;
	s17 =	sadd.s32 $0x200, s17  }
.Ltmp0:
0x12: {  	(pc) =	sbr.rel @p0 .LBB2_2-.Ltmp0, $2  }
0x13: {  	_ =	sdelay $0x2  }
0x14: {  	s18 =	sshra.s32 s18, $0x2  }
0x15: {  	[tilespmem:s18+$0x5000] =	vst v0  }
0x16: {  	[spmem:s4] =	stream.linear.scatter [tilespmem:s12], [sflag:$0x1], $0x4000, $0x38;
	[tilespmem:$0xB800] =	vst v63  }
0x17: {  	_ =	swait.ge [sflag:s13], $0x4000  }
0x18: {  	[sflag:s13] =	ssyncset.done $0x0  }
0x19: {  	[sflag:s13] =	ssyncadd.s32 $0xFFFFC000  }
0x1a: {  	[spmem:s8] =	stream.linear.scatter [tilespmem:s12], [sflag:$0x1], $0x4000, $0x38;
	[tilespmem:$0xB800] =	vst v63  }
0x1b: {  	_ =	swait.ge [sflag:s13], $0x4000  }
0x1c: {  	[sflag:s13] =	ssyncset.done $0x0  }
0x1d: {  	[sflag:s13] =	ssyncadd.s32 $0xFFFFC000  }
0x1e: {  	[spmem:s9] =	stream.linear.scatter [tilespmem:s12], [sflag:$0x1], $0x4000, $0x38;
	[tilespmem:$0xB800] =	vst v63  }
0x1f: {  	_ =	swait.ge [sflag:s13], $0x4000  }
0x20: {  	[sflag:s13] =	ssyncset.done $0x0  }
0x21: {  	[sflag:s13] =	ssyncadd.s32 $0xFFFFC000  }
0x22: {  	[spmem:s10] =	stream.linear.scatter [tilespmem:s12], [sflag:$0x1], $0x4000, $0x38;
	[tilespmem:$0xB800] =	vst v63  }
0x23: {  	_ =	swait.ge [sflag:s13], $0x4000  }
0x24: {  	[sflag:s13] =	ssyncset.done $0x0  }
0x25: {  	[sflag:s13] =	ssyncadd.s32 $0xFFFFC000  }
0x26: {  	[spmem:s11] =	stream.linear.scatter [tilespmem:s12], [sflag:$0x1], $0x4000, $0x38;
	[tilespmem:$0xB800] =	vst v63  }
0x27: {  	_ =	swait.ge [sflag:s13], $0x4000  }
0x28: {  	[sflag:s13] =	ssyncset.done $0x0  }
0x29: {  	s17 =	simm.s32 $0x0;
	[sflag:s13] =	ssyncadd.s32 $0xFFFFC000  }
0x2a: {  	[tilespmem:s17], [sflag:$0x1] =	stream.linear.gather [hbm4b:s5+s17], $0x5000, $0x38;
	[tilespmem:$0xB800] =	vst v63  }
0x2b: {  	_ =	swait.ge [sflag:s13], $0x5000  }
0x2c: {  	[sflag:s13] =	ssyncset.done $0x0  }
0x2d: {  	[sflag:s13] =	ssyncadd.s32 $0xFFFFB000  }
0x2e: {  	[bflag:$0x0] =	sbarrier.arrive $0xFFFF  }
.LBB2_4:
0x2f: {  	p0 =	sne.s32 s17, $0xFE00  }
.Ltmp1:
0x30: {  	_ = 	snop;
	(pc) =	sbr.rel @p0 .LBB2_4-.Ltmp1, $3  }
0x31: {  	_ =	sdelay $0x1  }
0x32: {  	s18 =	sshra.s32 s17, $0x2  }
0x33: {  	s17 =	sadd.s32 $0x200, s17;
	[tilespmem:s18+$0x5000] =	vst v1  }
0x34: {  	s17 =	simm.s32 $0x80  }
0x35: {  	[spmem:s2] =	stream.indirect.scatter.add.f32 [tilespmem:s12], [sflag:$0x1], $0x10, s17, s14, $0xb8;
	[tilespmem:$0xB800] =	vst v63  }
0x36: {  	_ =	swait.ge [sflag:s13], $0x800  }
0x37: {  	s17 =	simm.s32 $0x600;
	[sflag:s13] =	ssyncset.done $0x0  }
.LBB2_6:
0x38: {  	s18 =	sshra.s32 s17, $0x2;
	[sflag:s13] =	ssyncadd.s32 $0xFFFFF800;
	p0 =	sne.s32 s17, $0x13E00  }
0x39: {  	[spmem:s2] =	stream.indirect.scatter.add.f32 [tilespmem:s12], [sflag:$0x1], $0x10, s18, s14, $0xb8;
	[tilespmem:$0xB800] =	vst v63  }
.Ltmp2:
0x3a: {  	_ = 	snop;
	(pc) =	sbr.rel @p0 .LBB2_6-.Ltmp2, $4  }
0x3b: {  	_ = 	snop  }
0x3c: {  	s17 =	sadd.s32 $0x400, s17  }
0x3d: {  	_ =	swait.ge [sflag:s13], $0x800  }
0x3e: {  	[sflag:s13] =	ssyncset.done $0x0  }
0x3f: {  	s3 =	sadd.s32 $0x1, s3  }
0x40: {  	[sflag:s13] =	ssyncadd.s32 $0xFFFFF800;
	p0 =	sne.s32 s3, s7  }
.Ltmp3:
0x41: {  	[bflag:$0x0] =	sbarrier.arrive $0xFFFF;
	(pc) =	sbr.rel @p0 .LBB2_1-.Ltmp3, $4  }
0x42: {  	[hbm:s6], [sflag:s15] =	dma.local [spmem:s16], $0x2780  }
0x43: {  	_ =	swait.ge [sflag:s13], $0x2780  }
0x44: {  	[sflag:s13] =	ssyncset.done $0x0  }
0x45: {  	[sflag:s13] =	ssyncadd.s32 $0xFFFFD880  }
0x46: {  	_ =	sfence.sel $0x180000  }
0x47: {  	[bflag:$0x0] =	sbarrier.arrive $0xFFFF  }
0x48: {  	p0 =	sne.s32 s1, $0x0;
	_ =	strace $0x90000047  }
0x49: {  	s0 =	sadd.s32 @!p0 $0x100000, s0;
	[bflag:$0x2] =	sbarrier.arrive $0xFFFF  }
0x4a: {  	[sflag:s0] =	ssyncadd.tile.s32 @!p0 $0x1;
	_ =	shalt  }
.Lfunc_end2:
_tile_overlayer_lowered:
.L_overlay_start_2:
0x4b: {  	(tag) =	ssettag $0x2  }
0x4c: {  	s0 =	rddreg [dreg:$0x0];
	s2 =	stileid.u32  }
0x4d: {  	s1 =	rddreg [dreg:$0x1];
	p0 =	sne.s32 s2, $0x0  }
0x4e: {  	s3 =	rddreg [dreg:$0x2];
	[bflag:$0x3] =	sbarrier.arrive $0xFFFF;
	s2 =	simm.s32 @!p0 $0x1C01  }
0x4f: {  	[timem:s3], [sflag:s2] =	dma.local @!p0 [hbm:s0], s1  }
0x50: {  	s0 =	simm.s32 @!p0 $0x1  }
0x51: {  	_ =	swait.ge @!p0 [sflag:s0], s1  }
0x52: {  	s1 =	ssub.s32 @!p0 $0x0, s1;
	[sflag:s0] =	ssyncset.done @!p0 $0x0  }
0x53: {  	[sflag:s0] =	ssyncadd.s32 @!p0 s1  }
0x54: {  	[bflag:$0x3] =	sbarrier.arrive $0xFFFF  }
0x55: {  	_ =	shalt  }

</sc_bundles>
